<compile_context>
chip_gen: v7x
topology: tpu7x:2x2x1
jax: 0.10.2.dev20260603
libtpu: 0.0.44.dev20260713+nightly
codegen_flags: <defaults>
</compile_context>

<pallas_src>
import functools

import jax
import jax.numpy as jnp
from jax import lax
from jax.experimental import pallas as pl
from jax.experimental.pallas import tpu as pltpu
from jax.experimental.pallas import tpu_sc as plsc

_NC = 2
_NS = 16
_NW = _NC * _NS
_CHUNK = 128
_BNC = float(1.0 / (1.0 + 1e-5) ** 0.5)


def _vsc_mesh():
    return plsc.VectorSubcoreMesh(
        core_axis_name="c", subcore_axis_name="s",
        num_cores=_NC, num_subcores=_NS)


def _copy_chunks(src2d, dst, w, base, extra, n_chunks):
    pltpu.sync_copy(src2d.at[pl.ds(w * base, base)], dst.at[pl.ds(0, base)])
    if extra:
        @pl.when(w < extra)
        def _():
            pltpu.sync_copy(src2d.at[n_chunks - extra + w], dst.at[base])


def _sc_degree(ei3, n_pad, base, extra):
    n_chunks = ei3.shape[1]
    rows_pt = n_pad // _NS

    @functools.partial(
        pl.kernel,
        out_type=jax.ShapeDtypeStruct((_NC, n_pad, 16), jnp.float32),
        mesh=_vsc_mesh(),
        compiler_params=pltpu.CompilerParams(use_tc_tiling_on_sc=False),
        scratch_types=[
            pltpu.VMEM((base + 1, _CHUNK), jnp.int32),
            pltpu.VMEM((_CHUNK, 16), jnp.float32),
            pltpu.VMEM((_CHUNK, 16), jnp.float32),
            pltpu.VMEM_SHARED((n_pad, 16), jnp.float32),
        ],
    )
    def deg_kernel(ei_h, out_h, cidx, ones_v, stage_v, acc):
        c = lax.axis_index("c")
        s = lax.axis_index("s")
        w = s * _NC + c
        one16 = jnp.full((16,), 1.0, jnp.float32)
        zero16 = jnp.zeros((16,), jnp.float32)

        def fill(r, carry):
            ones_v[r, :] = one16
            stage_v[r, :] = zero16
            return carry
        lax.fori_loop(0, _CHUNK, fill, 0)

        base_row = s * rows_pt
        for i in range(rows_pt // _CHUNK):
            pltpu.sync_copy(stage_v, acc.at[pl.ds(base_row + i * _CHUNK, _CHUNK)])
        plsc.subcore_barrier()

        _copy_chunks(ei_h.at[1], cidx, w, base, extra, n_chunks)
        my_k = base + jnp.where(w < extra, 1, 0) if extra else base

        def body(j, carry):
            pltpu.sync_copy(ones_v, acc.at[cidx.at[j]], add=True)
            return carry
        lax.fori_loop(0, my_k, body, 0)
        plsc.subcore_barrier()

        for i in range(rows_pt // _CHUNK):
            sl = pl.ds(base_row + i * _CHUNK, _CHUNK)
            pltpu.sync_copy(acc.at[sl], stage_v)
            pltpu.sync_copy(stage_v, out_h.at[c, sl])

    return deg_kernel(ei3)


def _sc_aggregate(table, ei3, n_pad, base, extra):
    n_chunks = ei3.shape[1]
    Hk = table.shape[1]
    rows_pt = n_pad // _NS
    pairs = base // 2

    @functools.partial(
        pl.kernel,
        out_type=jax.ShapeDtypeStruct((_NC, n_pad, Hk), jnp.float32),
        mesh=_vsc_mesh(),
        compiler_params=pltpu.CompilerParams(use_tc_tiling_on_sc=False),
        scratch_types=[
            pltpu.VMEM((base + 1, _CHUNK), jnp.int32),
            pltpu.VMEM((base + 1, _CHUNK), jnp.int32),
            pltpu.VMEM((_CHUNK, Hk), jnp.float32),
            pltpu.VMEM((_CHUNK, Hk), jnp.float32),
            pltpu.VMEM_SHARED((n_pad, Hk), jnp.float32),
            pltpu.VMEM_SHARED((n_pad, Hk), jnp.float32),
            pltpu.SemaphoreType.DMA,
            pltpu.SemaphoreType.DMA,
        ],
    )
    def agg_kernel(table_h, ei_h, out_h, ridx, cidx, gbuf, gb1, tab,
                   acc, sem0, sem1):
        c = lax.axis_index("c")
        s = lax.axis_index("s")
        w = s * _NC + c
        zero16 = jnp.zeros((16,), jnp.float32)

        def fill(r, carry):
            for jj in range(Hk // 16):
                gbuf[r, pl.ds(jj * 16, 16)] = zero16
            return carry
        lax.fori_loop(0, _CHUNK, fill, 0)

        base_row = s * rows_pt
        sl_mine = pl.ds(base_row, rows_pt)
        for i in range(rows_pt // _CHUNK):
            pltpu.sync_copy(gbuf, acc.at[pl.ds(base_row + i * _CHUNK, _CHUNK)])
        pltpu.sync_copy(table_h.at[sl_mine], tab.at[sl_mine])
        plsc.subcore_barrier()

        _copy_chunks(ei_h.at[0], ridx, w, base, extra, n_chunks)
        _copy_chunks(ei_h.at[1], cidx, w, base, extra, n_chunks)

        pltpu.async_copy(tab.at[ridx.at[0]], gbuf, sem0)

        def body(j2, carry):
            j = 2 * j2
            pltpu.async_copy(tab.at[ridx.at[j + 1]], gb1, sem1)
            pltpu.make_async_copy(tab.at[ridx.at[j]], gbuf, sem0).wait()
            pltpu.sync_copy(gbuf, acc.at[cidx.at[j]], add=True)

            @pl.when(j + 2 < 2 * pairs)
            def _():
                pltpu.async_copy(tab.at[ridx.at[j + 2]], gbuf, sem0)
            pltpu.make_async_copy(tab.at[ridx.at[j + 1]], gb1, sem1).wait()
            pltpu.sync_copy(gb1, acc.at[cidx.at[j + 1]], add=True)
            return carry
        lax.fori_loop(0, pairs, body, 0)

        tail = list(range(2 * pairs, base)) + ([base] if extra else [])
        for j in tail:
            cond = (w >= 0) if j < base else (w < extra)

            @pl.when(cond)
            def _(j=j):
                pltpu.sync_copy(tab.at[ridx.at[j]], gbuf)
                pltpu.sync_copy(gbuf, acc.at[cidx.at[j]], add=True)
        plsc.subcore_barrier()

        for i in range(rows_pt // _CHUNK):
            sl = pl.ds(base_row + i * _CHUNK, _CHUNK)
            pltpu.sync_copy(acc.at[sl], gbuf)
            pltpu.sync_copy(gbuf, out_h.at[c, sl])

    return agg_kernel(table, ei3)


def _tc_matmul(x, W, br):
    n, d = x.shape
    h = W.shape[1]

    def body(xr, wr, orf):
        orf[...] = jnp.dot(xr[...], wr[...], preferred_element_type=jnp.float32)

    return pl.pallas_call(
        body,
        grid=(n // br,),
        in_specs=[pl.BlockSpec((br, d), lambda i: (i, 0)),
                  pl.BlockSpec((d, h), lambda i: (0, 0))],
        out_specs=pl.BlockSpec((br, h), lambda i: (i, 0)),
        out_shape=jax.ShapeDtypeStruct((n, h), jnp.float32),
    )(x, W)


def _tc_scale(deg2, h1, br, n_pad):
    n, h = h1.shape

    def body(dr, hr, hs_ref, dv_ref):
        d = dr[...]
        deg = d[0, :, 0:1] + d[1, :, 0:1] + 1.0
        dinv = lax.rsqrt(deg)
        hs_ref[...] = dinv * hr[...]
        dv_ref[...] = jnp.broadcast_to(dinv, (br, 8))

    return pl.pallas_call(
        body,
        grid=(n // br,),
        in_specs=[pl.BlockSpec((2, br, 16), lambda i: (0, i, 0)),
                  pl.BlockSpec((br, h), lambda i: (i, 0))],
        out_specs=[pl.BlockSpec((br, h), lambda i: (i, 0)),
                   pl.BlockSpec((br, 8), lambda i: (i, 0))],
        out_shape=[jax.ShapeDtypeStruct((n_pad, h), jnp.float32),
                   jax.ShapeDtypeStruct((n, 8), jnp.float32)],
    )(deg2, h1)


def _tc_fuse(agg, hs, dinv8, b, g, be, W, br, rescale, out_bias=None,
             out_rows=None):
    n = dinv8.shape[0]
    h = hs.shape[1]
    h_out = W.shape[1]
    if out_rows is None:
        out_rows = n
    has_ob = out_bias is not None

    def body(*refs):
        if has_ob:
            ar, hr, dvr, br_, gr, ber, wr, obr, orf = refs
        else:
            ar, hr, dvr, br_, gr, ber, wr, orf = refs
        a = ar[...]
        dv = dvr[...][:, 0:1]
        t = dv * (a[0] + a[1] + hr[...]) + br_[...]
        t = jnp.maximum((_BNC * gr[...]) * t + ber[...], 0.0)
        o = jnp.dot(t, wr[...], preferred_element_type=jnp.float32)
        if has_ob:
            o = o + obr[...]
        if rescale:
            o = dv * o
        orf[...] = o

    in_specs = [pl.BlockSpec((2, br, h), lambda i: (0, i, 0)),
                pl.BlockSpec((br, h), lambda i: (i, 0)),
                pl.BlockSpec((br, 8), lambda i: (i, 0)),
                pl.BlockSpec((h,), lambda i: (0,)),
                pl.BlockSpec((h,), lambda i: (0,)),
                pl.BlockSpec((h,), lambda i: (0,)),
                pl.BlockSpec((h, h_out), lambda i: (0, 0))]
    args = [agg, hs, dinv8, b, g, be, W]
    if has_ob:
        in_specs.append(pl.BlockSpec((h_out,), lambda i: (0,)))
        args.append(out_bias)
    return pl.pallas_call(
        body,
        grid=(n // br,),
        in_specs=in_specs,
        out_specs=pl.BlockSpec((br, h_out), lambda i: (i, 0)),
        out_shape=jax.ShapeDtypeStruct((out_rows, h_out), jnp.float32),
    )(*args)


def kernel(x, edge_index, W1, b1, g1, be1, W2, b2, g2, be2, Wl, bl):
    n, d = x.shape
    e = edge_index.shape[1]
    out_w = Wl.shape[1]

    if e % _CHUNK:
        pad = _CHUNK - e % _CHUNK
        edge_index = jnp.concatenate(
            [edge_index,
             jnp.concatenate([jnp.zeros((1, pad), jnp.int32),
                              jnp.full((1, pad), n, jnp.int32)])], axis=1)
    n_chunks = edge_index.shape[1] // _CHUNK
    ei3 = edge_index.reshape(2, n_chunks, _CHUNK)
    cbase = n_chunks // _NW
    cextra = n_chunks % _NW
    n_pad = -(-(n + 1) // (_NS * _CHUNK)) * (_NS * _CHUNK)

    br = 1000 if n % 1000 == 0 else 8 * (n // 8)

    deg2 = _sc_degree(ei3, n_pad, cbase, cextra)
    h1 = _tc_matmul(x, W1, br)
    hs1, dinv8 = _tc_scale(deg2, h1, br, n_pad)

    agg1 = _sc_aggregate(hs1, ei3, n_pad, cbase, cextra)
    hs2 = _tc_fuse(agg1, hs1, dinv8, b1, g1, be1, W2, br, rescale=True,
                   out_rows=n_pad)

    agg2 = _sc_aggregate(hs2, ei3, n_pad, cbase, cextra)
    wl_pad = jnp.zeros((Wl.shape[0], 128), jnp.float32).at[:, :out_w].set(Wl)
    bl_pad = jnp.zeros((128,), jnp.float32).at[:out_w].set(bl)
    out = _tc_fuse(agg2, hs2, dinv8, b2, g2, be2, wl_pad, br, rescale=False,
                   out_bias=bl_pad)
    return out[:, :out_w]

# --- scband reference (transcript-rebuilt; emitter-appended) ---
"""Pipeline reference for scband-gcn-83356725280823 (READ-ONLY COPY).

The authoritative reference and input builder live on the scoring server;
editing this copy changes nothing except your own understanding.
"""

import jax, jax.numpy as jnp
import numpy as np

N = 10000
E = 320000
D = 128
H = 64
H2 = 32
OUT = 2

def setup_inputs(seed: int = 0) -> dict:
    key = jax.random.key(seed)
    ks = jax.random.split(key, 12)
    x = jax.random.normal(ks[0], (N, D), dtype=jnp.float32)
    edge_index = jax.random.randint(ks[1], (2, E), 0, N, dtype=jnp.int32)
    W1 = jax.random.normal(ks[2], (D, H), dtype=jnp.float32) * (1.0 / np.sqrt(D))
    b1 = jnp.zeros((H,), dtype=jnp.float32)
    g1 = jnp.ones((H,), dtype=jnp.float32)
    be1 = jnp.zeros((H,), dtype=jnp.float32)
    W2 = jax.random.normal(ks[3], (H, H2), dtype=jnp.float32) * (1.0 / np.sqrt(H))
    b2 = jnp.zeros((H2,), dtype=jnp.float32)
    g2 = jnp.ones((H2,), dtype=jnp.float32)
    be2 = jnp.zeros((H2,), dtype=jnp.float32)
    Wl = jax.random.normal(ks[4], (H2, OUT), dtype=jnp.float32) * (1.0 / np.sqrt(H2))
    bl = jnp.zeros((OUT,), dtype=jnp.float32)
    return {"x": x, "edge_index": edge_index, "W1": W1, "b1": b1, "g1": g1, "be1": be1,
            "W2": W2, "b2": b2, "g2": g2, "be2": be2, "Wl": Wl, "bl": bl}


def _gcn_conv(x, edge_index, W, b):
    # Faithful PyG GCNConv: linear transform, add self loops, symmetric normalization,
    # scatter-add aggregation src->dst, then bias.
    n = x.shape[0]
    row = edge_index[0]
    col = edge_index[1]
    loop = jnp.arange(n, dtype=row.dtype)
    row = jnp.concatenate([row, loop])
    col = jnp.concatenate([col, loop])
    deg = jnp.zeros((n,), dtype=x.dtype).at[col].add(1.0)
    dinv = jnp.where(deg > 0, jax.lax.rsqrt(deg), 0.0)
    norm = dinv[row] * dinv[col]
    h = x @ W
    out = jnp.zeros((n, W.shape[1]), dtype=x.dtype).at[col].add(norm[:, None] * h[row])
    return out + b


def _bn_eval(x, g, b, eps=1e-5):
    # BatchNorm1d in eval mode with fresh running stats (mean=0, var=1).
    return g * (x / jnp.sqrt(1.0 + eps)) + b


def reference(x, edge_index, W1, b1, g1, be1, W2, b2, g2, be2, Wl, bl):
    h = _gcn_conv(x, edge_index, W1, b1)
    h = jax.nn.relu(_bn_eval(h, g1, be1))
    # dropout is identity in eval mode
    h = _gcn_conv(h, edge_index, W2, b2)
    h = jax.nn.relu(_bn_eval(h, g2, be2))
    return h @ Wl + bl

if __name__ == "__main__":
    import jax
    _d = setup_inputs()
    print(jax.jit(kernel)(*tuple(_d.values())))

</pallas_src>

<mosaic_0001>
#map = affine_map<(d0, d1) -> (0, 0, 0)>
module attributes {stable_mosaic.version = 14 : i64} {
  func.func @deg_kernel(%arg0: i32, %arg1: i32, %arg2: memref<2x2500x128xi32, #tpu.memory_space<hbm>>, %arg3: memref<2x10240x16xf32, #tpu.memory_space<hbm>>, %arg4: memref<79x128xi32, #tpu.memory_space<vmem>>, %arg5: memref<128x16xf32, #tpu.memory_space<vmem>>, %arg6: memref<128x16xf32, #tpu.memory_space<vmem>>, %arg7: memref<10240x16xf32, #tpu.memory_space<vmem_shared>>) attributes {dimension_semantics = [#tpu.dimension_semantics<core_parallel>, #tpu.dimension_semantics<subcore_parallel>], iteration_bounds = array<i64: 2, 16>, scalar_prefetch = 0 : i64, scratch_operands = 4 : i64, tpu.core_type = #tpu.core_type<sc_vector_subcore>, window_params = [{transform_indices = #map}, {transform_indices = #map}]} {
    %mul3A = arith.constant 2 : i32
    %mul3A_0 = arith.muli %arg1, %mul3A : i32
    %add3A = arith.addi %mul3A_0, %arg0 : i32
    %broadcast_in_dim3A = arith.constant 1.000000e+00 : f32
    %broadcast_in_dim3A_1 = vector.broadcast %broadcast_in_dim3A : f32 to vector<16xf32>
    %broadcast_in_dim3A_2 = arith.constant 0.000000e+00 : f32
    %broadcast_in_dim3A_3 = vector.broadcast %broadcast_in_dim3A_2 : f32 to vector<16xf32>
    %scan3A = arith.constant 0 : i32
    %scan3A_4 = arith.constant 0 : i32
    %scan3A_5 = arith.constant 128 : i32
    %scan3A_6 = arith.addi %scan3A_4, %scan3A_5 : i32
    %scan3A_7 = arith.constant 1 : i32
    scf.for %scan3A_51 = %scan3A_4 to %scan3A_6 step %scan3A_7  : i32 {
      %swap3A = arith.index_cast %scan3A_51 : i32 to index
      %swap3A_52 = arith.constant 0 : index
      %swap3A_53 = tpu.vector_load %arg5[%swap3A, %swap3A_52] {strides = array<i32>} : memref<128x16xf32, #tpu.memory_space<vmem>>, vector<1x16xf32>,
      %swap3A_54 = vector.shape_cast %swap3A_53 : vector<1x16xf32> to vector<16xf32>
      %swap3A_55 = vector.shape_cast %broadcast_in_dim3A_1 : vector<16xf32> to vector<1x16xf32>
      tpu.vector_store %arg5[%swap3A, %swap3A_52], %swap3A_55 {strides = array<i32>} : memref<128x16xf32, #tpu.memory_space<vmem>>, vector<1x16xf32>,
      %swap3A_56 = arith.index_cast %scan3A_51 : i32 to index
      %swap3A_57 = arith.constant 0 : index
      %swap3A_58 = tpu.vector_load %arg6[%swap3A_56, %swap3A_57] {strides = array<i32>} : memref<128x16xf32, #tpu.memory_space<vmem>>, vector<1x16xf32>,
      %swap3A_59 = vector.shape_cast %swap3A_58 : vector<1x16xf32> to vector<16xf32>
      %swap3A_60 = vector.shape_cast %broadcast_in_dim3A_3 : vector<16xf32> to vector<1x16xf32>
      tpu.vector_store %arg6[%swap3A_56, %swap3A_57], %swap3A_60 {strides = array<i32>} : memref<128x16xf32, #tpu.memory_space<vmem>>, vector<1x16xf32>,
    }
    %scan3A_8 = arith.constant 128 : i32
    %mul3A_9 = arith.constant 640 : i32
    %mul3A_10 = arith.muli %arg1, %mul3A_9 : i32
    %add3A_11 = arith.constant 0 : i32
    %add3A_12 = arith.addi %mul3A_10, %add3A_11 : i32
    "tpu.region"() ({
      %run_scoped3A_51 = tpu.sem_alloc : memref<!tpu.dma_semaphore, #tpu.memory_space<semaphore_mem>>
      %dma_start3A = arith.constant 0 : i32
      %dma_start3A_52 = tpu.memref_slice %arg7[%add3A_12, %dma_start3A] : memref<10240x16xf32, #tpu.memory_space<vmem_shared>> -> memref<128x16xf32, #tpu.memory_space<vmem_shared>>
      %dma_start3A_53 = arith.constant 0 : i32
      %dma_start3A_54 = tpu.memref_slice %arg7[%add3A_12, %dma_start3A_53] : memref<10240x16xf32, #tpu.memory_space<vmem_shared>> -> memref<128x16xf32, #tpu.memory_space<vmem_shared>>
      tpu.enqueue_dma source(%arg6 : memref<128x16xf32, #tpu.memory_space<vmem>>) target(%dma_start3A_54 : memref<128x16xf32, #tpu.memory_space<vmem_shared>>) target_semaphore(%run_scoped3A_51 : memref<!tpu.dma_semaphore, #tpu.memory_space<semaphore_mem>>)
      %dma_wait3A = arith.constant 0 : i32
      %dma_wait3A_55 = tpu.memref_slice %arg7[%add3A_12, %dma_wait3A] : memref<10240x16xf32, #tpu.memory_space<vmem_shared>> -> memref<128x16xf32, #tpu.memory_space<vmem_shared>>
      %dma_wait3A_56 = arith.constant 0 : i32
      %dma_wait3A_57 = tpu.memref_slice %arg7[%add3A_12, %dma_wait3A_56] : memref<10240x16xf32, #tpu.memory_space<vmem_shared>> -> memref<128x16xf32, #tpu.memory_space<vmem_shared>>
      tpu.wait_dma2 semaphore(%run_scoped3A_51 : memref<!tpu.dma_semaphore, #tpu.memory_space<semaphore_mem>>) src(%arg6 : memref<128x16xf32, #tpu.memory_space<vmem>>) dst(%dma_wait3A_57 : memref<128x16xf32, #tpu.memory_space<vmem_shared>>)
      tpu.yield
    }) : () -> ()
    %add3A_13 = arith.constant 128 : i32
    %add3A_14 = arith.addi %mul3A_10, %add3A_13 : i32
    "tpu.region"() ({
      %run_scoped3A_51 = tpu.sem_alloc : memref<!tpu.dma_semaphore, #tpu.memory_space<semaphore_mem>>
      %dma_start3A = arith.constant 0 : i32
      %dma_start3A_52 = tpu.memref_slice %arg7[%add3A_14, %dma_start3A] : memref<10240x16xf32, #tpu.memory_space<vmem_shared>> -> memref<128x16xf32, #tpu.memory_space<vmem_shared>>
      %dma_start3A_53 = arith.constant 0 : i32
      %dma_start3A_54 = tpu.memref_slice %arg7[%add3A_14, %dma_start3A_53] : memref<10240x16xf32, #tpu.memory_space<vmem_shared>> -> memref<128x16xf32, #tpu.memory_space<vmem_shared>>
      tpu.enqueue_dma source(%arg6 : memref<128x16xf32, #tpu.memory_space<vmem>>) target(%dma_start3A_54 : memref<128x16xf32, #tpu.memory_space<vmem_shared>>) target_semaphore(%run_scoped3A_51 : memref<!tpu.dma_semaphore, #tpu.memory_space<semaphore_mem>>)
      %dma_wait3A = arith.constant 0 : i32
      %dma_wait3A_55 = tpu.memref_slice %arg7[%add3A_14, %dma_wait3A] : memref<10240x16xf32, #tpu.memory_space<vmem_shared>> -> memref<128x16xf32, #tpu.memory_space<vmem_shared>>
      %dma_wait3A_56 = arith.constant 0 : i32
      %dma_wait3A_57 = tpu.memref_slice %arg7[%add3A_14, %dma_wait3A_56] : memref<10240x16xf32, #tpu.memory_space<vmem_shared>> -> memref<128x16xf32, #tpu.memory_space<vmem_shared>>
      tpu.wait_dma2 semaphore(%run_scoped3A_51 : memref<!tpu.dma_semaphore, #tpu.memory_space<semaphore_mem>>) src(%arg6 : memref<128x16xf32, #tpu.memory_space<vmem>>) dst(%dma_wait3A_57 : memref<128x16xf32, #tpu.memory_space<vmem_shared>>)
      tpu.yield
    }) : () -> ()
    %add3A_15 = arith.constant 256 : i32
    %add3A_16 = arith.addi %mul3A_10, %add3A_15 : i32
    "tpu.region"() ({
      %run_scoped3A_51 = tpu.sem_alloc : memref<!tpu.dma_semaphore, #tpu.memory_space<semaphore_mem>>
      %dma_start3A = arith.constant 0 : i32
      %dma_start3A_52 = tpu.memref_slice %arg7[%add3A_16, %dma_start3A] : memref<10240x16xf32, #tpu.memory_space<vmem_shared>> -> memref<128x16xf32, #tpu.memory_space<vmem_shared>>
      %dma_start3A_53 = arith.constant 0 : i32
      %dma_start3A_54 = tpu.memref_slice %arg7[%add3A_16, %dma_start3A_53] : memref<10240x16xf32, #tpu.memory_space<vmem_shared>> -> memref<128x16xf32, #tpu.memory_space<vmem_shared>>
      tpu.enqueue_dma source(%arg6 : memref<128x16xf32, #tpu.memory_space<vmem>>) target(%dma_start3A_54 : memref<128x16xf32, #tpu.memory_space<vmem_shared>>) target_semaphore(%run_scoped3A_51 : memref<!tpu.dma_semaphore, #tpu.memory_space<semaphore_mem>>)
      %dma_wait3A = arith.constant 0 : i32
      %dma_wait3A_55 = tpu.memref_slice %arg7[%add3A_16, %dma_wait3A] : memref<10240x16xf32, #tpu.memory_space<vmem_shared>> -> memref<128x16xf32, #tpu.memory_space<vmem_shared>>
      %dma_wait3A_56 = arith.constant 0 : i32
      %dma_wait3A_57 = tpu.memref_slice %arg7[%add3A_16, %dma_wait3A_56] : memref<10240x16xf32, #tpu.memory_space<vmem_shared>> -> memref<128x16xf32, #tpu.memory_space<vmem_shared>>
      tpu.wait_dma2 semaphore(%run_scoped3A_51 : memref<!tpu.dma_semaphore, #tpu.memory_space<semaphore_mem>>) src(%arg6 : memref<128x16xf32, #tpu.memory_space<vmem>>) dst(%dma_wait3A_57 : memref<128x16xf32, #tpu.memory_space<vmem_shared>>)
      tpu.yield
    }) : () -> ()
    %add3A_17 = arith.constant 384 : i32
    %add3A_18 = arith.addi %mul3A_10, %add3A_17 : i32
    "tpu.region"() ({
      %run_scoped3A_51 = tpu.sem_alloc : memref<!tpu.dma_semaphore, #tpu.memory_space<semaphore_mem>>
      %dma_start3A = arith.constant 0 : i32
      %dma_start3A_52 = tpu.memref_slice %arg7[%add3A_18, %dma_start3A] : memref<10240x16xf32, #tpu.memory_space<vmem_shared>> -> memref<128x16xf32, #tpu.memory_space<vmem_shared>>
      %dma_start3A_53 = arith.constant 0 : i32
      %dma_start3A_54 = tpu.memref_slice %arg7[%add3A_18, %dma_start3A_53] : memref<10240x16xf32, #tpu.memory_space<vmem_shared>> -> memref<128x16xf32, #tpu.memory_space<vmem_shared>>
      tpu.enqueue_dma source(%arg6 : memref<128x16xf32, #tpu.memory_space<vmem>>) target(%dma_start3A_54 : memref<128x16xf32, #tpu.memory_space<vmem_shared>>) target_semaphore(%run_scoped3A_51 : memref<!tpu.dma_semaphore, #tpu.memory_space<semaphore_mem>>)
      %dma_wait3A = arith.constant 0 : i32
      %dma_wait3A_55 = tpu.memref_slice %arg7[%add3A_18, %dma_wait3A] : memref<10240x16xf32, #tpu.memory_space<vmem_shared>> -> memref<128x16xf32, #tpu.memory_space<vmem_shared>>
      %dma_wait3A_56 = arith.constant 0 : i32
      %dma_wait3A_57 = tpu.memref_slice %arg7[%add3A_18, %dma_wait3A_56] : memref<10240x16xf32, #tpu.memory_space<vmem_shared>> -> memref<128x16xf32, #tpu.memory_space<vmem_shared>>
      tpu.wait_dma2 semaphore(%run_scoped3A_51 : memref<!tpu.dma_semaphore, #tpu.memory_space<semaphore_mem>>) src(%arg6 : memref<128x16xf32, #tpu.memory_space<vmem>>) dst(%dma_wait3A_57 : memref<128x16xf32, #tpu.memory_space<vmem_shared>>)
      tpu.yield
    }) : () -> ()
    %add3A_19 = arith.constant 512 : i32
    %add3A_20 = arith.addi %mul3A_10, %add3A_19 : i32
    "tpu.region"() ({
      %run_scoped3A_51 = tpu.sem_alloc : memref<!tpu.dma_semaphore, #tpu.memory_space<semaphore_mem>>
      %dma_start3A = arith.constant 0 : i32
      %dma_start3A_52 = tpu.memref_slice %arg7[%add3A_20, %dma_start3A] : memref<10240x16xf32, #tpu.memory_space<vmem_shared>> -> memref<128x16xf32, #tpu.memory_space<vmem_shared>>
      %dma_start3A_53 = arith.constant 0 : i32
      %dma_start3A_54 = tpu.memref_slice %arg7[%add3A_20, %dma_start3A_53] : memref<10240x16xf32, #tpu.memory_space<vmem_shared>> -> memref<128x16xf32, #tpu.memory_space<vmem_shared>>
      tpu.enqueue_dma source(%arg6 : memref<128x16xf32, #tpu.memory_space<vmem>>) target(%dma_start3A_54 : memref<128x16xf32, #tpu.memory_space<vmem_shared>>) target_semaphore(%run_scoped3A_51 : memref<!tpu.dma_semaphore, #tpu.memory_space<semaphore_mem>>)
      %dma_wait3A = arith.constant 0 : i32
      %dma_wait3A_55 = tpu.memref_slice %arg7[%add3A_20, %dma_wait3A] : memref<10240x16xf32, #tpu.memory_space<vmem_shared>> -> memref<128x16xf32, #tpu.memory_space<vmem_shared>>
      %dma_wait3A_56 = arith.constant 0 : i32
      %dma_wait3A_57 = tpu.memref_slice %arg7[%add3A_20, %dma_wait3A_56] : memref<10240x16xf32, #tpu.memory_space<vmem_shared>> -> memref<128x16xf32, #tpu.memory_space<vmem_shared>>
      tpu.wait_dma2 semaphore(%run_scoped3A_51 : memref<!tpu.dma_semaphore, #tpu.memory_space<semaphore_mem>>) src(%arg6 : memref<128x16xf32, #tpu.memory_space<vmem>>) dst(%dma_wait3A_57 : memref<128x16xf32, #tpu.memory_space<vmem_shared>>)
      tpu.yield
    }) : () -> ()
    %barrier3A = arith.constant 0 : index
    tpu.barrier barrier_id(%barrier3A)
    %mul3A_21 = arith.constant 78 : i32
    %mul3A_22 = arith.muli %add3A, %mul3A_21 : i32
    %run_scoped3A = arith.constant 1 : i32
    "tpu.region"() ({
      %run_scoped3A_51 = tpu.sem_alloc : memref<!tpu.dma_semaphore, #tpu.memory_space<semaphore_mem>>
      %dma_start3A = arith.constant 0 : i32
      %dma_start3A_52 = arith.constant 0 : i32
      %dma_start3A_53 = tpu.memref_slice %arg4[%dma_start3A, %dma_start3A_52] : memref<79x128xi32, #tpu.memory_space<vmem>> -> memref<78x128xi32, #tpu.memory_space<vmem>>
      %dma_start3A_54 = arith.constant 0 : i32
      %dma_start3A_55 = arith.constant 0 : i32
      %dma_start3A_56 = tpu.memref_slice %arg2[%run_scoped3A, %dma_start3A_54, %dma_start3A_55] : memref<2x2500x128xi32, #tpu.memory_space<hbm>> -> memref<1x2500x128xi32, #tpu.memory_space<hbm>>
      %dma_start3A_57 = tpu.memref_squeeze %dma_start3A_56 : memref<1x2500x128xi32, #tpu.memory_space<hbm>> -> memref<2500x128xi32, #tpu.memory_space<hbm>>
      %dma_start3A_58 = arith.constant 0 : i32
      %dma_start3A_59 = tpu.memref_slice %dma_start3A_57[%mul3A_22, %dma_start3A_58] : memref<2500x128xi32, #tpu.memory_space<hbm>> -> memref<78x128xi32, #tpu.memory_space<hbm>>
      %dma_start3A_60 = arith.constant 0 : i32
      %dma_start3A_61 = arith.constant 0 : i32
      %dma_start3A_62 = tpu.memref_slice %arg4[%dma_start3A_60, %dma_start3A_61] : memref<79x128xi32, #tpu.memory_space<vmem>> -> memref<78x128xi32, #tpu.memory_space<vmem>>
      %dma_start3A_63 = arith.constant 0 : i32
      %dma_start3A_64 = arith.constant 0 : i32
      %dma_start3A_65 = tpu.memref_slice %arg2[%run_scoped3A, %dma_start3A_63, %dma_start3A_64] : memref<2x2500x128xi32, #tpu.memory_space<hbm>> -> memref<1x2500x128xi32, #tpu.memory_space<hbm>>
      %dma_start3A_66 = tpu.memref_squeeze %dma_start3A_65 : memref<1x2500x128xi32, #tpu.memory_space<hbm>> -> memref<2500x128xi32, #tpu.memory_space<hbm>>
      %dma_start3A_67 = arith.constant 0 : i32
      %dma_start3A_68 = tpu.memref_slice %dma_start3A_66[%mul3A_22, %dma_start3A_67] : memref<2500x128xi32, #tpu.memory_space<hbm>> -> memref<78x128xi32, #tpu.memory_space<hbm>>
      tpu.enqueue_dma source(%dma_start3A_68 : memref<78x128xi32, #tpu.memory_space<hbm>>) target(%dma_start3A_62 : memref<78x128xi32, #tpu.memory_space<vmem>>) target_semaphore(%run_scoped3A_51 : memref<!tpu.dma_semaphore, #tpu.memory_space<semaphore_mem>>)
      %dma_wait3A = arith.constant 0 : i32
      %dma_wait3A_69 = arith.constant 0 : i32
      %dma_wait3A_70 = tpu.memref_slice %arg4[%dma_wait3A, %dma_wait3A_69] : memref<79x128xi32, #tpu.memory_space<vmem>> -> memref<78x128xi32, #tpu.memory_space<vmem>>
      %dma_wait3A_71 = arith.constant 0 : i32
      %dma_wait3A_72 = arith.constant 0 : i32
      %dma_wait3A_73 = tpu.memref_slice %arg2[%run_scoped3A, %dma_wait3A_71, %dma_wait3A_72] : memref<2x2500x128xi32, #tpu.memory_space<hbm>> -> memref<1x2500x128xi32, #tpu.memory_space<hbm>>
      %dma_wait3A_74 = tpu.memref_squeeze %dma_wait3A_73 : memref<1x2500x128xi32, #tpu.memory_space<hbm>> -> memref<2500x128xi32, #tpu.memory_space<hbm>>
      %dma_wait3A_75 = arith.constant 0 : i32
      %dma_wait3A_76 = tpu.memref_slice %dma_wait3A_74[%mul3A_22, %dma_wait3A_75] : memref<2500x128xi32, #tpu.memory_space<hbm>> -> memref<78x128xi32, #tpu.memory_space<hbm>>
      %dma_wait3A_77 = arith.constant 0 : i32
      %dma_wait3A_78 = arith.constant 0 : i32
      %dma_wait3A_79 = tpu.memref_slice %arg4[%dma_wait3A_77, %dma_wait3A_78] : memref<79x128xi32, #tpu.memory_space<vmem>> -> memref<78x128xi32, #tpu.memory_space<vmem>>
      %dma_wait3A_80 = arith.constant 0 : i32
      %dma_wait3A_81 = arith.constant 0 : i32
      %dma_wait3A_82 = tpu.memref_slice %arg2[%run_scoped3A, %dma_wait3A_80, %dma_wait3A_81] : memref<2x2500x128xi32, #tpu.memory_space<hbm>> -> memref<1x2500x128xi32, #tpu.memory_space<hbm>>
      %dma_wait3A_83 = tpu.memref_squeeze %dma_wait3A_82 : memref<1x2500x128xi32, #tpu.memory_space<hbm>> -> memref<2500x128xi32, #tpu.memory_space<hbm>>
      %dma_wait3A_84 = arith.constant 0 : i32
      %dma_wait3A_85 = tpu.memref_slice %dma_wait3A_83[%mul3A_22, %dma_wait3A_84] : memref<2500x128xi32, #tpu.memory_space<hbm>> -> memref<78x128xi32, #tpu.memory_space<hbm>>
      tpu.wait_dma2 semaphore(%run_scoped3A_51 : memref<!tpu.dma_semaphore, #tpu.memory_space<semaphore_mem>>) src(%dma_wait3A_85 : memref<78x128xi32, #tpu.memory_space<hbm>>) dst(%dma_wait3A_79 : memref<78x128xi32, #tpu.memory_space<vmem>>)
      tpu.yield
    }) : () -> ()
    %lt3A = arith.constant 4 : i32
    %lt3A_23 = arith.cmpi slt, %add3A, %lt3A : i32
    %convert_element_type3A = arith.extui %lt3A_23 : i1 to i32
    %cond3A = arith.constant 1 : i32
    %cond3A_24 = arith.constant 0 : i32
    %cond3A_25 = arith.cmpi ne, %convert_element_type3A, %cond3A_24 : i32
    scf.if %cond3A_25 {
      %add3A_51 = arith.constant 2496 : i32
      %add3A_52 = arith.addi %add3A_51, %add3A : i32
      %run_scoped3A_53 = arith.constant 78 : i32
      "tpu.region"() ({
        %run_scoped3A_54 = tpu.sem_alloc : memref<!tpu.dma_semaphore, #tpu.memory_space<semaphore_mem>>
        %dma_start3A = arith.constant 0 : i32
        %dma_start3A_55 = tpu.memref_slice %arg4[%run_scoped3A_53, %dma_start3A] : memref<79x128xi32, #tpu.memory_space<vmem>> -> memref<1x128xi32, #tpu.memory_space<vmem>>
        %dma_start3A_56 = tpu.memref_squeeze %dma_start3A_55 : memref<1x128xi32, #tpu.memory_space<vmem>> -> memref<128xi32, #tpu.memory_space<vmem>>
        %dma_start3A_57 = arith.constant 0 : i32
        %dma_start3A_58 = arith.constant 0 : i32
        %dma_start3A_59 = tpu.memref_slice %arg2[%cond3A, %dma_start3A_57, %dma_start3A_58] : memref<2x2500x128xi32, #tpu.memory_space<hbm>> -> memref<1x2500x128xi32, #tpu.memory_space<hbm>>
        %dma_start3A_60 = tpu.memref_squeeze %dma_start3A_59 : memref<1x2500x128xi32, #tpu.memory_space<hbm>> -> memref<2500x128xi32, #tpu.memory_space<hbm>>
        %dma_start3A_61 = arith.constant 0 : i32
        %dma_start3A_62 = tpu.memref_slice %dma_start3A_60[%add3A_52, %dma_start3A_61] : memref<2500x128xi32, #tpu.memory_space<hbm>> -> memref<1x128xi32, #tpu.memory_space<hbm>>
        %dma_start3A_63 = tpu.memref_squeeze %dma_start3A_62 : memref<1x128xi32, #tpu.memory_space<hbm>> -> memref<128xi32, #tpu.memory_space<hbm>>
        %dma_start3A_64 = arith.constant 0 : i32
        %dma_start3A_65 = tpu.memref_slice %arg4[%run_scoped3A_53, %dma_start3A_64] : memref<79x128xi32, #tpu.memory_space<vmem>> -> memref<1x128xi32, #tpu.memory_space<vmem>>
        %dma_start3A_66 = tpu.memref_squeeze %dma_start3A_65 : memref<1x128xi32, #tpu.memory_space<vmem>> -> memref<128xi32, #tpu.memory_space<vmem>>
        %dma_start3A_67 = arith.constant 0 : i32
        %dma_start3A_68 = arith.constant 0 : i32
        %dma_start3A_69 = tpu.memref_slice %arg2[%cond3A, %dma_start3A_67, %dma_start3A_68] : memref<2x2500x128xi32, #tpu.memory_space<hbm>> -> memref<1x2500x128xi32, #tpu.memory_space<hbm>>
        %dma_start3A_70 = tpu.memref_squeeze %dma_start3A_69 : memref<1x2500x128xi32, #tpu.memory_space<hbm>> -> memref<2500x128xi32, #tpu.memory_space<hbm>>
        %dma_start3A_71 = arith.constant 0 : i32
        %dma_start3A_72 = tpu.memref_slice %dma_start3A_70[%add3A_52, %dma_start3A_71] : memref<2500x128xi32, #tpu.memory_space<hbm>> -> memref<1x128xi32, #tpu.memory_space<hbm>>
        %dma_start3A_73 = tpu.memref_squeeze %dma_start3A_72 : memref<1x128xi32, #tpu.memory_space<hbm>> -> memref<128xi32, #tpu.memory_space<hbm>>
        tpu.enqueue_dma source(%dma_start3A_73 : memref<128xi32, #tpu.memory_space<hbm>>) target(%dma_start3A_66 : memref<128xi32, #tpu.memory_space<vmem>>) target_semaphore(%run_scoped3A_54 : memref<!tpu.dma_semaphore, #tpu.memory_space<semaphore_mem>>)
        %dma_wait3A = arith.constant 0 : i32
        %dma_wait3A_74 = tpu.memref_slice %arg4[%run_scoped3A_53, %dma_wait3A] : memref<79x128xi32, #tpu.memory_space<vmem>> -> memref<1x128xi32, #tpu.memory_space<vmem>>
        %dma_wait3A_75 = tpu.memref_squeeze %dma_wait3A_74 : memref<1x128xi32, #tpu.memory_space<vmem>> -> memref<128xi32, #tpu.memory_space<vmem>>
        %dma_wait3A_76 = arith.constant 0 : i32
        %dma_wait3A_77 = arith.constant 0 : i32
        %dma_wait3A_78 = tpu.memref_slice %arg2[%cond3A, %dma_wait3A_76, %dma_wait3A_77] : memref<2x2500x128xi32, #tpu.memory_space<hbm>> -> memref<1x2500x128xi32, #tpu.memory_space<hbm>>
        %dma_wait3A_79 = tpu.memref_squeeze %dma_wait3A_78 : memref<1x2500x128xi32, #tpu.memory_space<hbm>> -> memref<2500x128xi32, #tpu.memory_space<hbm>>
        %dma_wait3A_80 = arith.constant 0 : i32
        %dma_wait3A_81 = tpu.memref_slice %dma_wait3A_79[%add3A_52, %dma_wait3A_80] : memref<2500x128xi32, #tpu.memory_space<hbm>> -> memref<1x128xi32, #tpu.memory_space<hbm>>
        %dma_wait3A_82 = tpu.memref_squeeze %dma_wait3A_81 : memref<1x128xi32, #tpu.memory_space<hbm>> -> memref<128xi32, #tpu.memory_space<hbm>>
        %dma_wait3A_83 = arith.constant 0 : i32
        %dma_wait3A_84 = tpu.memref_slice %arg4[%run_scoped3A_53, %dma_wait3A_83] : memref<79x128xi32, #tpu.memory_space<vmem>> -> memref<1x128xi32, #tpu.memory_space<vmem>>
        %dma_wait3A_85 = tpu.memref_squeeze %dma_wait3A_84 : memref<1x128xi32, #tpu.memory_space<vmem>> -> memref<128xi32, #tpu.memory_space<vmem>>
        %dma_wait3A_86 = arith.constant 0 : i32
        %dma_wait3A_87 = arith.constant 0 : i32
        %dma_wait3A_88 = tpu.memref_slice %arg2[%cond3A, %dma_wait3A_86, %dma_wait3A_87] : memref<2x2500x128xi32, #tpu.memory_space<hbm>> -> memref<1x2500x128xi32, #tpu.memory_space<hbm>>
        %dma_wait3A_89 = tpu.memref_squeeze %dma_wait3A_88 : memref<1x2500x128xi32, #tpu.memory_space<hbm>> -> memref<2500x128xi32, #tpu.memory_space<hbm>>
        %dma_wait3A_90 = arith.constant 0 : i32
        %dma_wait3A_91 = tpu.memref_slice %dma_wait3A_89[%add3A_52, %dma_wait3A_90] : memref<2500x128xi32, #tpu.memory_space<hbm>> -> memref<1x128xi32, #tpu.memory_space<hbm>>
        %dma_wait3A_92 = tpu.memref_squeeze %dma_wait3A_91 : memref<1x128xi32, #tpu.memory_space<hbm>> -> memref<128xi32, #tpu.memory_space<hbm>>
        tpu.wait_dma2 semaphore(%run_scoped3A_54 : memref<!tpu.dma_semaphore, #tpu.memory_space<semaphore_mem>>) src(%dma_wait3A_92 : memref<128xi32, #tpu.memory_space<hbm>>) dst(%dma_wait3A_85 : memref<128xi32, #tpu.memory_space<vmem>>)
        tpu.yield
      }) : () -> ()
    } else {
    }
    %lt3A_26 = arith.constant 4 : i32
    %lt3A_27 = arith.cmpi slt, %add3A, %lt3A_26 : i32
    %jit3A = arith.constant 1 : i32
    %jit3A_28 = arith.constant 0 : i32
    %select_n3A = arith.select %lt3A_27, %jit3A, %jit3A_28 : i32
    %add3A_29 = arith.constant 78 : i32
    %add3A_30 = arith.addi %add3A_29, %select_n3A : i32
    %while3A = arith.constant 0 : i32
    %while3A_31 = arith.constant 0 : i32
    %while3A_32 = arith.subi %add3A_30, %while3A_31 : i32
    %while3A_33 = arith.addi %while3A_31, %while3A_32 : i32
    %while3A_34 = arith.constant 1 : i32
    %while3A_35 = arith.divsi %while3A_32, %while3A_34 : i32
    %while3A_36 = arith.muli %while3A_35, %while3A_34 : i32
    %while3A_37 = arith.addi %while3A_31, %while3A_36 : i32
    %while3A_38 = arith.constant 1 : i32
    scf.for %while3A_51 = %while3A_31 to %while3A_37 step %while3A_38  : i32 {
      "tpu.region"() ({
        %run_scoped3A_52 = tpu.sem_alloc : memref<!tpu.dma_semaphore, #tpu.memory_space<semaphore_mem>>
        %dma_start3A = arith.constant 0 : i32
        %dma_start3A_53 = tpu.memref_slice %arg4[%while3A_51, %dma_start3A] : memref<79x128xi32, #tpu.memory_space<vmem>> -> memref<1x128xi32, #tpu.memory_space<vmem>>
        %dma_start3A_54 = tpu.memref_squeeze %dma_start3A_53 : memref<1x128xi32, #tpu.memory_space<vmem>> -> memref<128xi32, #tpu.memory_space<vmem>>
        %dma_start3A_55 = arith.constant 0 : i32
        %dma_start3A_56 = arith.constant 0 : i32
        %dma_start3A_57 = tpu.memref_slice %arg7[%dma_start3A_55, %dma_start3A_56] : memref<10240x16xf32, #tpu.memory_space<vmem_shared>> -> memref<10240x16xf32, #tpu.memory_space<vmem_shared>>
        tpu.enqueue_indirect_dma source(%arg5 : memref<128x16xf32, #tpu.memory_space<vmem>>) target(%dma_start3A_57 : memref<10240x16xf32, #tpu.memory_space<vmem_shared>>) offsets(%dma_start3A_54 : memref<128xi32, #tpu.memory_space<vmem>>) semaphore(%run_scoped3A_52 : memref<!tpu.dma_semaphore, #tpu.memory_space<semaphore_mem>>) {add = true}
        %dma_wait3A = arith.constant 0 : i32
        %dma_wait3A_58 = tpu.memref_slice %arg4[%while3A_51, %dma_wait3A] : memref<79x128xi32, #tpu.memory_space<vmem>> -> memref<1x128xi32, #tpu.memory_space<vmem>>
        %dma_wait3A_59 = tpu.memref_squeeze %dma_wait3A_58 : memref<1x128xi32, #tpu.memory_space<vmem>> -> memref<128xi32, #tpu.memory_space<vmem>>
        %dma_wait3A_60 = arith.constant 0 : i32
        %dma_wait3A_61 = arith.constant 0 : i32
        %dma_wait3A_62 = tpu.memref_slice %arg7[%dma_wait3A_60, %dma_wait3A_61] : memref<10240x16xf32, #tpu.memory_space<vmem_shared>> -> memref<10240x16xf32, #tpu.memory_space<vmem_shared>>
        tpu.wait_indirect_dma semaphore(%run_scoped3A_52 : memref<!tpu.dma_semaphore, #tpu.memory_space<semaphore_mem>>) src(%arg5 : memref<128x16xf32, #tpu.memory_space<vmem>>) dst(%dma_wait3A_62 : memref<10240x16xf32, #tpu.memory_space<vmem_shared>>)
        tpu.yield
      }) : () -> ()
    }
    %while3A_39 = arith.constant 1 : i32
    scf.for %while3A_51 = %while3A_37 to %while3A_33 step %while3A_39  : i32 {
      "tpu.region"() ({
        %run_scoped3A_52 = tpu.sem_alloc : memref<!tpu.dma_semaphore, #tpu.memory_space<semaphore_mem>>
        %dma_start3A = arith.constant 0 : i32
        %dma_start3A_53 = tpu.memref_slice %arg4[%while3A_51, %dma_start3A] : memref<79x128xi32, #tpu.memory_space<vmem>> -> memref<1x128xi32, #tpu.memory_space<vmem>>
        %dma_start3A_54 = tpu.memref_squeeze %dma_start3A_53 : memref<1x128xi32, #tpu.memory_space<vmem>> -> memref<128xi32, #tpu.memory_space<vmem>>
        %dma_start3A_55 = arith.constant 0 : i32
        %dma_start3A_56 = arith.constant 0 : i32
        %dma_start3A_57 = tpu.memref_slice %arg7[%dma_start3A_55, %dma_start3A_56] : memref<10240x16xf32, #tpu.memory_space<vmem_shared>> -> memref<10240x16xf32, #tpu.memory_space<vmem_shared>>
        tpu.enqueue_indirect_dma source(%arg5 : memref<128x16xf32, #tpu.memory_space<vmem>>) target(%dma_start3A_57 : memref<10240x16xf32, #tpu.memory_space<vmem_shared>>) offsets(%dma_start3A_54 : memref<128xi32, #tpu.memory_space<vmem>>) semaphore(%run_scoped3A_52 : memref<!tpu.dma_semaphore, #tpu.memory_space<semaphore_mem>>) {add = true}
        %dma_wait3A = arith.constant 0 : i32
        %dma_wait3A_58 = tpu.memref_slice %arg4[%while3A_51, %dma_wait3A] : memref<79x128xi32, #tpu.memory_space<vmem>> -> memref<1x128xi32, #tpu.memory_space<vmem>>
        %dma_wait3A_59 = tpu.memref_squeeze %dma_wait3A_58 : memref<1x128xi32, #tpu.memory_space<vmem>> -> memref<128xi32, #tpu.memory_space<vmem>>
        %dma_wait3A_60 = arith.constant 0 : i32
        %dma_wait3A_61 = arith.constant 0 : i32
        %dma_wait3A_62 = tpu.memref_slice %arg7[%dma_wait3A_60, %dma_wait3A_61] : memref<10240x16xf32, #tpu.memory_space<vmem_shared>> -> memref<10240x16xf32, #tpu.memory_space<vmem_shared>>
        tpu.wait_indirect_dma semaphore(%run_scoped3A_52 : memref<!tpu.dma_semaphore, #tpu.memory_space<semaphore_mem>>) src(%arg5 : memref<128x16xf32, #tpu.memory_space<vmem>>) dst(%dma_wait3A_62 : memref<10240x16xf32, #tpu.memory_space<vmem_shared>>)
        tpu.yield
      }) : () -> ()
    }
    %barrier3A_40 = arith.constant 0 : index
    tpu.barrier barrier_id(%barrier3A_40)
    %add3A_41 = arith.constant 0 : i32
    %add3A_42 = arith.addi %mul3A_10, %add3A_41 : i32
    "tpu.region"() ({
      %run_scoped3A_51 = tpu.sem_alloc : memref<!tpu.dma_semaphore, #tpu.memory_space<semaphore_mem>>
      %dma_start3A = arith.constant 0 : i32
      %dma_start3A_52 = tpu.memref_slice %arg7[%add3A_42, %dma_start3A] : memref<10240x16xf32, #tpu.memory_space<vmem_shared>> -> memref<128x16xf32, #tpu.memory_space<vmem_shared>>
      %dma_start3A_53 = arith.constant 0 : i32
      %dma_start3A_54 = tpu.memref_slice %arg7[%add3A_42, %dma_start3A_53] : memref<10240x16xf32, #tpu.memory_space<vmem_shared>> -> memref<128x16xf32, #tpu.memory_space<vmem_shared>>
      tpu.enqueue_dma source(%dma_start3A_54 : memref<128x16xf32, #tpu.memory_space<vmem_shared>>) target(%arg6 : memref<128x16xf32, #tpu.memory_space<vmem>>) target_semaphore(%run_scoped3A_51 : memref<!tpu.dma_semaphore, #tpu.memory_space<semaphore_mem>>)
      %dma_wait3A = arith.constant 0 : i32
      %dma_wait3A_55 = tpu.memref_slice %arg7[%add3A_42, %dma_wait3A] : memref<10240x16xf32, #tpu.memory_space<vmem_shared>> -> memref<128x16xf32, #tpu.memory_space<vmem_shared>>
      %dma_wait3A_56 = arith.constant 0 : i32
      %dma_wait3A_57 = tpu.memref_slice %arg7[%add3A_42, %dma_wait3A_56] : memref<10240x16xf32, #tpu.memory_space<vmem_shared>> -> memref<128x16xf32, #tpu.memory_space<vmem_shared>>
      tpu.wait_dma2 semaphore(%run_scoped3A_51 : memref<!tpu.dma_semaphore, #tpu.memory_space<semaphore_mem>>) src(%dma_wait3A_57 : memref<128x16xf32, #tpu.memory_space<vmem_shared>>) dst(%arg6 : memref<128x16xf32, #tpu.memory_space<vmem>>)
      tpu.yield
    }) : () -> ()
    "tpu.region"() ({
      %run_scoped3A_51 = tpu.sem_alloc : memref<!tpu.dma_semaphore, #tpu.memory_space<semaphore_mem>>
      %dma_start3A = arith.constant 0 : i32
      %dma_start3A_52 = tpu.memref_slice %arg3[%arg0, %add3A_42, %dma_start3A] : memref<2x10240x16xf32, #tpu.memory_space<hbm>> -> memref<1x128x16xf32, #tpu.memory_space<hbm>>
      %dma_start3A_53 = tpu.memref_squeeze %dma_start3A_52 : memref<1x128x16xf32, #tpu.memory_space<hbm>> -> memref<128x16xf32, #tpu.memory_space<hbm>>
      %dma_start3A_54 = arith.constant 0 : i32
      %dma_start3A_55 = tpu.memref_slice %arg3[%arg0, %add3A_42, %dma_start3A_54] : memref<2x10240x16xf32, #tpu.memory_space<hbm>> -> memref<1x128x16xf32, #tpu.memory_space<hbm>>
      %dma_start3A_56 = tpu.memref_squeeze %dma_start3A_55 : memref<1x128x16xf32, #tpu.memory_space<hbm>> -> memref<128x16xf32, #tpu.memory_space<hbm>>
      tpu.enqueue_dma source(%arg6 : memref<128x16xf32, #tpu.memory_space<vmem>>) target(%dma_start3A_56 : memref<128x16xf32, #tpu.memory_space<hbm>>) target_semaphore(%run_scoped3A_51 : memref<!tpu.dma_semaphore, #tpu.memory_space<semaphore_mem>>)
      %dma_wait3A = arith.constant 0 : i32
      %dma_wait3A_57 = tpu.memref_slice %arg3[%arg0, %add3A_42, %dma_wait3A] : memref<2x10240x16xf32, #tpu.memory_space<hbm>> -> memref<1x128x16xf32, #tpu.memory_space<hbm>>
      %dma_wait3A_58 = tpu.memref_squeeze %dma_wait3A_57 : memref<1x128x16xf32, #tpu.memory_space<hbm>> -> memref<128x16xf32, #tpu.memory_space<hbm>>
      %dma_wait3A_59 = arith.constant 0 : i32
      %dma_wait3A_60 = tpu.memref_slice %arg3[%arg0, %add3A_42, %dma_wait3A_59] : memref<2x10240x16xf32, #tpu.memory_space<hbm>> -> memref<1x128x16xf32, #tpu.memory_space<hbm>>
      %dma_wait3A_61 = tpu.memref_squeeze %dma_wait3A_60 : memref<1x128x16xf32, #tpu.memory_space<hbm>> -> memref<128x16xf32, #tpu.memory_space<hbm>>
      tpu.wait_dma2 semaphore(%run_scoped3A_51 : memref<!tpu.dma_semaphore, #tpu.memory_space<semaphore_mem>>) src(%arg6 : memref<128x16xf32, #tpu.memory_space<vmem>>) dst(%dma_wait3A_61 : memref<128x16xf32, #tpu.memory_space<hbm>>)
      tpu.yield
    }) : () -> ()
    %add3A_43 = arith.constant 128 : i32
    %add3A_44 = arith.addi %mul3A_10, %add3A_43 : i32
    "tpu.region"() ({
      %run_scoped3A_51 = tpu.sem_alloc : memref<!tpu.dma_semaphore, #tpu.memory_space<semaphore_mem>>
      %dma_start3A = arith.constant 0 : i32
      %dma_start3A_52 = tpu.memref_slice %arg7[%add3A_44, %dma_start3A] : memref<10240x16xf32, #tpu.memory_space<vmem_shared>> -> memref<128x16xf32, #tpu.memory_space<vmem_shared>>
      %dma_start3A_53 = arith.constant 0 : i32
      %dma_start3A_54 = tpu.memref_slice %arg7[%add3A_44, %dma_start3A_53] : memref<10240x16xf32, #tpu.memory_space<vmem_shared>> -> memref<128x16xf32, #tpu.memory_space<vmem_shared>>
      tpu.enqueue_dma source(%dma_start3A_54 : memref<128x16xf32, #tpu.memory_space<vmem_shared>>) target(%arg6 : memref<128x16xf32, #tpu.memory_space<vmem>>) target_semaphore(%run_scoped3A_51 : memref<!tpu.dma_semaphore, #tpu.memory_space<semaphore_mem>>)
      %dma_wait3A = arith.constant 0 : i32
      %dma_wait3A_55 = tpu.memref_slice %arg7[%add3A_44, %dma_wait3A] : memref<10240x16xf32, #tpu.memory_space<vmem_shared>> -> memref<128x16xf32, #tpu.memory_space<vmem_shared>>
      %dma_wait3A_56 = arith.constant 0 : i32
      %dma_wait3A_57 = tpu.memref_slice %arg7[%add3A_44, %dma_wait3A_56] : memref<10240x16xf32, #tpu.memory_space<vmem_shared>> -> memref<128x16xf32, #tpu.memory_space<vmem_shared>>
      tpu.wait_dma2 semaphore(%run_scoped3A_51 : memref<!tpu.dma_semaphore, #tpu.memory_space<semaphore_mem>>) src(%dma_wait3A_57 : memref<128x16xf32, #tpu.memory_space<vmem_shared>>) dst(%arg6 : memref<128x16xf32, #tpu.memory_space<vmem>>)
      tpu.yield
    }) : () -> ()
    "tpu.region"() ({
      %run_scoped3A_51 = tpu.sem_alloc : memref<!tpu.dma_semaphore, #tpu.memory_space<semaphore_mem>>
      %dma_start3A = arith.constant 0 : i32
      %dma_start3A_52 = tpu.memref_slice %arg3[%arg0, %add3A_44, %dma_start3A] : memref<2x10240x16xf32, #tpu.memory_space<hbm>> -> memref<1x128x16xf32, #tpu.memory_space<hbm>>
      %dma_start3A_53 = tpu.memref_squeeze %dma_start3A_52 : memref<1x128x16xf32, #tpu.memory_space<hbm>> -> memref<128x16xf32, #tpu.memory_space<hbm>>
      %dma_start3A_54 = arith.constant 0 : i32
      %dma_start3A_55 = tpu.memref_slice %arg3[%arg0, %add3A_44, %dma_start3A_54] : memref<2x10240x16xf32, #tpu.memory_space<hbm>> -> memref<1x128x16xf32, #tpu.memory_space<hbm>>
      %dma_start3A_56 = tpu.memref_squeeze %dma_start3A_55 : memref<1x128x16xf32, #tpu.memory_space<hbm>> -> memref<128x16xf32, #tpu.memory_space<hbm>>
      tpu.enqueue_dma source(%arg6 : memref<128x16xf32, #tpu.memory_space<vmem>>) target(%dma_start3A_56 : memref<128x16xf32, #tpu.memory_space<hbm>>) target_semaphore(%run_scoped3A_51 : memref<!tpu.dma_semaphore, #tpu.memory_space<semaphore_mem>>)
      %dma_wait3A = arith.constant 0 : i32
      %dma_wait3A_57 = tpu.memref_slice %arg3[%arg0, %add3A_44, %dma_wait3A] : memref<2x10240x16xf32, #tpu.memory_space<hbm>> -> memref<1x128x16xf32, #tpu.memory_space<hbm>>
      %dma_wait3A_58 = tpu.memref_squeeze %dma_wait3A_57 : memref<1x128x16xf32, #tpu.memory_space<hbm>> -> memref<128x16xf32, #tpu.memory_space<hbm>>
      %dma_wait3A_59 = arith.constant 0 : i32
      %dma_wait3A_60 = tpu.memref_slice %arg3[%arg0, %add3A_44, %dma_wait3A_59] : memref<2x10240x16xf32, #tpu.memory_space<hbm>> -> memref<1x128x16xf32, #tpu.memory_space<hbm>>
      %dma_wait3A_61 = tpu.memref_squeeze %dma_wait3A_60 : memref<1x128x16xf32, #tpu.memory_space<hbm>> -> memref<128x16xf32, #tpu.memory_space<hbm>>
      tpu.wait_dma2 semaphore(%run_scoped3A_51 : memref<!tpu.dma_semaphore, #tpu.memory_space<semaphore_mem>>) src(%arg6 : memref<128x16xf32, #tpu.memory_space<vmem>>) dst(%dma_wait3A_61 : memref<128x16xf32, #tpu.memory_space<hbm>>)
      tpu.yield
    }) : () -> ()
    %add3A_45 = arith.constant 256 : i32
    %add3A_46 = arith.addi %mul3A_10, %add3A_45 : i32
    "tpu.region"() ({
      %run_scoped3A_51 = tpu.sem_alloc : memref<!tpu.dma_semaphore, #tpu.memory_space<semaphore_mem>>
      %dma_start3A = arith.constant 0 : i32
      %dma_start3A_52 = tpu.memref_slice %arg7[%add3A_46, %dma_start3A] : memref<10240x16xf32, #tpu.memory_space<vmem_shared>> -> memref<128x16xf32, #tpu.memory_space<vmem_shared>>
      %dma_start3A_53 = arith.constant 0 : i32
      %dma_start3A_54 = tpu.memref_slice %arg7[%add3A_46, %dma_start3A_53] : memref<10240x16xf32, #tpu.memory_space<vmem_shared>> -> memref<128x16xf32, #tpu.memory_space<vmem_shared>>
      tpu.enqueue_dma source(%dma_start3A_54 : memref<128x16xf32, #tpu.memory_space<vmem_shared>>) target(%arg6 : memref<128x16xf32, #tpu.memory_space<vmem>>) target_semaphore(%run_scoped3A_51 : memref<!tpu.dma_semaphore, #tpu.memory_space<semaphore_mem>>)
      %dma_wait3A = arith.constant 0 : i32
      %dma_wait3A_55 = tpu.memref_slice %arg7[%add3A_46, %dma_wait3A] : memref<10240x16xf32, #tpu.memory_space<vmem_shared>> -> memref<128x16xf32, #tpu.memory_space<vmem_shared>>
      %dma_wait3A_56 = arith.constant 0 : i32
      %dma_wait3A_57 = tpu.memref_slice %arg7[%add3A_46, %dma_wait3A_56] : memref<10240x16xf32, #tpu.memory_space<vmem_shared>> -> memref<128x16xf32, #tpu.memory_space<vmem_shared>>
      tpu.wait_dma2 semaphore(%run_scoped3A_51 : memref<!tpu.dma_semaphore, #tpu.memory_space<semaphore_mem>>) src(%dma_wait3A_57 : memref<128x16xf32, #tpu.memory_space<vmem_shared>>) dst(%arg6 : memref<128x16xf32, #tpu.memory_space<vmem>>)
      tpu.yield
    }) : () -> ()
    "tpu.region"() ({
      %run_scoped3A_51 = tpu.sem_alloc : memref<!tpu.dma_semaphore, #tpu.memory_space<semaphore_mem>>
      %dma_start3A = arith.constant 0 : i32
      %dma_start3A_52 = tpu.memref_slice %arg3[%arg0, %add3A_46, %dma_start3A] : memref<2x10240x16xf32, #tpu.memory_space<hbm>> -> memref<1x128x16xf32, #tpu.memory_space<hbm>>
      %dma_start3A_53 = tpu.memref_squeeze %dma_start3A_52 : memref<1x128x16xf32, #tpu.memory_space<hbm>> -> memref<128x16xf32, #tpu.memory_space<hbm>>
      %dma_start3A_54 = arith.constant 0 : i32
      %dma_start3A_55 = tpu.memref_slice %arg3[%arg0, %add3A_46, %dma_start3A_54] : memref<2x10240x16xf32, #tpu.memory_space<hbm>> -> memref<1x128x16xf32, #tpu.memory_space<hbm>>
      %dma_start3A_56 = tpu.memref_squeeze %dma_start3A_55 : memref<1x128x16xf32, #tpu.memory_space<hbm>> -> memref<128x16xf32, #tpu.memory_space<hbm>>
      tpu.enqueue_dma source(%arg6 : memref<128x16xf32, #tpu.memory_space<vmem>>) target(%dma_start3A_56 : memref<128x16xf32, #tpu.memory_space<hbm>>) target_semaphore(%run_scoped3A_51 : memref<!tpu.dma_semaphore, #tpu.memory_space<semaphore_mem>>)
      %dma_wait3A = arith.constant 0 : i32
      %dma_wait3A_57 = tpu.memref_slice %arg3[%arg0, %add3A_46, %dma_wait3A] : memref<2x10240x16xf32, #tpu.memory_space<hbm>> -> memref<1x128x16xf32, #tpu.memory_space<hbm>>
      %dma_wait3A_58 = tpu.memref_squeeze %dma_wait3A_57 : memref<1x128x16xf32, #tpu.memory_space<hbm>> -> memref<128x16xf32, #tpu.memory_space<hbm>>
      %dma_wait3A_59 = arith.constant 0 : i32
      %dma_wait3A_60 = tpu.memref_slice %arg3[%arg0, %add3A_46, %dma_wait3A_59] : memref<2x10240x16xf32, #tpu.memory_space<hbm>> -> memref<1x128x16xf32, #tpu.memory_space<hbm>>
      %dma_wait3A_61 = tpu.memref_squeeze %dma_wait3A_60 : memref<1x128x16xf32, #tpu.memory_space<hbm>> -> memref<128x16xf32, #tpu.memory_space<hbm>>
      tpu.wait_dma2 semaphore(%run_scoped3A_51 : memref<!tpu.dma_semaphore, #tpu.memory_space<semaphore_mem>>) src(%arg6 : memref<128x16xf32, #tpu.memory_space<vmem>>) dst(%dma_wait3A_61 : memref<128x16xf32, #tpu.memory_space<hbm>>)
      tpu.yield
    }) : () -> ()
    %add3A_47 = arith.constant 384 : i32
    %add3A_48 = arith.addi %mul3A_10, %add3A_47 : i32
    "tpu.region"() ({
      %run_scoped3A_51 = tpu.sem_alloc : memref<!tpu.dma_semaphore, #tpu.memory_space<semaphore_mem>>
      %dma_start3A = arith.constant 0 : i32
      %dma_start3A_52 = tpu.memref_slice %arg7[%add3A_48, %dma_start3A] : memref<10240x16xf32, #tpu.memory_space<vmem_shared>> -> memref<128x16xf32, #tpu.memory_space<vmem_shared>>
      %dma_start3A_53 = arith.constant 0 : i32
      %dma_start3A_54 = tpu.memref_slice %arg7[%add3A_48, %dma_start3A_53] : memref<10240x16xf32, #tpu.memory_space<vmem_shared>> -> memref<128x16xf32, #tpu.memory_space<vmem_shared>>
      tpu.enqueue_dma source(%dma_start3A_54 : memref<128x16xf32, #tpu.memory_space<vmem_shared>>) target(%arg6 : memref<128x16xf32, #tpu.memory_space<vmem>>) target_semaphore(%run_scoped3A_51 : memref<!tpu.dma_semaphore, #tpu.memory_space<semaphore_mem>>)
      %dma_wait3A = arith.constant 0 : i32
      %dma_wait3A_55 = tpu.memref_slice %arg7[%add3A_48, %dma_wait3A] : memref<10240x16xf32, #tpu.memory_space<vmem_shared>> -> memref<128x16xf32, #tpu.memory_space<vmem_shared>>
      %dma_wait3A_56 = arith.constant 0 : i32
      %dma_wait3A_57 = tpu.memref_slice %arg7[%add3A_48, %dma_wait3A_56] : memref<10240x16xf32, #tpu.memory_space<vmem_shared>> -> memref<128x16xf32, #tpu.memory_space<vmem_shared>>
      tpu.wait_dma2 semaphore(%run_scoped3A_51 : memref<!tpu.dma_semaphore, #tpu.memory_space<semaphore_mem>>) src(%dma_wait3A_57 : memref<128x16xf32, #tpu.memory_space<vmem_shared>>) dst(%arg6 : memref<128x16xf32, #tpu.memory_space<vmem>>)
      tpu.yield
    }) : () -> ()
    "tpu.region"() ({
      %run_scoped3A_51 = tpu.sem_alloc : memref<!tpu.dma_semaphore, #tpu.memory_space<semaphore_mem>>
      %dma_start3A = arith.constant 0 : i32
      %dma_start3A_52 = tpu.memref_slice %arg3[%arg0, %add3A_48, %dma_start3A] : memref<2x10240x16xf32, #tpu.memory_space<hbm>> -> memref<1x128x16xf32, #tpu.memory_space<hbm>>
      %dma_start3A_53 = tpu.memref_squeeze %dma_start3A_52 : memref<1x128x16xf32, #tpu.memory_space<hbm>> -> memref<128x16xf32, #tpu.memory_space<hbm>>
      %dma_start3A_54 = arith.constant 0 : i32
      %dma_start3A_55 = tpu.memref_slice %arg3[%arg0, %add3A_48, %dma_start3A_54] : memref<2x10240x16xf32, #tpu.memory_space<hbm>> -> memref<1x128x16xf32, #tpu.memory_space<hbm>>
      %dma_start3A_56 = tpu.memref_squeeze %dma_start3A_55 : memref<1x128x16xf32, #tpu.memory_space<hbm>> -> memref<128x16xf32, #tpu.memory_space<hbm>>
      tpu.enqueue_dma source(%arg6 : memref<128x16xf32, #tpu.memory_space<vmem>>) target(%dma_start3A_56 : memref<128x16xf32, #tpu.memory_space<hbm>>) target_semaphore(%run_scoped3A_51 : memref<!tpu.dma_semaphore, #tpu.memory_space<semaphore_mem>>)
      %dma_wait3A = arith.constant 0 : i32
      %dma_wait3A_57 = tpu.memref_slice %arg3[%arg0, %add3A_48, %dma_wait3A] : memref<2x10240x16xf32, #tpu.memory_space<hbm>> -> memref<1x128x16xf32, #tpu.memory_space<hbm>>
      %dma_wait3A_58 = tpu.memref_squeeze %dma_wait3A_57 : memref<1x128x16xf32, #tpu.memory_space<hbm>> -> memref<128x16xf32, #tpu.memory_space<hbm>>
      %dma_wait3A_59 = arith.constant 0 : i32
      %dma_wait3A_60 = tpu.memref_slice %arg3[%arg0, %add3A_48, %dma_wait3A_59] : memref<2x10240x16xf32, #tpu.memory_space<hbm>> -> memref<1x128x16xf32, #tpu.memory_space<hbm>>
      %dma_wait3A_61 = tpu.memref_squeeze %dma_wait3A_60 : memref<1x128x16xf32, #tpu.memory_space<hbm>> -> memref<128x16xf32, #tpu.memory_space<hbm>>
      tpu.wait_dma2 semaphore(%run_scoped3A_51 : memref<!tpu.dma_semaphore, #tpu.memory_space<semaphore_mem>>) src(%arg6 : memref<128x16xf32, #tpu.memory_space<vmem>>) dst(%dma_wait3A_61 : memref<128x16xf32, #tpu.memory_space<hbm>>)
      tpu.yield
    }) : () -> ()
    %add3A_49 = arith.constant 512 : i32
    %add3A_50 = arith.addi %mul3A_10, %add3A_49 : i32
    "tpu.region"() ({
      %run_scoped3A_51 = tpu.sem_alloc : memref<!tpu.dma_semaphore, #tpu.memory_space<semaphore_mem>>
      %dma_start3A = arith.constant 0 : i32
      %dma_start3A_52 = tpu.memref_slice %arg7[%add3A_50, %dma_start3A] : memref<10240x16xf32, #tpu.memory_space<vmem_shared>> -> memref<128x16xf32, #tpu.memory_space<vmem_shared>>
      %dma_start3A_53 = arith.constant 0 : i32
      %dma_start3A_54 = tpu.memref_slice %arg7[%add3A_50, %dma_start3A_53] : memref<10240x16xf32, #tpu.memory_space<vmem_shared>> -> memref<128x16xf32, #tpu.memory_space<vmem_shared>>
      tpu.enqueue_dma source(%dma_start3A_54 : memref<128x16xf32, #tpu.memory_space<vmem_shared>>) target(%arg6 : memref<128x16xf32, #tpu.memory_space<vmem>>) target_semaphore(%run_scoped3A_51 : memref<!tpu.dma_semaphore, #tpu.memory_space<semaphore_mem>>)
      %dma_wait3A = arith.constant 0 : i32
      %dma_wait3A_55 = tpu.memref_slice %arg7[%add3A_50, %dma_wait3A] : memref<10240x16xf32, #tpu.memory_space<vmem_shared>> -> memref<128x16xf32, #tpu.memory_space<vmem_shared>>
      %dma_wait3A_56 = arith.constant 0 : i32
      %dma_wait3A_57 = tpu.memref_slice %arg7[%add3A_50, %dma_wait3A_56] : memref<10240x16xf32, #tpu.memory_space<vmem_shared>> -> memref<128x16xf32, #tpu.memory_space<vmem_shared>>
      tpu.wait_dma2 semaphore(%run_scoped3A_51 : memref<!tpu.dma_semaphore, #tpu.memory_space<semaphore_mem>>) src(%dma_wait3A_57 : memref<128x16xf32, #tpu.memory_space<vmem_shared>>) dst(%arg6 : memref<128x16xf32, #tpu.memory_space<vmem>>)
      tpu.yield
    }) : () -> ()
    "tpu.region"() ({
      %run_scoped3A_51 = tpu.sem_alloc : memref<!tpu.dma_semaphore, #tpu.memory_space<semaphore_mem>>
      %dma_start3A = arith.constant 0 : i32
      %dma_start3A_52 = tpu.memref_slice %arg3[%arg0, %add3A_50, %dma_start3A] : memref<2x10240x16xf32, #tpu.memory_space<hbm>> -> memref<1x128x16xf32, #tpu.memory_space<hbm>>
      %dma_start3A_53 = tpu.memref_squeeze %dma_start3A_52 : memref<1x128x16xf32, #tpu.memory_space<hbm>> -> memref<128x16xf32, #tpu.memory_space<hbm>>
      %dma_start3A_54 = arith.constant 0 : i32
      %dma_start3A_55 = tpu.memref_slice %arg3[%arg0, %add3A_50, %dma_start3A_54] : memref<2x10240x16xf32, #tpu.memory_space<hbm>> -> memref<1x128x16xf32, #tpu.memory_space<hbm>>
      %dma_start3A_56 = tpu.memref_squeeze %dma_start3A_55 : memref<1x128x16xf32, #tpu.memory_space<hbm>> -> memref<128x16xf32, #tpu.memory_space<hbm>>
      tpu.enqueue_dma source(%arg6 : memref<128x16xf32, #tpu.memory_space<vmem>>) target(%dma_start3A_56 : memref<128x16xf32, #tpu.memory_space<hbm>>) target_semaphore(%run_scoped3A_51 : memref<!tpu.dma_semaphore, #tpu.memory_space<semaphore_mem>>)
      %dma_wait3A = arith.constant 0 : i32
      %dma_wait3A_57 = tpu.memref_slice %arg3[%arg0, %add3A_50, %dma_wait3A] : memref<2x10240x16xf32, #tpu.memory_space<hbm>> -> memref<1x128x16xf32, #tpu.memory_space<hbm>>
      %dma_wait3A_58 = tpu.memref_squeeze %dma_wait3A_57 : memref<1x128x16xf32, #tpu.memory_space<hbm>> -> memref<128x16xf32, #tpu.memory_space<hbm>>
      %dma_wait3A_59 = arith.constant 0 : i32
      %dma_wait3A_60 = tpu.memref_slice %arg3[%arg0, %add3A_50, %dma_wait3A_59] : memref<2x10240x16xf32, #tpu.memory_space<hbm>> -> memref<1x128x16xf32, #tpu.memory_space<hbm>>
      %dma_wait3A_61 = tpu.memref_squeeze %dma_wait3A_60 : memref<1x128x16xf32, #tpu.memory_space<hbm>> -> memref<128x16xf32, #tpu.memory_space<hbm>>
      tpu.wait_dma2 semaphore(%run_scoped3A_51 : memref<!tpu.dma_semaphore, #tpu.memory_space<semaphore_mem>>) src(%arg6 : memref<128x16xf32, #tpu.memory_space<vmem>>) dst(%dma_wait3A_61 : memref<128x16xf32, #tpu.memory_space<hbm>>)
      tpu.yield
    }) : () -> ()
    return
  }
}

#map = affine_map<(d0, d1) -> (0, 0)>
#map1 = affine_map<(d0, d1) -> (0, 0, 0)>
module attributes {stable_mosaic.version = 14 : i64} {
  func.func @agg_kernel(%arg0: i32, %arg1: i32, %arg2: memref<10240x64xf32, #tpu.memory_space<hbm>>, %arg3: memref<2x2500x128xi32, #tpu.memory_space<hbm>>, %arg4: memref<2x10240x64xf32, #tpu.memory_space<hbm>>, %arg5: memref<79x128xi32, #tpu.memory_space<vmem>>, %arg6: memref<79x128xi32, #tpu.memory_space<vmem>>, %arg7: memref<128x64xf32, #tpu.memory_space<vmem>>, %arg8: memref<128x64xf32, #tpu.memory_space<vmem>>, %arg9: memref<10240x64xf32, #tpu.memory_space<vmem_shared>>, %arg10: memref<10240x64xf32, #tpu.memory_space<vmem_shared>>, %arg11: memref<!tpu.dma_semaphore, #tpu.memory_space<semaphore_mem>>, %arg12: memref<!tpu.dma_semaphore, #tpu.memory_space<semaphore_mem>>) attributes {dimension_semantics = [#tpu.dimension_semantics<core_parallel>, #tpu.dimension_semantics<subcore_parallel>], iteration_bounds = array<i64: 2, 16>, scalar_prefetch = 0 : i64, scratch_operands = 8 : i64, tpu.core_type = #tpu.core_type<sc_vector_subcore>, window_params = [{transform_indices = #map}, {transform_indices = #map1}, {transform_indices = #map1}]} {
    %mul3A = arith.constant 2 : i32
    %mul3A_0 = arith.muli %arg1, %mul3A : i32
    %add3A = arith.addi %mul3A_0, %arg0 : i32
    %broadcast_in_dim3A = arith.constant 0.000000e+00 : f32
    %broadcast_in_dim3A_1 = vector.broadcast %broadcast_in_dim3A : f32 to vector<16xf32>
    %scan3A = arith.constant 0 : i32
    %scan3A_2 = arith.constant 0 : i32
    %scan3A_3 = arith.constant 128 : i32
    %scan3A_4 = arith.addi %scan3A_2, %scan3A_3 : i32
    %scan3A_5 = arith.constant 1 : i32
    scf.for %scan3A_61 = %scan3A_2 to %scan3A_4 step %scan3A_5  : i32 {
      %swap3A = arith.index_cast %scan3A_61 : i32 to index
      %swap3A_62 = arith.constant 0 : index
      %swap3A_63 = tpu.vector_load %arg7[%swap3A, %swap3A_62] {strides = array<i32>} : memref<128x64xf32, #tpu.memory_space<vmem>>, vector<1x16xf32>,
      %swap3A_64 = vector.shape_cast %swap3A_63 : vector<1x16xf32> to vector<16xf32>
      %swap3A_65 = vector.shape_cast %broadcast_in_dim3A_1 : vector<16xf32> to vector<1x16xf32>
      tpu.vector_store %arg7[%swap3A, %swap3A_62], %swap3A_65 {strides = array<i32>} : memref<128x64xf32, #tpu.memory_space<vmem>>, vector<1x16xf32>,
      %swap3A_66 = arith.index_cast %scan3A_61 : i32 to index
      %swap3A_67 = arith.constant 16 : index
      %swap3A_68 = tpu.vector_load %arg7[%swap3A_66, %swap3A_67] {strides = array<i32>} : memref<128x64xf32, #tpu.memory_space<vmem>>, vector<1x16xf32>,
      %swap3A_69 = vector.shape_cast %swap3A_68 : vector<1x16xf32> to vector<16xf32>
      %swap3A_70 = vector.shape_cast %broadcast_in_dim3A_1 : vector<16xf32> to vector<1x16xf32>
      tpu.vector_store %arg7[%swap3A_66, %swap3A_67], %swap3A_70 {strides = array<i32>} : memref<128x64xf32, #tpu.memory_space<vmem>>, vector<1x16xf32>,
      %swap3A_71 = arith.index_cast %scan3A_61 : i32 to index
      %swap3A_72 = arith.constant 32 : index
      %swap3A_73 = tpu.vector_load %arg7[%swap3A_71, %swap3A_72] {strides = array<i32>} : memref<128x64xf32, #tpu.memory_space<vmem>>, vector<1x16xf32>,
      %swap3A_74 = vector.shape_cast %swap3A_73 : vector<1x16xf32> to vector<16xf32>
      %swap3A_75 = vector.shape_cast %broadcast_in_dim3A_1 : vector<16xf32> to vector<1x16xf32>
      tpu.vector_store %arg7[%swap3A_71, %swap3A_72], %swap3A_75 {strides = array<i32>} : memref<128x64xf32, #tpu.memory_space<vmem>>, vector<1x16xf32>,
      %swap3A_76 = arith.index_cast %scan3A_61 : i32 to index
      %swap3A_77 = arith.constant 48 : index
      %swap3A_78 = tpu.vector_load %arg7[%swap3A_76, %swap3A_77] {strides = array<i32>} : memref<128x64xf32, #tpu.memory_space<vmem>>, vector<1x16xf32>,
      %swap3A_79 = vector.shape_cast %swap3A_78 : vector<1x16xf32> to vector<16xf32>
      %swap3A_80 = vector.shape_cast %broadcast_in_dim3A_1 : vector<16xf32> to vector<1x16xf32>
      tpu.vector_store %arg7[%swap3A_76, %swap3A_77], %swap3A_80 {strides = array<i32>} : memref<128x64xf32, #tpu.memory_space<vmem>>, vector<1x16xf32>,
    }
    %scan3A_6 = arith.constant 128 : i32
    %mul3A_7 = arith.constant 640 : i32
    %mul3A_8 = arith.muli %arg1, %mul3A_7 : i32
    %add3A_9 = arith.constant 0 : i32
    %add3A_10 = arith.addi %mul3A_8, %add3A_9 : i32
    "tpu.region"() ({
      %run_scoped3A_61 = tpu.sem_alloc : memref<!tpu.dma_semaphore, #tpu.memory_space<semaphore_mem>>
      %dma_start3A_62 = arith.constant 0 : i32
      %dma_start3A_63 = tpu.memref_slice %arg10[%add3A_10, %dma_start3A_62] : memref<10240x64xf32, #tpu.memory_space<vmem_shared>> -> memref<128x64xf32, #tpu.memory_space<vmem_shared>>
      %dma_start3A_64 = arith.constant 0 : i32
      %dma_start3A_65 = tpu.memref_slice %arg10[%add3A_10, %dma_start3A_64] : memref<10240x64xf32, #tpu.memory_space<vmem_shared>> -> memref<128x64xf32, #tpu.memory_space<vmem_shared>>
      tpu.enqueue_dma source(%arg7 : memref<128x64xf32, #tpu.memory_space<vmem>>) target(%dma_start3A_65 : memref<128x64xf32, #tpu.memory_space<vmem_shared>>) target_semaphore(%run_scoped3A_61 : memref<!tpu.dma_semaphore, #tpu.memory_space<semaphore_mem>>)
      %dma_wait3A = arith.constant 0 : i32
      %dma_wait3A_66 = tpu.memref_slice %arg10[%add3A_10, %dma_wait3A] : memref<10240x64xf32, #tpu.memory_space<vmem_shared>> -> memref<128x64xf32, #tpu.memory_space<vmem_shared>>
      %dma_wait3A_67 = arith.constant 0 : i32
      %dma_wait3A_68 = tpu.memref_slice %arg10[%add3A_10, %dma_wait3A_67] : memref<10240x64xf32, #tpu.memory_space<vmem_shared>> -> memref<128x64xf32, #tpu.memory_space<vmem_shared>>
      tpu.wait_dma2 semaphore(%run_scoped3A_61 : memref<!tpu.dma_semaphore, #tpu.memory_space<semaphore_mem>>) src(%arg7 : memref<128x64xf32, #tpu.memory_space<vmem>>) dst(%dma_wait3A_68 : memref<128x64xf32, #tpu.memory_space<vmem_shared>>)
      tpu.yield
    }) : () -> ()
    %add3A_11 = arith.constant 128 : i32
    %add3A_12 = arith.addi %mul3A_8, %add3A_11 : i32
    "tpu.region"() ({
      %run_scoped3A_61 = tpu.sem_alloc : memref<!tpu.dma_semaphore, #tpu.memory_space<semaphore_mem>>
      %dma_start3A_62 = arith.constant 0 : i32
      %dma_start3A_63 = tpu.memref_slice %arg10[%add3A_12, %dma_start3A_62] : memref<10240x64xf32, #tpu.memory_space<vmem_shared>> -> memref<128x64xf32, #tpu.memory_space<vmem_shared>>
      %dma_start3A_64 = arith.constant 0 : i32
      %dma_start3A_65 = tpu.memref_slice %arg10[%add3A_12, %dma_start3A_64] : memref<10240x64xf32, #tpu.memory_space<vmem_shared>> -> memref<128x64xf32, #tpu.memory_space<vmem_shared>>
      tpu.enqueue_dma source(%arg7 : memref<128x64xf32, #tpu.memory_space<vmem>>) target(%dma_start3A_65 : memref<128x64xf32, #tpu.memory_space<vmem_shared>>) target_semaphore(%run_scoped3A_61 : memref<!tpu.dma_semaphore, #tpu.memory_space<semaphore_mem>>)
      %dma_wait3A = arith.constant 0 : i32
      %dma_wait3A_66 = tpu.memref_slice %arg10[%add3A_12, %dma_wait3A] : memref<10240x64xf32, #tpu.memory_space<vmem_shared>> -> memref<128x64xf32, #tpu.memory_space<vmem_shared>>
      %dma_wait3A_67 = arith.constant 0 : i32
      %dma_wait3A_68 = tpu.memref_slice %arg10[%add3A_12, %dma_wait3A_67] : memref<10240x64xf32, #tpu.memory_space<vmem_shared>> -> memref<128x64xf32, #tpu.memory_space<vmem_shared>>
      tpu.wait_dma2 semaphore(%run_scoped3A_61 : memref<!tpu.dma_semaphore, #tpu.memory_space<semaphore_mem>>) src(%arg7 : memref<128x64xf32, #tpu.memory_space<vmem>>) dst(%dma_wait3A_68 : memref<128x64xf32, #tpu.memory_space<vmem_shared>>)
      tpu.yield
    }) : () -> ()
    %add3A_13 = arith.constant 256 : i32
    %add3A_14 = arith.addi %mul3A_8, %add3A_13 : i32
    "tpu.region"() ({
      %run_scoped3A_61 = tpu.sem_alloc : memref<!tpu.dma_semaphore, #tpu.memory_space<semaphore_mem>>
      %dma_start3A_62 = arith.constant 0 : i32
      %dma_start3A_63 = tpu.memref_slice %arg10[%add3A_14, %dma_start3A_62] : memref<10240x64xf32, #tpu.memory_space<vmem_shared>> -> memref<128x64xf32, #tpu.memory_space<vmem_shared>>
      %dma_start3A_64 = arith.constant 0 : i32
      %dma_start3A_65 = tpu.memref_slice %arg10[%add3A_14, %dma_start3A_64] : memref<10240x64xf32, #tpu.memory_space<vmem_shared>> -> memref<128x64xf32, #tpu.memory_space<vmem_shared>>
      tpu.enqueue_dma source(%arg7 : memref<128x64xf32, #tpu.memory_space<vmem>>) target(%dma_start3A_65 : memref<128x64xf32, #tpu.memory_space<vmem_shared>>) target_semaphore(%run_scoped3A_61 : memref<!tpu.dma_semaphore, #tpu.memory_space<semaphore_mem>>)
      %dma_wait3A = arith.constant 0 : i32
      %dma_wait3A_66 = tpu.memref_slice %arg10[%add3A_14, %dma_wait3A] : memref<10240x64xf32, #tpu.memory_space<vmem_shared>> -> memref<128x64xf32, #tpu.memory_space<vmem_shared>>
      %dma_wait3A_67 = arith.constant 0 : i32
      %dma_wait3A_68 = tpu.memref_slice %arg10[%add3A_14, %dma_wait3A_67] : memref<10240x64xf32, #tpu.memory_space<vmem_shared>> -> memref<128x64xf32, #tpu.memory_space<vmem_shared>>
      tpu.wait_dma2 semaphore(%run_scoped3A_61 : memref<!tpu.dma_semaphore, #tpu.memory_space<semaphore_mem>>) src(%arg7 : memref<128x64xf32, #tpu.memory_space<vmem>>) dst(%dma_wait3A_68 : memref<128x64xf32, #tpu.memory_space<vmem_shared>>)
      tpu.yield
    }) : () -> ()
    %add3A_15 = arith.constant 384 : i32
    %add3A_16 = arith.addi %mul3A_8, %add3A_15 : i32
    "tpu.region"() ({
      %run_scoped3A_61 = tpu.sem_alloc : memref<!tpu.dma_semaphore, #tpu.memory_space<semaphore_mem>>
      %dma_start3A_62 = arith.constant 0 : i32
      %dma_start3A_63 = tpu.memref_slice %arg10[%add3A_16, %dma_start3A_62] : memref<10240x64xf32, #tpu.memory_space<vmem_shared>> -> memref<128x64xf32, #tpu.memory_space<vmem_shared>>
      %dma_start3A_64 = arith.constant 0 : i32
      %dma_start3A_65 = tpu.memref_slice %arg10[%add3A_16, %dma_start3A_64] : memref<10240x64xf32, #tpu.memory_space<vmem_shared>> -> memref<128x64xf32, #tpu.memory_space<vmem_shared>>
      tpu.enqueue_dma source(%arg7 : memref<128x64xf32, #tpu.memory_space<vmem>>) target(%dma_start3A_65 : memref<128x64xf32, #tpu.memory_space<vmem_shared>>) target_semaphore(%run_scoped3A_61 : memref<!tpu.dma_semaphore, #tpu.memory_space<semaphore_mem>>)
      %dma_wait3A = arith.constant 0 : i32
      %dma_wait3A_66 = tpu.memref_slice %arg10[%add3A_16, %dma_wait3A] : memref<10240x64xf32, #tpu.memory_space<vmem_shared>> -> memref<128x64xf32, #tpu.memory_space<vmem_shared>>
      %dma_wait3A_67 = arith.constant 0 : i32
      %dma_wait3A_68 = tpu.memref_slice %arg10[%add3A_16, %dma_wait3A_67] : memref<10240x64xf32, #tpu.memory_space<vmem_shared>> -> memref<128x64xf32, #tpu.memory_space<vmem_shared>>
      tpu.wait_dma2 semaphore(%run_scoped3A_61 : memref<!tpu.dma_semaphore, #tpu.memory_space<semaphore_mem>>) src(%arg7 : memref<128x64xf32, #tpu.memory_space<vmem>>) dst(%dma_wait3A_68 : memref<128x64xf32, #tpu.memory_space<vmem_shared>>)
      tpu.yield
    }) : () -> ()
    %add3A_17 = arith.constant 512 : i32
    %add3A_18 = arith.addi %mul3A_8, %add3A_17 : i32
    "tpu.region"() ({
      %run_scoped3A_61 = tpu.sem_alloc : memref<!tpu.dma_semaphore, #tpu.memory_space<semaphore_mem>>
      %dma_start3A_62 = arith.constant 0 : i32
      %dma_start3A_63 = tpu.memref_slice %arg10[%add3A_18, %dma_start3A_62] : memref<10240x64xf32, #tpu.memory_space<vmem_shared>> -> memref<128x64xf32, #tpu.memory_space<vmem_shared>>
      %dma_start3A_64 = arith.constant 0 : i32
      %dma_start3A_65 = tpu.memref_slice %arg10[%add3A_18, %dma_start3A_64] : memref<10240x64xf32, #tpu.memory_space<vmem_shared>> -> memref<128x64xf32, #tpu.memory_space<vmem_shared>>
      tpu.enqueue_dma source(%arg7 : memref<128x64xf32, #tpu.memory_space<vmem>>) target(%dma_start3A_65 : memref<128x64xf32, #tpu.memory_space<vmem_shared>>) target_semaphore(%run_scoped3A_61 : memref<!tpu.dma_semaphore, #tpu.memory_space<semaphore_mem>>)
      %dma_wait3A = arith.constant 0 : i32
      %dma_wait3A_66 = tpu.memref_slice %arg10[%add3A_18, %dma_wait3A] : memref<10240x64xf32, #tpu.memory_space<vmem_shared>> -> memref<128x64xf32, #tpu.memory_space<vmem_shared>>
      %dma_wait3A_67 = arith.constant 0 : i32
      %dma_wait3A_68 = tpu.memref_slice %arg10[%add3A_18, %dma_wait3A_67] : memref<10240x64xf32, #tpu.memory_space<vmem_shared>> -> memref<128x64xf32, #tpu.memory_space<vmem_shared>>
      tpu.wait_dma2 semaphore(%run_scoped3A_61 : memref<!tpu.dma_semaphore, #tpu.memory_space<semaphore_mem>>) src(%arg7 : memref<128x64xf32, #tpu.memory_space<vmem>>) dst(%dma_wait3A_68 : memref<128x64xf32, #tpu.memory_space<vmem_shared>>)
      tpu.yield
    }) : () -> ()
    "tpu.region"() ({
      %run_scoped3A_61 = tpu.sem_alloc : memref<!tpu.dma_semaphore, #tpu.memory_space<semaphore_mem>>
      %dma_start3A_62 = arith.constant 0 : i32
      %dma_start3A_63 = tpu.memref_slice %arg9[%mul3A_8, %dma_start3A_62] : memref<10240x64xf32, #tpu.memory_space<vmem_shared>> -> memref<640x64xf32, #tpu.memory_space<vmem_shared>>
      %dma_start3A_64 = arith.constant 0 : i32
      %dma_start3A_65 = tpu.memref_slice %arg2[%mul3A_8, %dma_start3A_64] : memref<10240x64xf32, #tpu.memory_space<hbm>> -> memref<640x64xf32, #tpu.memory_space<hbm>>
      tpu.enqueue_dma source(%dma_start3A_65 : memref<640x64xf32, #tpu.memory_space<hbm>>) target(%dma_start3A_63 : memref<640x64xf32, #tpu.memory_space<vmem_shared>>) target_semaphore(%run_scoped3A_61 : memref<!tpu.dma_semaphore, #tpu.memory_space<semaphore_mem>>)
      %dma_wait3A = arith.constant 0 : i32
      %dma_wait3A_66 = tpu.memref_slice %arg9[%mul3A_8, %dma_wait3A] : memref<10240x64xf32, #tpu.memory_space<vmem_shared>> -> memref<640x64xf32, #tpu.memory_space<vmem_shared>>
      %dma_wait3A_67 = arith.constant 0 : i32
      %dma_wait3A_68 = tpu.memref_slice %arg2[%mul3A_8, %dma_wait3A_67] : memref<10240x64xf32, #tpu.memory_space<hbm>> -> memref<640x64xf32, #tpu.memory_space<hbm>>
      tpu.wait_dma2 semaphore(%run_scoped3A_61 : memref<!tpu.dma_semaphore, #tpu.memory_space<semaphore_mem>>) src(%dma_wait3A_68 : memref<640x64xf32, #tpu.memory_space<hbm>>) dst(%dma_wait3A_66 : memref<640x64xf32, #tpu.memory_space<vmem_shared>>)
      tpu.yield
    }) : () -> ()
    %barrier3A = arith.constant 0 : index
    tpu.barrier barrier_id(%barrier3A)
    %mul3A_19 = arith.constant 78 : i32
    %mul3A_20 = arith.muli %add3A, %mul3A_19 : i32
    %run_scoped3A = arith.constant 0 : i32
    "tpu.region"() ({
      %run_scoped3A_61 = tpu.sem_alloc : memref<!tpu.dma_semaphore, #tpu.memory_space<semaphore_mem>>
      %dma_start3A_62 = arith.constant 0 : i32
      %dma_start3A_63 = arith.constant 0 : i32
      %dma_start3A_64 = tpu.memref_slice %arg5[%dma_start3A_62, %dma_start3A_63] : memref<79x128xi32, #tpu.memory_space<vmem>> -> memref<78x128xi32, #tpu.memory_space<vmem>>
      %dma_start3A_65 = arith.constant 0 : i32
      %dma_start3A_66 = arith.constant 0 : i32
      %dma_start3A_67 = tpu.memref_slice %arg3[%run_scoped3A, %dma_start3A_65, %dma_start3A_66] : memref<2x2500x128xi32, #tpu.memory_space<hbm>> -> memref<1x2500x128xi32, #tpu.memory_space<hbm>>
      %dma_start3A_68 = tpu.memref_squeeze %dma_start3A_67 : memref<1x2500x128xi32, #tpu.memory_space<hbm>> -> memref<2500x128xi32, #tpu.memory_space<hbm>>
      %dma_start3A_69 = arith.constant 0 : i32
      %dma_start3A_70 = tpu.memref_slice %dma_start3A_68[%mul3A_20, %dma_start3A_69] : memref<2500x128xi32, #tpu.memory_space<hbm>> -> memref<78x128xi32, #tpu.memory_space<hbm>>
      %dma_start3A_71 = arith.constant 0 : i32
      %dma_start3A_72 = arith.constant 0 : i32
      %dma_start3A_73 = tpu.memref_slice %arg5[%dma_start3A_71, %dma_start3A_72] : memref<79x128xi32, #tpu.memory_space<vmem>> -> memref<78x128xi32, #tpu.memory_space<vmem>>
      %dma_start3A_74 = arith.constant 0 : i32
      %dma_start3A_75 = arith.constant 0 : i32
      %dma_start3A_76 = tpu.memref_slice %arg3[%run_scoped3A, %dma_start3A_74, %dma_start3A_75] : memref<2x2500x128xi32, #tpu.memory_space<hbm>> -> memref<1x2500x128xi32, #tpu.memory_space<hbm>>
      %dma_start3A_77 = tpu.memref_squeeze %dma_start3A_76 : memref<1x2500x128xi32, #tpu.memory_space<hbm>> -> memref<2500x128xi32, #tpu.memory_space<hbm>>
      %dma_start3A_78 = arith.constant 0 : i32
      %dma_start3A_79 = tpu.memref_slice %dma_start3A_77[%mul3A_20, %dma_start3A_78] : memref<2500x128xi32, #tpu.memory_space<hbm>> -> memref<78x128xi32, #tpu.memory_space<hbm>>
      tpu.enqueue_dma source(%dma_start3A_79 : memref<78x128xi32, #tpu.memory_space<hbm>>) target(%dma_start3A_73 : memref<78x128xi32, #tpu.memory_space<vmem>>) target_semaphore(%run_scoped3A_61 : memref<!tpu.dma_semaphore, #tpu.memory_space<semaphore_mem>>)
      %dma_wait3A = arith.constant 0 : i32
      %dma_wait3A_80 = arith.constant 0 : i32
      %dma_wait3A_81 = tpu.memref_slice %arg5[%dma_wait3A, %dma_wait3A_80] : memref<79x128xi32, #tpu.memory_space<vmem>> -> memref<78x128xi32, #tpu.memory_space<vmem>>
      %dma_wait3A_82 = arith.constant 0 : i32
      %dma_wait3A_83 = arith.constant 0 : i32
      %dma_wait3A_84 = tpu.memref_slice %arg3[%run_scoped3A, %dma_wait3A_82, %dma_wait3A_83] : memref<2x2500x128xi32, #tpu.memory_space<hbm>> -> memref<1x2500x128xi32, #tpu.memory_space<hbm>>
      %dma_wait3A_85 = tpu.memref_squeeze %dma_wait3A_84 : memref<1x2500x128xi32, #tpu.memory_space<hbm>> -> memref<2500x128xi32, #tpu.memory_space<hbm>>
      %dma_wait3A_86 = arith.constant 0 : i32
      %dma_wait3A_87 = tpu.memref_slice %dma_wait3A_85[%mul3A_20, %dma_wait3A_86] : memref<2500x128xi32, #tpu.memory_space<hbm>> -> memref<78x128xi32, #tpu.memory_space<hbm>>
      %dma_wait3A_88 = arith.constant 0 : i32
      %dma_wait3A_89 = arith.constant 0 : i32
      %dma_wait3A_90 = tpu.memref_slice %arg5[%dma_wait3A_88, %dma_wait3A_89] : memref<79x128xi32, #tpu.memory_space<vmem>> -> memref<78x128xi32, #tpu.memory_space<vmem>>
      %dma_wait3A_91 = arith.constant 0 : i32
      %dma_wait3A_92 = arith.constant 0 : i32
      %dma_wait3A_93 = tpu.memref_slice %arg3[%run_scoped3A, %dma_wait3A_91, %dma_wait3A_92] : memref<2x2500x128xi32, #tpu.memory_space<hbm>> -> memref<1x2500x128xi32, #tpu.memory_space<hbm>>
      %dma_wait3A_94 = tpu.memref_squeeze %dma_wait3A_93 : memref<1x2500x128xi32, #tpu.memory_space<hbm>> -> memref<2500x128xi32, #tpu.memory_space<hbm>>
      %dma_wait3A_95 = arith.constant 0 : i32
      %dma_wait3A_96 = tpu.memref_slice %dma_wait3A_94[%mul3A_20, %dma_wait3A_95] : memref<2500x128xi32, #tpu.memory_space<hbm>> -> memref<78x128xi32, #tpu.memory_space<hbm>>
      tpu.wait_dma2 semaphore(%run_scoped3A_61 : memref<!tpu.dma_semaphore, #tpu.memory_space<semaphore_mem>>) src(%dma_wait3A_96 : memref<78x128xi32, #tpu.memory_space<hbm>>) dst(%dma_wait3A_90 : memref<78x128xi32, #tpu.memory_space<vmem>>)
      tpu.yield
    }) : () -> ()
    %lt3A = arith.constant 4 : i32
    %lt3A_21 = arith.cmpi slt, %add3A, %lt3A : i32
    %convert_element_type3A = arith.extui %lt3A_21 : i1 to i32
    %cond3A = arith.constant 0 : i32
    %cond3A_22 = arith.constant 0 : i32
    %cond3A_23 = arith.cmpi ne, %convert_element_type3A, %cond3A_22 : i32
    scf.if %cond3A_23 {
      %add3A_61 = arith.constant 2496 : i32
      %add3A_62 = arith.addi %add3A_61, %add3A : i32
      %run_scoped3A_63 = arith.constant 78 : i32
      "tpu.region"() ({
        %run_scoped3A_64 = tpu.sem_alloc : memref<!tpu.dma_semaphore, #tpu.memory_space<semaphore_mem>>
        %dma_start3A_65 = arith.constant 0 : i32
        %dma_start3A_66 = tpu.memref_slice %arg5[%run_scoped3A_63, %dma_start3A_65] : memref<79x128xi32, #tpu.memory_space<vmem>> -> memref<1x128xi32, #tpu.memory_space<vmem>>
        %dma_start3A_67 = tpu.memref_squeeze %dma_start3A_66 : memref<1x128xi32, #tpu.memory_space<vmem>> -> memref<128xi32, #tpu.memory_space<vmem>>
        %dma_start3A_68 = arith.constant 0 : i32
        %dma_start3A_69 = arith.constant 0 : i32
        %dma_start3A_70 = tpu.memref_slice %arg3[%cond3A, %dma_start3A_68, %dma_start3A_69] : memref<2x2500x128xi32, #tpu.memory_space<hbm>> -> memref<1x2500x128xi32, #tpu.memory_space<hbm>>
        %dma_start3A_71 = tpu.memref_squeeze %dma_start3A_70 : memref<1x2500x128xi32, #tpu.memory_space<hbm>> -> memref<2500x128xi32, #tpu.memory_space<hbm>>
        %dma_start3A_72 = arith.constant 0 : i32
        %dma_start3A_73 = tpu.memref_slice %dma_start3A_71[%add3A_62, %dma_start3A_72] : memref<2500x128xi32, #tpu.memory_space<hbm>> -> memref<1x128xi32, #tpu.memory_space<hbm>>
        %dma_start3A_74 = tpu.memref_squeeze %dma_start3A_73 : memref<1x128xi32, #tpu.memory_space<hbm>> -> memref<128xi32, #tpu.memory_space<hbm>>
        %dma_start3A_75 = arith.constant 0 : i32
        %dma_start3A_76 = tpu.memref_slice %arg5[%run_scoped3A_63, %dma_start3A_75] : memref<79x128xi32, #tpu.memory_space<vmem>> -> memref<1x128xi32, #tpu.memory_space<vmem>>
        %dma_start3A_77 = tpu.memref_squeeze %dma_start3A_76 : memref<1x128xi32, #tpu.memory_space<vmem>> -> memref<128xi32, #tpu.memory_space<vmem>>
        %dma_start3A_78 = arith.constant 0 : i32
        %dma_start3A_79 = arith.constant 0 : i32
        %dma_start3A_80 = tpu.memref_slice %arg3[%cond3A, %dma_start3A_78, %dma_start3A_79] : memref<2x2500x128xi32, #tpu.memory_space<hbm>> -> memref<1x2500x128xi32, #tpu.memory_space<hbm>>
        %dma_start3A_81 = tpu.memref_squeeze %dma_start3A_80 : memref<1x2500x128xi32, #tpu.memory_space<hbm>> -> memref<2500x128xi32, #tpu.memory_space<hbm>>
        %dma_start3A_82 = arith.constant 0 : i32
        %dma_start3A_83 = tpu.memref_slice %dma_start3A_81[%add3A_62, %dma_start3A_82] : memref<2500x128xi32, #tpu.memory_space<hbm>> -> memref<1x128xi32, #tpu.memory_space<hbm>>
        %dma_start3A_84 = tpu.memref_squeeze %dma_start3A_83 : memref<1x128xi32, #tpu.memory_space<hbm>> -> memref<128xi32, #tpu.memory_space<hbm>>
        tpu.enqueue_dma source(%dma_start3A_84 : memref<128xi32, #tpu.memory_space<hbm>>) target(%dma_start3A_77 : memref<128xi32, #tpu.memory_space<vmem>>) target_semaphore(%run_scoped3A_64 : memref<!tpu.dma_semaphore, #tpu.memory_space<semaphore_mem>>)
        %dma_wait3A = arith.constant 0 : i32
        %dma_wait3A_85 = tpu.memref_slice %arg5[%run_scoped3A_63, %dma_wait3A] : memref<79x128xi32, #tpu.memory_space<vmem>> -> memref<1x128xi32, #tpu.memory_space<vmem>>
        %dma_wait3A_86 = tpu.memref_squeeze %dma_wait3A_85 : memref<1x128xi32, #tpu.memory_space<vmem>> -> memref<128xi32, #tpu.memory_space<vmem>>
        %dma_wait3A_87 = arith.constant 0 : i32
        %dma_wait3A_88 = arith.constant 0 : i32
        %dma_wait3A_89 = tpu.memref_slice %arg3[%cond3A, %dma_wait3A_87, %dma_wait3A_88] : memref<2x2500x128xi32, #tpu.memory_space<hbm>> -> memref<1x2500x128xi32, #tpu.memory_space<hbm>>
        %dma_wait3A_90 = tpu.memref_squeeze %dma_wait3A_89 : memref<1x2500x128xi32, #tpu.memory_space<hbm>> -> memref<2500x128xi32, #tpu.memory_space<hbm>>
        %dma_wait3A_91 = arith.constant 0 : i32
        %dma_wait3A_92 = tpu.memref_slice %dma_wait3A_90[%add3A_62, %dma_wait3A_91] : memref<2500x128xi32, #tpu.memory_space<hbm>> -> memref<1x128xi32, #tpu.memory_space<hbm>>
        %dma_wait3A_93 = tpu.memref_squeeze %dma_wait3A_92 : memref<1x128xi32, #tpu.memory_space<hbm>> -> memref<128xi32, #tpu.memory_space<hbm>>
        %dma_wait3A_94 = arith.constant 0 : i32
        %dma_wait3A_95 = tpu.memref_slice %arg5[%run_scoped3A_63, %dma_wait3A_94] : memref<79x128xi32, #tpu.memory_space<vmem>> -> memref<1x128xi32, #tpu.memory_space<vmem>>
        %dma_wait3A_96 = tpu.memref_squeeze %dma_wait3A_95 : memref<1x128xi32, #tpu.memory_space<vmem>> -> memref<128xi32, #tpu.memory_space<vmem>>
        %dma_wait3A_97 = arith.constant 0 : i32
        %dma_wait3A_98 = arith.constant 0 : i32
        %dma_wait3A_99 = tpu.memref_slice %arg3[%cond3A, %dma_wait3A_97, %dma_wait3A_98] : memref<2x2500x128xi32, #tpu.memory_space<hbm>> -> memref<1x2500x128xi32, #tpu.memory_space<hbm>>
        %dma_wait3A_100 = tpu.memref_squeeze %dma_wait3A_99 : memref<1x2500x128xi32, #tpu.memory_space<hbm>> -> memref<2500x128xi32, #tpu.memory_space<hbm>>
        %dma_wait3A_101 = arith.constant 0 : i32
        %dma_wait3A_102 = tpu.memref_slice %dma_wait3A_100[%add3A_62, %dma_wait3A_101] : memref<2500x128xi32, #tpu.memory_space<hbm>> -> memref<1x128xi32, #tpu.memory_space<hbm>>
        %dma_wait3A_103 = tpu.memref_squeeze %dma_wait3A_102 : memref<1x128xi32, #tpu.memory_space<hbm>> -> memref<128xi32, #tpu.memory_space<hbm>>
        tpu.wait_dma2 semaphore(%run_scoped3A_64 : memref<!tpu.dma_semaphore, #tpu.memory_space<semaphore_mem>>) src(%dma_wait3A_103 : memref<128xi32, #tpu.memory_space<hbm>>) dst(%dma_wait3A_96 : memref<128xi32, #tpu.memory_space<vmem>>)
        tpu.yield
      }) : () -> ()
    } else {
    }
    %mul3A_24 = arith.constant 78 : i32
    %mul3A_25 = arith.muli %add3A, %mul3A_24 : i32
    %run_scoped3A_26 = arith.constant 1 : i32
    "tpu.region"() ({
      %run_scoped3A_61 = tpu.sem_alloc : memref<!tpu.dma_semaphore, #tpu.memory_space<semaphore_mem>>
      %dma_start3A_62 = arith.constant 0 : i32
      %dma_start3A_63 = arith.constant 0 : i32
      %dma_start3A_64 = tpu.memref_slice %arg6[%dma_start3A_62, %dma_start3A_63] : memref<79x128xi32, #tpu.memory_space<vmem>> -> memref<78x128xi32, #tpu.memory_space<vmem>>
      %dma_start3A_65 = arith.constant 0 : i32
      %dma_start3A_66 = arith.constant 0 : i32
      %dma_start3A_67 = tpu.memref_slice %arg3[%run_scoped3A_26, %dma_start3A_65, %dma_start3A_66] : memref<2x2500x128xi32, #tpu.memory_space<hbm>> -> memref<1x2500x128xi32, #tpu.memory_space<hbm>>
      %dma_start3A_68 = tpu.memref_squeeze %dma_start3A_67 : memref<1x2500x128xi32, #tpu.memory_space<hbm>> -> memref<2500x128xi32, #tpu.memory_space<hbm>>
      %dma_start3A_69 = arith.constant 0 : i32
      %dma_start3A_70 = tpu.memref_slice %dma_start3A_68[%mul3A_25, %dma_start3A_69] : memref<2500x128xi32, #tpu.memory_space<hbm>> -> memref<78x128xi32, #tpu.memory_space<hbm>>
      %dma_start3A_71 = arith.constant 0 : i32
      %dma_start3A_72 = arith.constant 0 : i32
      %dma_start3A_73 = tpu.memref_slice %arg6[%dma_start3A_71, %dma_start3A_72] : memref<79x128xi32, #tpu.memory_space<vmem>> -> memref<78x128xi32, #tpu.memory_space<vmem>>
      %dma_start3A_74 = arith.constant 0 : i32
      %dma_start3A_75 = arith.constant 0 : i32
      %dma_start3A_76 = tpu.memref_slice %arg3[%run_scoped3A_26, %dma_start3A_74, %dma_start3A_75] : memref<2x2500x128xi32, #tpu.memory_space<hbm>> -> memref<1x2500x128xi32, #tpu.memory_space<hbm>>
      %dma_start3A_77 = tpu.memref_squeeze %dma_start3A_76 : memref<1x2500x128xi32, #tpu.memory_space<hbm>> -> memref<2500x128xi32, #tpu.memory_space<hbm>>
      %dma_start3A_78 = arith.constant 0 : i32
      %dma_start3A_79 = tpu.memref_slice %dma_start3A_77[%mul3A_25, %dma_start3A_78] : memref<2500x128xi32, #tpu.memory_space<hbm>> -> memref<78x128xi32, #tpu.memory_space<hbm>>
      tpu.enqueue_dma source(%dma_start3A_79 : memref<78x128xi32, #tpu.memory_space<hbm>>) target(%dma_start3A_73 : memref<78x128xi32, #tpu.memory_space<vmem>>) target_semaphore(%run_scoped3A_61 : memref<!tpu.dma_semaphore, #tpu.memory_space<semaphore_mem>>)
      %dma_wait3A = arith.constant 0 : i32
      %dma_wait3A_80 = arith.constant 0 : i32
      %dma_wait3A_81 = tpu.memref_slice %arg6[%dma_wait3A, %dma_wait3A_80] : memref<79x128xi32, #tpu.memory_space<vmem>> -> memref<78x128xi32, #tpu.memory_space<vmem>>
      %dma_wait3A_82 = arith.constant 0 : i32
      %dma_wait3A_83 = arith.constant 0 : i32
      %dma_wait3A_84 = tpu.memref_slice %arg3[%run_scoped3A_26, %dma_wait3A_82, %dma_wait3A_83] : memref<2x2500x128xi32, #tpu.memory_space<hbm>> -> memref<1x2500x128xi32, #tpu.memory_space<hbm>>
      %dma_wait3A_85 = tpu.memref_squeeze %dma_wait3A_84 : memref<1x2500x128xi32, #tpu.memory_space<hbm>> -> memref<2500x128xi32, #tpu.memory_space<hbm>>
      %dma_wait3A_86 = arith.constant 0 : i32
      %dma_wait3A_87 = tpu.memref_slice %dma_wait3A_85[%mul3A_25, %dma_wait3A_86] : memref<2500x128xi32, #tpu.memory_space<hbm>> -> memref<78x128xi32, #tpu.memory_space<hbm>>
      %dma_wait3A_88 = arith.constant 0 : i32
      %dma_wait3A_89 = arith.constant 0 : i32
      %dma_wait3A_90 = tpu.memref_slice %arg6[%dma_wait3A_88, %dma_wait3A_89] : memref<79x128xi32, #tpu.memory_space<vmem>> -> memref<78x128xi32, #tpu.memory_space<vmem>>
      %dma_wait3A_91 = arith.constant 0 : i32
      %dma_wait3A_92 = arith.constant 0 : i32
      %dma_wait3A_93 = tpu.memref_slice %arg3[%run_scoped3A_26, %dma_wait3A_91, %dma_wait3A_92] : memref<2x2500x128xi32, #tpu.memory_space<hbm>> -> memref<1x2500x128xi32, #tpu.memory_space<hbm>>
      %dma_wait3A_94 = tpu.memref_squeeze %dma_wait3A_93 : memref<1x2500x128xi32, #tpu.memory_space<hbm>> -> memref<2500x128xi32, #tpu.memory_space<hbm>>
      %dma_wait3A_95 = arith.constant 0 : i32
      %dma_wait3A_96 = tpu.memref_slice %dma_wait3A_94[%mul3A_25, %dma_wait3A_95] : memref<2500x128xi32, #tpu.memory_space<hbm>> -> memref<78x128xi32, #tpu.memory_space<hbm>>
      tpu.wait_dma2 semaphore(%run_scoped3A_61 : memref<!tpu.dma_semaphore, #tpu.memory_space<semaphore_mem>>) src(%dma_wait3A_96 : memref<78x128xi32, #tpu.memory_space<hbm>>) dst(%dma_wait3A_90 : memref<78x128xi32, #tpu.memory_space<vmem>>)
      tpu.yield
    }) : () -> ()
    %lt3A_27 = arith.constant 4 : i32
    %lt3A_28 = arith.cmpi slt, %add3A, %lt3A_27 : i32
    %convert_element_type3A_29 = arith.extui %lt3A_28 : i1 to i32
    %cond3A_30 = arith.constant 1 : i32
    %cond3A_31 = arith.constant 0 : i32
    %cond3A_32 = arith.cmpi ne, %convert_element_type3A_29, %cond3A_31 : i32
    scf.if %cond3A_32 {
      %add3A_61 = arith.constant 2496 : i32
      %add3A_62 = arith.addi %add3A_61, %add3A : i32
      %run_scoped3A_63 = arith.constant 78 : i32
      "tpu.region"() ({
        %run_scoped3A_64 = tpu.sem_alloc : memref<!tpu.dma_semaphore, #tpu.memory_space<semaphore_mem>>
        %dma_start3A_65 = arith.constant 0 : i32
        %dma_start3A_66 = tpu.memref_slice %arg6[%run_scoped3A_63, %dma_start3A_65] : memref<79x128xi32, #tpu.memory_space<vmem>> -> memref<1x128xi32, #tpu.memory_space<vmem>>
        %dma_start3A_67 = tpu.memref_squeeze %dma_start3A_66 : memref<1x128xi32, #tpu.memory_space<vmem>> -> memref<128xi32, #tpu.memory_space<vmem>>
        %dma_start3A_68 = arith.constant 0 : i32
        %dma_start3A_69 = arith.constant 0 : i32
        %dma_start3A_70 = tpu.memref_slice %arg3[%cond3A_30, %dma_start3A_68, %dma_start3A_69] : memref<2x2500x128xi32, #tpu.memory_space<hbm>> -> memref<1x2500x128xi32, #tpu.memory_space<hbm>>
        %dma_start3A_71 = tpu.memref_squeeze %dma_start3A_70 : memref<1x2500x128xi32, #tpu.memory_space<hbm>> -> memref<2500x128xi32, #tpu.memory_space<hbm>>
        %dma_start3A_72 = arith.constant 0 : i32
        %dma_start3A_73 = tpu.memref_slice %dma_start3A_71[%add3A_62, %dma_start3A_72] : memref<2500x128xi32, #tpu.memory_space<hbm>> -> memref<1x128xi32, #tpu.memory_space<hbm>>
        %dma_start3A_74 = tpu.memref_squeeze %dma_start3A_73 : memref<1x128xi32, #tpu.memory_space<hbm>> -> memref<128xi32, #tpu.memory_space<hbm>>
        %dma_start3A_75 = arith.constant 0 : i32
        %dma_start3A_76 = tpu.memref_slice %arg6[%run_scoped3A_63, %dma_start3A_75] : memref<79x128xi32, #tpu.memory_space<vmem>> -> memref<1x128xi32, #tpu.memory_space<vmem>>
        %dma_start3A_77 = tpu.memref_squeeze %dma_start3A_76 : memref<1x128xi32, #tpu.memory_space<vmem>> -> memref<128xi32, #tpu.memory_space<vmem>>
        %dma_start3A_78 = arith.constant 0 : i32
        %dma_start3A_79 = arith.constant 0 : i32
        %dma_start3A_80 = tpu.memref_slice %arg3[%cond3A_30, %dma_start3A_78, %dma_start3A_79] : memref<2x2500x128xi32, #tpu.memory_space<hbm>> -> memref<1x2500x128xi32, #tpu.memory_space<hbm>>
        %dma_start3A_81 = tpu.memref_squeeze %dma_start3A_80 : memref<1x2500x128xi32, #tpu.memory_space<hbm>> -> memref<2500x128xi32, #tpu.memory_space<hbm>>
        %dma_start3A_82 = arith.constant 0 : i32
        %dma_start3A_83 = tpu.memref_slice %dma_start3A_81[%add3A_62, %dma_start3A_82] : memref<2500x128xi32, #tpu.memory_space<hbm>> -> memref<1x128xi32, #tpu.memory_space<hbm>>
        %dma_start3A_84 = tpu.memref_squeeze %dma_start3A_83 : memref<1x128xi32, #tpu.memory_space<hbm>> -> memref<128xi32, #tpu.memory_space<hbm>>
        tpu.enqueue_dma source(%dma_start3A_84 : memref<128xi32, #tpu.memory_space<hbm>>) target(%dma_start3A_77 : memref<128xi32, #tpu.memory_space<vmem>>) target_semaphore(%run_scoped3A_64 : memref<!tpu.dma_semaphore, #tpu.memory_space<semaphore_mem>>)
        %dma_wait3A = arith.constant 0 : i32
        %dma_wait3A_85 = tpu.memref_slice %arg6[%run_scoped3A_63, %dma_wait3A] : memref<79x128xi32, #tpu.memory_space<vmem>> -> memref<1x128xi32, #tpu.memory_space<vmem>>
        %dma_wait3A_86 = tpu.memref_squeeze %dma_wait3A_85 : memref<1x128xi32, #tpu.memory_space<vmem>> -> memref<128xi32, #tpu.memory_space<vmem>>
        %dma_wait3A_87 = arith.constant 0 : i32
        %dma_wait3A_88 = arith.constant 0 : i32
        %dma_wait3A_89 = tpu.memref_slice %arg3[%cond3A_30, %dma_wait3A_87, %dma_wait3A_88] : memref<2x2500x128xi32, #tpu.memory_space<hbm>> -> memref<1x2500x128xi32, #tpu.memory_space<hbm>>
        %dma_wait3A_90 = tpu.memref_squeeze %dma_wait3A_89 : memref<1x2500x128xi32, #tpu.memory_space<hbm>> -> memref<2500x128xi32, #tpu.memory_space<hbm>>
        %dma_wait3A_91 = arith.constant 0 : i32
        %dma_wait3A_92 = tpu.memref_slice %dma_wait3A_90[%add3A_62, %dma_wait3A_91] : memref<2500x128xi32, #tpu.memory_space<hbm>> -> memref<1x128xi32, #tpu.memory_space<hbm>>
        %dma_wait3A_93 = tpu.memref_squeeze %dma_wait3A_92 : memref<1x128xi32, #tpu.memory_space<hbm>> -> memref<128xi32, #tpu.memory_space<hbm>>
        %dma_wait3A_94 = arith.constant 0 : i32
        %dma_wait3A_95 = tpu.memref_slice %arg6[%run_scoped3A_63, %dma_wait3A_94] : memref<79x128xi32, #tpu.memory_space<vmem>> -> memref<1x128xi32, #tpu.memory_space<vmem>>
        %dma_wait3A_96 = tpu.memref_squeeze %dma_wait3A_95 : memref<1x128xi32, #tpu.memory_space<vmem>> -> memref<128xi32, #tpu.memory_space<vmem>>
        %dma_wait3A_97 = arith.constant 0 : i32
        %dma_wait3A_98 = arith.constant 0 : i32
        %dma_wait3A_99 = tpu.memref_slice %arg3[%cond3A_30, %dma_wait3A_97, %dma_wait3A_98] : memref<2x2500x128xi32, #tpu.memory_space<hbm>> -> memref<1x2500x128xi32, #tpu.memory_space<hbm>>
        %dma_wait3A_100 = tpu.memref_squeeze %dma_wait3A_99 : memref<1x2500x128xi32, #tpu.memory_space<hbm>> -> memref<2500x128xi32, #tpu.memory_space<hbm>>
        %dma_wait3A_101 = arith.constant 0 : i32
        %dma_wait3A_102 = tpu.memref_slice %dma_wait3A_100[%add3A_62, %dma_wait3A_101] : memref<2500x128xi32, #tpu.memory_space<hbm>> -> memref<1x128xi32, #tpu.memory_space<hbm>>
        %dma_wait3A_103 = tpu.memref_squeeze %dma_wait3A_102 : memref<1x128xi32, #tpu.memory_space<hbm>> -> memref<128xi32, #tpu.memory_space<hbm>>
        tpu.wait_dma2 semaphore(%run_scoped3A_64 : memref<!tpu.dma_semaphore, #tpu.memory_space<semaphore_mem>>) src(%dma_wait3A_103 : memref<128xi32, #tpu.memory_space<hbm>>) dst(%dma_wait3A_96 : memref<128xi32, #tpu.memory_space<vmem>>)
        tpu.yield
      }) : () -> ()
    } else {
    }
    %dma_start3A = arith.constant 0 : i32
    %dma_start3A_33 = arith.constant 0 : i32
    %dma_start3A_34 = tpu.memref_slice %arg5[%dma_start3A, %dma_start3A_33] : memref<79x128xi32, #tpu.memory_space<vmem>> -> memref<1x128xi32, #tpu.memory_space<vmem>>
    %dma_start3A_35 = tpu.memref_squeeze %dma_start3A_34 : memref<1x128xi32, #tpu.memory_space<vmem>> -> memref<128xi32, #tpu.memory_space<vmem>>
    %dma_start3A_36 = arith.constant 0 : i32
    %dma_start3A_37 = arith.constant 0 : i32
    %dma_start3A_38 = tpu.memref_slice %arg9[%dma_start3A_36, %dma_start3A_37] : memref<10240x64xf32, #tpu.memory_space<vmem_shared>> -> memref<10240x64xf32, #tpu.memory_space<vmem_shared>>
    tpu.enqueue_indirect_dma source(%dma_start3A_38 : memref<10240x64xf32, #tpu.memory_space<vmem_shared>>) target(%arg7 : memref<128x64xf32, #tpu.memory_space<vmem>>) offsets(%dma_start3A_35 : memref<128xi32, #tpu.memory_space<vmem>>) semaphore(%arg11 : memref<!tpu.dma_semaphore, #tpu.memory_space<semaphore_mem>>)
    %scan3A_39 = arith.constant 0 : i32
    %scan3A_40 = arith.constant 0 : i32
    %scan3A_41 = arith.constant 39 : i32
    %scan3A_42 = arith.addi %scan3A_40, %scan3A_41 : i32
    %scan3A_43 = arith.constant 1 : i32
    scf.for %scan3A_61 = %scan3A_40 to %scan3A_42 step %scan3A_43  : i32 {
      %mul3A_62 = arith.constant 2 : i32
      %mul3A_63 = arith.muli %mul3A_62, %scan3A_61 : i32
      %add3A_64 = arith.constant 1 : i32
      %add3A_65 = arith.addi %mul3A_63, %add3A_64 : i32
      %dma_start3A_66 = arith.constant 0 : i32
      %dma_start3A_67 = tpu.memref_slice %arg5[%add3A_65, %dma_start3A_66] : memref<79x128xi32, #tpu.memory_space<vmem>> -> memref<1x128xi32, #tpu.memory_space<vmem>>
      %dma_start3A_68 = tpu.memref_squeeze %dma_start3A_67 : memref<1x128xi32, #tpu.memory_space<vmem>> -> memref<128xi32, #tpu.memory_space<vmem>>
      %dma_start3A_69 = arith.constant 0 : i32
      %dma_start3A_70 = arith.constant 0 : i32
      %dma_start3A_71 = tpu.memref_slice %arg9[%dma_start3A_69, %dma_start3A_70] : memref<10240x64xf32, #tpu.memory_space<vmem_shared>> -> memref<10240x64xf32, #tpu.memory_space<vmem_shared>>
      tpu.enqueue_indirect_dma source(%dma_start3A_71 : memref<10240x64xf32, #tpu.memory_space<vmem_shared>>) target(%arg8 : memref<128x64xf32, #tpu.memory_space<vmem>>) offsets(%dma_start3A_68 : memref<128xi32, #tpu.memory_space<vmem>>) semaphore(%arg12 : memref<!tpu.dma_semaphore, #tpu.memory_space<semaphore_mem>>)
      %dma_wait3A = arith.constant 0 : i32
      %dma_wait3A_72 = tpu.memref_slice %arg5[%mul3A_63, %dma_wait3A] : memref<79x128xi32, #tpu.memory_space<vmem>> -> memref<1x128xi32, #tpu.memory_space<vmem>>
      %dma_wait3A_73 = tpu.memref_squeeze %dma_wait3A_72 : memref<1x128xi32, #tpu.memory_space<vmem>> -> memref<128xi32, #tpu.memory_space<vmem>>
      %dma_wait3A_74 = arith.constant 0 : i32
      %dma_wait3A_75 = arith.constant 0 : i32
      %dma_wait3A_76 = tpu.memref_slice %arg9[%dma_wait3A_74, %dma_wait3A_75] : memref<10240x64xf32, #tpu.memory_space<vmem_shared>> -> memref<10240x64xf32, #tpu.memory_space<vmem_shared>>
      tpu.wait_indirect_dma semaphore(%arg11 : memref<!tpu.dma_semaphore, #tpu.memory_space<semaphore_mem>>) src(%dma_wait3A_76 : memref<10240x64xf32, #tpu.memory_space<vmem_shared>>) dst(%arg7 : memref<128x64xf32, #tpu.memory_space<vmem>>)
      "tpu.region"() ({
        %run_scoped3A_94 = tpu.sem_alloc : memref<!tpu.dma_semaphore, #tpu.memory_space<semaphore_mem>>
        %dma_start3A_95 = arith.constant 0 : i32
        %dma_start3A_96 = tpu.memref_slice %arg6[%mul3A_63, %dma_start3A_95] : memref<79x128xi32, #tpu.memory_space<vmem>> -> memref<1x128xi32, #tpu.memory_space<vmem>>
        %dma_start3A_97 = tpu.memref_squeeze %dma_start3A_96 : memref<1x128xi32, #tpu.memory_space<vmem>> -> memref<128xi32, #tpu.memory_space<vmem>>
        %dma_start3A_98 = arith.constant 0 : i32
        %dma_start3A_99 = arith.constant 0 : i32
        %dma_start3A_100 = tpu.memref_slice %arg10[%dma_start3A_98, %dma_start3A_99] : memref<10240x64xf32, #tpu.memory_space<vmem_shared>> -> memref<10240x64xf32, #tpu.memory_space<vmem_shared>>
        tpu.enqueue_indirect_dma source(%arg7 : memref<128x64xf32, #tpu.memory_space<vmem>>) target(%dma_start3A_100 : memref<10240x64xf32, #tpu.memory_space<vmem_shared>>) offsets(%dma_start3A_97 : memref<128xi32, #tpu.memory_space<vmem>>) semaphore(%run_scoped3A_94 : memref<!tpu.dma_semaphore, #tpu.memory_space<semaphore_mem>>) {add = true}
        %dma_wait3A_101 = arith.constant 0 : i32
        %dma_wait3A_102 = tpu.memref_slice %arg6[%mul3A_63, %dma_wait3A_101] : memref<79x128xi32, #tpu.memory_space<vmem>> -> memref<1x128xi32, #tpu.memory_space<vmem>>
        %dma_wait3A_103 = tpu.memref_squeeze %dma_wait3A_102 : memref<1x128xi32, #tpu.memory_space<vmem>> -> memref<128xi32, #tpu.memory_space<vmem>>
        %dma_wait3A_104 = arith.constant 0 : i32
        %dma_wait3A_105 = arith.constant 0 : i32
        %dma_wait3A_106 = tpu.memref_slice %arg10[%dma_wait3A_104, %dma_wait3A_105] : memref<10240x64xf32, #tpu.memory_space<vmem_shared>> -> memref<10240x64xf32, #tpu.memory_space<vmem_shared>>
        tpu.wait_indirect_dma semaphore(%run_scoped3A_94 : memref<!tpu.dma_semaphore, #tpu.memory_space<semaphore_mem>>) src(%arg7 : memref<128x64xf32, #tpu.memory_space<vmem>>) dst(%dma_wait3A_106 : memref<10240x64xf32, #tpu.memory_space<vmem_shared>>)
        tpu.yield
      }) : () -> ()
      %add3A_77 = arith.constant 2 : i32
      %add3A_78 = arith.addi %mul3A_63, %add3A_77 : i32
      %lt3A_79 = arith.constant 78 : i32
      %lt3A_80 = arith.cmpi slt, %add3A_78, %lt3A_79 : i32
      %convert_element_type3A_81 = arith.extui %lt3A_80 : i1 to i32
      %cond3A_82 = arith.constant 0 : i32
      %cond3A_83 = arith.cmpi ne, %convert_element_type3A_81, %cond3A_82 : i32
      scf.if %cond3A_83 {
        %add3A_94 = arith.constant 2 : i32
        %add3A_95 = arith.addi %mul3A_63, %add3A_94 : i32
        %dma_start3A_96 = arith.constant 0 : i32
        %dma_start3A_97 = tpu.memref_slice %arg5[%add3A_95, %dma_start3A_96] : memref<79x128xi32, #tpu.memory_space<vmem>> -> memref<1x128xi32, #tpu.memory_space<vmem>>
        %dma_start3A_98 = tpu.memref_squeeze %dma_start3A_97 : memref<1x128xi32, #tpu.memory_space<vmem>> -> memref<128xi32, #tpu.memory_space<vmem>>
        %dma_start3A_99 = arith.constant 0 : i32
        %dma_start3A_100 = arith.constant 0 : i32
        %dma_start3A_101 = tpu.memref_slice %arg9[%dma_start3A_99, %dma_start3A_100] : memref<10240x64xf32, #tpu.memory_space<vmem_shared>> -> memref<10240x64xf32, #tpu.memory_space<vmem_shared>>
        tpu.enqueue_indirect_dma source(%dma_start3A_101 : memref<10240x64xf32, #tpu.memory_space<vmem_shared>>) target(%arg7 : memref<128x64xf32, #tpu.memory_space<vmem>>) offsets(%dma_start3A_98 : memref<128xi32, #tpu.memory_space<vmem>>) semaphore(%arg11 : memref<!tpu.dma_semaphore, #tpu.memory_space<semaphore_mem>>)
      } else {
      }
      %add3A_84 = arith.constant 1 : i32
      %add3A_85 = arith.addi %mul3A_63, %add3A_84 : i32
      %dma_wait3A_86 = arith.constant 0 : i32
      %dma_wait3A_87 = tpu.memref_slice %arg5[%add3A_85, %dma_wait3A_86] : memref<79x128xi32, #tpu.memory_space<vmem>> -> memref<1x128xi32, #tpu.memory_space<vmem>>
      %dma_wait3A_88 = tpu.memref_squeeze %dma_wait3A_87 : memref<1x128xi32, #tpu.memory_space<vmem>> -> memref<128xi32, #tpu.memory_space<vmem>>
      %dma_wait3A_89 = arith.constant 0 : i32
      %dma_wait3A_90 = arith.constant 0 : i32
      %dma_wait3A_91 = tpu.memref_slice %arg9[%dma_wait3A_89, %dma_wait3A_90] : memref<10240x64xf32, #tpu.memory_space<vmem_shared>> -> memref<10240x64xf32, #tpu.memory_space<vmem_shared>>
      tpu.wait_indirect_dma semaphore(%arg12 : memref<!tpu.dma_semaphore, #tpu.memory_space<semaphore_mem>>) src(%dma_wait3A_91 : memref<10240x64xf32, #tpu.memory_space<vmem_shared>>) dst(%arg8 : memref<128x64xf32, #tpu.memory_space<vmem>>)
      %add3A_92 = arith.constant 1 : i32
      %add3A_93 = arith.addi %mul3A_63, %add3A_92 : i32
      "tpu.region"() ({
        %run_scoped3A_94 = tpu.sem_alloc : memref<!tpu.dma_semaphore, #tpu.memory_space<semaphore_mem>>
        %dma_start3A_95 = arith.constant 0 : i32
        %dma_start3A_96 = tpu.memref_slice %arg6[%add3A_93, %dma_start3A_95] : memref<79x128xi32, #tpu.memory_space<vmem>> -> memref<1x128xi32, #tpu.memory_space<vmem>>
        %dma_start3A_97 = tpu.memref_squeeze %dma_start3A_96 : memref<1x128xi32, #tpu.memory_space<vmem>> -> memref<128xi32, #tpu.memory_space<vmem>>
        %dma_start3A_98 = arith.constant 0 : i32
        %dma_start3A_99 = arith.constant 0 : i32
        %dma_start3A_100 = tpu.memref_slice %arg10[%dma_start3A_98, %dma_start3A_99] : memref<10240x64xf32, #tpu.memory_space<vmem_shared>> -> memref<10240x64xf32, #tpu.memory_space<vmem_shared>>
        tpu.enqueue_indirect_dma source(%arg8 : memref<128x64xf32, #tpu.memory_space<vmem>>) target(%dma_start3A_100 : memref<10240x64xf32, #tpu.memory_space<vmem_shared>>) offsets(%dma_start3A_97 : memref<128xi32, #tpu.memory_space<vmem>>) semaphore(%run_scoped3A_94 : memref<!tpu.dma_semaphore, #tpu.memory_space<semaphore_mem>>) {add = true}
        %dma_wait3A_101 = arith.constant 0 : i32
        %dma_wait3A_102 = tpu.memref_slice %arg6[%add3A_93, %dma_wait3A_101] : memref<79x128xi32, #tpu.memory_space<vmem>> -> memref<1x128xi32, #tpu.memory_space<vmem>>
        %dma_wait3A_103 = tpu.memref_squeeze %dma_wait3A_102 : memref<1x128xi32, #tpu.memory_space<vmem>> -> memref<128xi32, #tpu.memory_space<vmem>>
        %dma_wait3A_104 = arith.constant 0 : i32
        %dma_wait3A_105 = arith.constant 0 : i32
        %dma_wait3A_106 = tpu.memref_slice %arg10[%dma_wait3A_104, %dma_wait3A_105] : memref<10240x64xf32, #tpu.memory_space<vmem_shared>> -> memref<10240x64xf32, #tpu.memory_space<vmem_shared>>
        tpu.wait_indirect_dma semaphore(%run_scoped3A_94 : memref<!tpu.dma_semaphore, #tpu.memory_space<semaphore_mem>>) src(%arg8 : memref<128x64xf32, #tpu.memory_space<vmem>>) dst(%dma_wait3A_106 : memref<10240x64xf32, #tpu.memory_space<vmem_shared>>)
        tpu.yield
      }) : () -> ()
    }
    %scan3A_44 = arith.constant 39 : i32
    %lt3A_45 = arith.constant 4 : i32
    %lt3A_46 = arith.cmpi slt, %add3A, %lt3A_45 : i32
    %convert_element_type3A_47 = arith.extui %lt3A_46 : i1 to i32
    %cond3A_48 = arith.constant 0 : i32
    %cond3A_49 = arith.cmpi ne, %convert_element_type3A_47, %cond3A_48 : i32
    scf.if %cond3A_49 {
      %run_scoped3A_61 = arith.constant 78 : i32
      "tpu.region"() ({
        %run_scoped3A_63 = tpu.sem_alloc : memref<!tpu.dma_semaphore, #tpu.memory_space<semaphore_mem>>
        %dma_start3A_64 = arith.constant 0 : i32
        %dma_start3A_65 = tpu.memref_slice %arg5[%run_scoped3A_61, %dma_start3A_64] : memref<79x128xi32, #tpu.memory_space<vmem>> -> memref<1x128xi32, #tpu.memory_space<vmem>>
        %dma_start3A_66 = tpu.memref_squeeze %dma_start3A_65 : memref<1x128xi32, #tpu.memory_space<vmem>> -> memref<128xi32, #tpu.memory_space<vmem>>
        %dma_start3A_67 = arith.constant 0 : i32
        %dma_start3A_68 = arith.constant 0 : i32
        %dma_start3A_69 = tpu.memref_slice %arg9[%dma_start3A_67, %dma_start3A_68] : memref<10240x64xf32, #tpu.memory_space<vmem_shared>> -> memref<10240x64xf32, #tpu.memory_space<vmem_shared>>
        tpu.enqueue_indirect_dma source(%dma_start3A_69 : memref<10240x64xf32, #tpu.memory_space<vmem_shared>>) target(%arg7 : memref<128x64xf32, #tpu.memory_space<vmem>>) offsets(%dma_start3A_66 : memref<128xi32, #tpu.memory_space<vmem>>) semaphore(%run_scoped3A_63 : memref<!tpu.dma_semaphore, #tpu.memory_space<semaphore_mem>>)
        %dma_wait3A = arith.constant 0 : i32
        %dma_wait3A_70 = tpu.memref_slice %arg5[%run_scoped3A_61, %dma_wait3A] : memref<79x128xi32, #tpu.memory_space<vmem>> -> memref<1x128xi32, #tpu.memory_space<vmem>>
        %dma_wait3A_71 = tpu.memref_squeeze %dma_wait3A_70 : memref<1x128xi32, #tpu.memory_space<vmem>> -> memref<128xi32, #tpu.memory_space<vmem>>
        %dma_wait3A_72 = arith.constant 0 : i32
        %dma_wait3A_73 = arith.constant 0 : i32
        %dma_wait3A_74 = tpu.memref_slice %arg9[%dma_wait3A_72, %dma_wait3A_73] : memref<10240x64xf32, #tpu.memory_space<vmem_shared>> -> memref<10240x64xf32, #tpu.memory_space<vmem_shared>>
        tpu.wait_indirect_dma semaphore(%run_scoped3A_63 : memref<!tpu.dma_semaphore, #tpu.memory_space<semaphore_mem>>) src(%dma_wait3A_74 : memref<10240x64xf32, #tpu.memory_space<vmem_shared>>) dst(%arg7 : memref<128x64xf32, #tpu.memory_space<vmem>>)
        tpu.yield
      }) : () -> ()
      %run_scoped3A_62 = arith.constant 78 : i32
      "tpu.region"() ({
        %run_scoped3A_63 = tpu.sem_alloc : memref<!tpu.dma_semaphore, #tpu.memory_space<semaphore_mem>>
        %dma_start3A_64 = arith.constant 0 : i32
        %dma_start3A_65 = tpu.memref_slice %arg6[%run_scoped3A_62, %dma_start3A_64] : memref<79x128xi32, #tpu.memory_space<vmem>> -> memref<1x128xi32, #tpu.memory_space<vmem>>
        %dma_start3A_66 = tpu.memref_squeeze %dma_start3A_65 : memref<1x128xi32, #tpu.memory_space<vmem>> -> memref<128xi32, #tpu.memory_space<vmem>>
        %dma_start3A_67 = arith.constant 0 : i32
        %dma_start3A_68 = arith.constant 0 : i32
        %dma_start3A_69 = tpu.memref_slice %arg10[%dma_start3A_67, %dma_start3A_68] : memref<10240x64xf32, #tpu.memory_space<vmem_shared>> -> memref<10240x64xf32, #tpu.memory_space<vmem_shared>>
        tpu.enqueue_indirect_dma source(%arg7 : memref<128x64xf32, #tpu.memory_space<vmem>>) target(%dma_start3A_69 : memref<10240x64xf32, #tpu.memory_space<vmem_shared>>) offsets(%dma_start3A_66 : memref<128xi32, #tpu.memory_space<vmem>>) semaphore(%run_scoped3A_63 : memref<!tpu.dma_semaphore, #tpu.memory_space<semaphore_mem>>) {add = true}
        %dma_wait3A = arith.constant 0 : i32
        %dma_wait3A_70 = tpu.memref_slice %arg6[%run_scoped3A_62, %dma_wait3A] : memref<79x128xi32, #tpu.memory_space<vmem>> -> memref<1x128xi32, #tpu.memory_space<vmem>>
        %dma_wait3A_71 = tpu.memref_squeeze %dma_wait3A_70 : memref<1x128xi32, #tpu.memory_space<vmem>> -> memref<128xi32, #tpu.memory_space<vmem>>
        %dma_wait3A_72 = arith.constant 0 : i32
        %dma_wait3A_73 = arith.constant 0 : i32
        %dma_wait3A_74 = tpu.memref_slice %arg10[%dma_wait3A_72, %dma_wait3A_73] : memref<10240x64xf32, #tpu.memory_space<vmem_shared>> -> memref<10240x64xf32, #tpu.memory_space<vmem_shared>>
        tpu.wait_indirect_dma semaphore(%run_scoped3A_63 : memref<!tpu.dma_semaphore, #tpu.memory_space<semaphore_mem>>) src(%arg7 : memref<128x64xf32, #tpu.memory_space<vmem>>) dst(%dma_wait3A_74 : memref<10240x64xf32, #tpu.memory_space<vmem_shared>>)
        tpu.yield
      }) : () -> ()
    } else {
    }
    %barrier3A_50 = arith.constant 0 : index
    tpu.barrier barrier_id(%barrier3A_50)
    %add3A_51 = arith.constant 0 : i32
    %add3A_52 = arith.addi %mul3A_8, %add3A_51 : i32
    "tpu.region"() ({
      %run_scoped3A_61 = tpu.sem_alloc : memref<!tpu.dma_semaphore, #tpu.memory_space<semaphore_mem>>
      %dma_start3A_62 = arith.constant 0 : i32
      %dma_start3A_63 = tpu.memref_slice %arg10[%add3A_52, %dma_start3A_62] : memref<10240x64xf32, #tpu.memory_space<vmem_shared>> -> memref<128x64xf32, #tpu.memory_space<vmem_shared>>
      %dma_start3A_64 = arith.constant 0 : i32
      %dma_start3A_65 = tpu.memref_slice %arg10[%add3A_52, %dma_start3A_64] : memref<10240x64xf32, #tpu.memory_space<vmem_shared>> -> memref<128x64xf32, #tpu.memory_space<vmem_shared>>
      tpu.enqueue_dma source(%dma_start3A_65 : memref<128x64xf32, #tpu.memory_space<vmem_shared>>) target(%arg7 : memref<128x64xf32, #tpu.memory_space<vmem>>) target_semaphore(%run_scoped3A_61 : memref<!tpu.dma_semaphore, #tpu.memory_space<semaphore_mem>>)
      %dma_wait3A = arith.constant 0 : i32
      %dma_wait3A_66 = tpu.memref_slice %arg10[%add3A_52, %dma_wait3A] : memref<10240x64xf32, #tpu.memory_space<vmem_shared>> -> memref<128x64xf32, #tpu.memory_space<vmem_shared>>
      %dma_wait3A_67 = arith.constant 0 : i32
      %dma_wait3A_68 = tpu.memref_slice %arg10[%add3A_52, %dma_wait3A_67] : memref<10240x64xf32, #tpu.memory_space<vmem_shared>> -> memref<128x64xf32, #tpu.memory_space<vmem_shared>>
      tpu.wait_dma2 semaphore(%run_scoped3A_61 : memref<!tpu.dma_semaphore, #tpu.memory_space<semaphore_mem>>) src(%dma_wait3A_68 : memref<128x64xf32, #tpu.memory_space<vmem_shared>>) dst(%arg7 : memref<128x64xf32, #tpu.memory_space<vmem>>)
      tpu.yield
    }) : () -> ()
    "tpu.region"() ({
      %run_scoped3A_61 = tpu.sem_alloc : memref<!tpu.dma_semaphore, #tpu.memory_space<semaphore_mem>>
      %dma_start3A_62 = arith.constant 0 : i32
      %dma_start3A_63 = tpu.memref_slice %arg4[%arg0, %add3A_52, %dma_start3A_62] : memref<2x10240x64xf32, #tpu.memory_space<hbm>> -> memref<1x128x64xf32, #tpu.memory_space<hbm>>
      %dma_start3A_64 = tpu.memref_squeeze %dma_start3A_63 : memref<1x128x64xf32, #tpu.memory_space<hbm>> -> memref<128x64xf32, #tpu.memory_space<hbm>>
      %dma_start3A_65 = arith.constant 0 : i32
      %dma_start3A_66 = tpu.memref_slice %arg4[%arg0, %add3A_52, %dma_start3A_65] : memref<2x10240x64xf32, #tpu.memory_space<hbm>> -> memref<1x128x64xf32, #tpu.memory_space<hbm>>
      %dma_start3A_67 = tpu.memref_squeeze %dma_start3A_66 : memref<1x128x64xf32, #tpu.memory_space<hbm>> -> memref<128x64xf32, #tpu.memory_space<hbm>>
      tpu.enqueue_dma source(%arg7 : memref<128x64xf32, #tpu.memory_space<vmem>>) target(%dma_start3A_67 : memref<128x64xf32, #tpu.memory_space<hbm>>) target_semaphore(%run_scoped3A_61 : memref<!tpu.dma_semaphore, #tpu.memory_space<semaphore_mem>>)
      %dma_wait3A = arith.constant 0 : i32
      %dma_wait3A_68 = tpu.memref_slice %arg4[%arg0, %add3A_52, %dma_wait3A] : memref<2x10240x64xf32, #tpu.memory_space<hbm>> -> memref<1x128x64xf32, #tpu.memory_space<hbm>>
      %dma_wait3A_69 = tpu.memref_squeeze %dma_wait3A_68 : memref<1x128x64xf32, #tpu.memory_space<hbm>> -> memref<128x64xf32, #tpu.memory_space<hbm>>
      %dma_wait3A_70 = arith.constant 0 : i32
      %dma_wait3A_71 = tpu.memref_slice %arg4[%arg0, %add3A_52, %dma_wait3A_70] : memref<2x10240x64xf32, #tpu.memory_space<hbm>> -> memref<1x128x64xf32, #tpu.memory_space<hbm>>
      %dma_wait3A_72 = tpu.memref_squeeze %dma_wait3A_71 : memref<1x128x64xf32, #tpu.memory_space<hbm>> -> memref<128x64xf32, #tpu.memory_space<hbm>>
      tpu.wait_dma2 semaphore(%run_scoped3A_61 : memref<!tpu.dma_semaphore, #tpu.memory_space<semaphore_mem>>) src(%arg7 : memref<128x64xf32, #tpu.memory_space<vmem>>) dst(%dma_wait3A_72 : memref<128x64xf32, #tpu.memory_space<hbm>>)
      tpu.yield
    }) : () -> ()
    %add3A_53 = arith.constant 128 : i32
    %add3A_54 = arith.addi %mul3A_8, %add3A_53 : i32
    "tpu.region"() ({
      %run_scoped3A_61 = tpu.sem_alloc : memref<!tpu.dma_semaphore, #tpu.memory_space<semaphore_mem>>
      %dma_start3A_62 = arith.constant 0 : i32
      %dma_start3A_63 = tpu.memref_slice %arg10[%add3A_54, %dma_start3A_62] : memref<10240x64xf32, #tpu.memory_space<vmem_shared>> -> memref<128x64xf32, #tpu.memory_space<vmem_shared>>
      %dma_start3A_64 = arith.constant 0 : i32
      %dma_start3A_65 = tpu.memref_slice %arg10[%add3A_54, %dma_start3A_64] : memref<10240x64xf32, #tpu.memory_space<vmem_shared>> -> memref<128x64xf32, #tpu.memory_space<vmem_shared>>
      tpu.enqueue_dma source(%dma_start3A_65 : memref<128x64xf32, #tpu.memory_space<vmem_shared>>) target(%arg7 : memref<128x64xf32, #tpu.memory_space<vmem>>) target_semaphore(%run_scoped3A_61 : memref<!tpu.dma_semaphore, #tpu.memory_space<semaphore_mem>>)
      %dma_wait3A = arith.constant 0 : i32
      %dma_wait3A_66 = tpu.memref_slice %arg10[%add3A_54, %dma_wait3A] : memref<10240x64xf32, #tpu.memory_space<vmem_shared>> -> memref<128x64xf32, #tpu.memory_space<vmem_shared>>
      %dma_wait3A_67 = arith.constant 0 : i32
      %dma_wait3A_68 = tpu.memref_slice %arg10[%add3A_54, %dma_wait3A_67] : memref<10240x64xf32, #tpu.memory_space<vmem_shared>> -> memref<128x64xf32, #tpu.memory_space<vmem_shared>>
      tpu.wait_dma2 semaphore(%run_scoped3A_61 : memref<!tpu.dma_semaphore, #tpu.memory_space<semaphore_mem>>) src(%dma_wait3A_68 : memref<128x64xf32, #tpu.memory_space<vmem_shared>>) dst(%arg7 : memref<128x64xf32, #tpu.memory_space<vmem>>)
      tpu.yield
    }) : () -> ()
    "tpu.region"() ({
      %run_scoped3A_61 = tpu.sem_alloc : memref<!tpu.dma_semaphore, #tpu.memory_space<semaphore_mem>>
      %dma_start3A_62 = arith.constant 0 : i32
      %dma_start3A_63 = tpu.memref_slice %arg4[%arg0, %add3A_54, %dma_start3A_62] : memref<2x10240x64xf32, #tpu.memory_space<hbm>> -> memref<1x128x64xf32, #tpu.memory_space<hbm>>
      %dma_start3A_64 = tpu.memref_squeeze %dma_start3A_63 : memref<1x128x64xf32, #tpu.memory_space<hbm>> -> memref<128x64xf32, #tpu.memory_space<hbm>>
      %dma_start3A_65 = arith.constant 0 : i32
      %dma_start3A_66 = tpu.memref_slice %arg4[%arg0, %add3A_54, %dma_start3A_65] : memref<2x10240x64xf32, #tpu.memory_space<hbm>> -> memref<1x128x64xf32, #tpu.memory_space<hbm>>
      %dma_start3A_67 = tpu.memref_squeeze %dma_start3A_66 : memref<1x128x64xf32, #tpu.memory_space<hbm>> -> memref<128x64xf32, #tpu.memory_space<hbm>>
      tpu.enqueue_dma source(%arg7 : memref<128x64xf32, #tpu.memory_space<vmem>>) target(%dma_start3A_67 : memref<128x64xf32, #tpu.memory_space<hbm>>) target_semaphore(%run_scoped3A_61 : memref<!tpu.dma_semaphore, #tpu.memory_space<semaphore_mem>>)
      %dma_wait3A = arith.constant 0 : i32
      %dma_wait3A_68 = tpu.memref_slice %arg4[%arg0, %add3A_54, %dma_wait3A] : memref<2x10240x64xf32, #tpu.memory_space<hbm>> -> memref<1x128x64xf32, #tpu.memory_space<hbm>>
      %dma_wait3A_69 = tpu.memref_squeeze %dma_wait3A_68 : memref<1x128x64xf32, #tpu.memory_space<hbm>> -> memref<128x64xf32, #tpu.memory_space<hbm>>
      %dma_wait3A_70 = arith.constant 0 : i32
      %dma_wait3A_71 = tpu.memref_slice %arg4[%arg0, %add3A_54, %dma_wait3A_70] : memref<2x10240x64xf32, #tpu.memory_space<hbm>> -> memref<1x128x64xf32, #tpu.memory_space<hbm>>
      %dma_wait3A_72 = tpu.memref_squeeze %dma_wait3A_71 : memref<1x128x64xf32, #tpu.memory_space<hbm>> -> memref<128x64xf32, #tpu.memory_space<hbm>>
      tpu.wait_dma2 semaphore(%run_scoped3A_61 : memref<!tpu.dma_semaphore, #tpu.memory_space<semaphore_mem>>) src(%arg7 : memref<128x64xf32, #tpu.memory_space<vmem>>) dst(%dma_wait3A_72 : memref<128x64xf32, #tpu.memory_space<hbm>>)
      tpu.yield
    }) : () -> ()
    %add3A_55 = arith.constant 256 : i32
    %add3A_56 = arith.addi %mul3A_8, %add3A_55 : i32
    "tpu.region"() ({
      %run_scoped3A_61 = tpu.sem_alloc : memref<!tpu.dma_semaphore, #tpu.memory_space<semaphore_mem>>
      %dma_start3A_62 = arith.constant 0 : i32
      %dma_start3A_63 = tpu.memref_slice %arg10[%add3A_56, %dma_start3A_62] : memref<10240x64xf32, #tpu.memory_space<vmem_shared>> -> memref<128x64xf32, #tpu.memory_space<vmem_shared>>
      %dma_start3A_64 = arith.constant 0 : i32
      %dma_start3A_65 = tpu.memref_slice %arg10[%add3A_56, %dma_start3A_64] : memref<10240x64xf32, #tpu.memory_space<vmem_shared>> -> memref<128x64xf32, #tpu.memory_space<vmem_shared>>
      tpu.enqueue_dma source(%dma_start3A_65 : memref<128x64xf32, #tpu.memory_space<vmem_shared>>) target(%arg7 : memref<128x64xf32, #tpu.memory_space<vmem>>) target_semaphore(%run_scoped3A_61 : memref<!tpu.dma_semaphore, #tpu.memory_space<semaphore_mem>>)
      %dma_wait3A = arith.constant 0 : i32
      %dma_wait3A_66 = tpu.memref_slice %arg10[%add3A_56, %dma_wait3A] : memref<10240x64xf32, #tpu.memory_space<vmem_shared>> -> memref<128x64xf32, #tpu.memory_space<vmem_shared>>
      %dma_wait3A_67 = arith.constant 0 : i32
      %dma_wait3A_68 = tpu.memref_slice %arg10[%add3A_56, %dma_wait3A_67] : memref<10240x64xf32, #tpu.memory_space<vmem_shared>> -> memref<128x64xf32, #tpu.memory_space<vmem_shared>>
      tpu.wait_dma2 semaphore(%run_scoped3A_61 : memref<!tpu.dma_semaphore, #tpu.memory_space<semaphore_mem>>) src(%dma_wait3A_68 : memref<128x64xf32, #tpu.memory_space<vmem_shared>>) dst(%arg7 : memref<128x64xf32, #tpu.memory_space<vmem>>)
      tpu.yield
    }) : () -> ()
    "tpu.region"() ({
      %run_scoped3A_61 = tpu.sem_alloc : memref<!tpu.dma_semaphore, #tpu.memory_space<semaphore_mem>>
      %dma_start3A_62 = arith.constant 0 : i32
      %dma_start3A_63 = tpu.memref_slice %arg4[%arg0, %add3A_56, %dma_start3A_62] : memref<2x10240x64xf32, #tpu.memory_space<hbm>> -> memref<1x128x64xf32, #tpu.memory_space<hbm>>
      %dma_start3A_64 = tpu.memref_squeeze %dma_start3A_63 : memref<1x128x64xf32, #tpu.memory_space<hbm>> -> memref<128x64xf32, #tpu.memory_space<hbm>>
      %dma_start3A_65 = arith.constant 0 : i32
      %dma_start3A_66 = tpu.memref_slice %arg4[%arg0, %add3A_56, %dma_start3A_65] : memref<2x10240x64xf32, #tpu.memory_space<hbm>> -> memref<1x128x64xf32, #tpu.memory_space<hbm>>
      %dma_start3A_67 = tpu.memref_squeeze %dma_start3A_66 : memref<1x128x64xf32, #tpu.memory_space<hbm>> -> memref<128x64xf32, #tpu.memory_space<hbm>>
      tpu.enqueue_dma source(%arg7 : memref<128x64xf32, #tpu.memory_space<vmem>>) target(%dma_start3A_67 : memref<128x64xf32, #tpu.memory_space<hbm>>) target_semaphore(%run_scoped3A_61 : memref<!tpu.dma_semaphore, #tpu.memory_space<semaphore_mem>>)
      %dma_wait3A = arith.constant 0 : i32
      %dma_wait3A_68 = tpu.memref_slice %arg4[%arg0, %add3A_56, %dma_wait3A] : memref<2x10240x64xf32, #tpu.memory_space<hbm>> -> memref<1x128x64xf32, #tpu.memory_space<hbm>>
      %dma_wait3A_69 = tpu.memref_squeeze %dma_wait3A_68 : memref<1x128x64xf32, #tpu.memory_space<hbm>> -> memref<128x64xf32, #tpu.memory_space<hbm>>
      %dma_wait3A_70 = arith.constant 0 : i32
      %dma_wait3A_71 = tpu.memref_slice %arg4[%arg0, %add3A_56, %dma_wait3A_70] : memref<2x10240x64xf32, #tpu.memory_space<hbm>> -> memref<1x128x64xf32, #tpu.memory_space<hbm>>
      %dma_wait3A_72 = tpu.memref_squeeze %dma_wait3A_71 : memref<1x128x64xf32, #tpu.memory_space<hbm>> -> memref<128x64xf32, #tpu.memory_space<hbm>>
      tpu.wait_dma2 semaphore(%run_scoped3A_61 : memref<!tpu.dma_semaphore, #tpu.memory_space<semaphore_mem>>) src(%arg7 : memref<128x64xf32, #tpu.memory_space<vmem>>) dst(%dma_wait3A_72 : memref<128x64xf32, #tpu.memory_space<hbm>>)
      tpu.yield
    }) : () -> ()
    %add3A_57 = arith.constant 384 : i32
    %add3A_58 = arith.addi %mul3A_8, %add3A_57 : i32
    "tpu.region"() ({
      %run_scoped3A_61 = tpu.sem_alloc : memref<!tpu.dma_semaphore, #tpu.memory_space<semaphore_mem>>
      %dma_start3A_62 = arith.constant 0 : i32
      %dma_start3A_63 = tpu.memref_slice %arg10[%add3A_58, %dma_start3A_62] : memref<10240x64xf32, #tpu.memory_space<vmem_shared>> -> memref<128x64xf32, #tpu.memory_space<vmem_shared>>
      %dma_start3A_64 = arith.constant 0 : i32
      %dma_start3A_65 = tpu.memref_slice %arg10[%add3A_58, %dma_start3A_64] : memref<10240x64xf32, #tpu.memory_space<vmem_shared>> -> memref<128x64xf32, #tpu.memory_space<vmem_shared>>
      tpu.enqueue_dma source(%dma_start3A_65 : memref<128x64xf32, #tpu.memory_space<vmem_shared>>) target(%arg7 : memref<128x64xf32, #tpu.memory_space<vmem>>) target_semaphore(%run_scoped3A_61 : memref<!tpu.dma_semaphore, #tpu.memory_space<semaphore_mem>>)
      %dma_wait3A = arith.constant 0 : i32
      %dma_wait3A_66 = tpu.memref_slice %arg10[%add3A_58, %dma_wait3A] : memref<10240x64xf32, #tpu.memory_space<vmem_shared>> -> memref<128x64xf32, #tpu.memory_space<vmem_shared>>
      %dma_wait3A_67 = arith.constant 0 : i32
      %dma_wait3A_68 = tpu.memref_slice %arg10[%add3A_58, %dma_wait3A_67] : memref<10240x64xf32, #tpu.memory_space<vmem_shared>> -> memref<128x64xf32, #tpu.memory_space<vmem_shared>>
      tpu.wait_dma2 semaphore(%run_scoped3A_61 : memref<!tpu.dma_semaphore, #tpu.memory_space<semaphore_mem>>) src(%dma_wait3A_68 : memref<128x64xf32, #tpu.memory_space<vmem_shared>>) dst(%arg7 : memref<128x64xf32, #tpu.memory_space<vmem>>)
      tpu.yield
    }) : () -> ()
    "tpu.region"() ({
      %run_scoped3A_61 = tpu.sem_alloc : memref<!tpu.dma_semaphore, #tpu.memory_space<semaphore_mem>>
      %dma_start3A_62 = arith.constant 0 : i32
      %dma_start3A_63 = tpu.memref_slice %arg4[%arg0, %add3A_58, %dma_start3A_62] : memref<2x10240x64xf32, #tpu.memory_space<hbm>> -> memref<1x128x64xf32, #tpu.memory_space<hbm>>
      %dma_start3A_64 = tpu.memref_squeeze %dma_start3A_63 : memref<1x128x64xf32, #tpu.memory_space<hbm>> -> memref<128x64xf32, #tpu.memory_space<hbm>>
      %dma_start3A_65 = arith.constant 0 : i32
      %dma_start3A_66 = tpu.memref_slice %arg4[%arg0, %add3A_58, %dma_start3A_65] : memref<2x10240x64xf32, #tpu.memory_space<hbm>> -> memref<1x128x64xf32, #tpu.memory_space<hbm>>
      %dma_start3A_67 = tpu.memref_squeeze %dma_start3A_66 : memref<1x128x64xf32, #tpu.memory_space<hbm>> -> memref<128x64xf32, #tpu.memory_space<hbm>>
      tpu.enqueue_dma source(%arg7 : memref<128x64xf32, #tpu.memory_space<vmem>>) target(%dma_start3A_67 : memref<128x64xf32, #tpu.memory_space<hbm>>) target_semaphore(%run_scoped3A_61 : memref<!tpu.dma_semaphore, #tpu.memory_space<semaphore_mem>>)
      %dma_wait3A = arith.constant 0 : i32
      %dma_wait3A_68 = tpu.memref_slice %arg4[%arg0, %add3A_58, %dma_wait3A] : memref<2x10240x64xf32, #tpu.memory_space<hbm>> -> memref<1x128x64xf32, #tpu.memory_space<hbm>>
      %dma_wait3A_69 = tpu.memref_squeeze %dma_wait3A_68 : memref<1x128x64xf32, #tpu.memory_space<hbm>> -> memref<128x64xf32, #tpu.memory_space<hbm>>
      %dma_wait3A_70 = arith.constant 0 : i32
      %dma_wait3A_71 = tpu.memref_slice %arg4[%arg0, %add3A_58, %dma_wait3A_70] : memref<2x10240x64xf32, #tpu.memory_space<hbm>> -> memref<1x128x64xf32, #tpu.memory_space<hbm>>
      %dma_wait3A_72 = tpu.memref_squeeze %dma_wait3A_71 : memref<1x128x64xf32, #tpu.memory_space<hbm>> -> memref<128x64xf32, #tpu.memory_space<hbm>>
      tpu.wait_dma2 semaphore(%run_scoped3A_61 : memref<!tpu.dma_semaphore, #tpu.memory_space<semaphore_mem>>) src(%arg7 : memref<128x64xf32, #tpu.memory_space<vmem>>) dst(%dma_wait3A_72 : memref<128x64xf32, #tpu.memory_space<hbm>>)
      tpu.yield
    }) : () -> ()
    %add3A_59 = arith.constant 512 : i32
    %add3A_60 = arith.addi %mul3A_8, %add3A_59 : i32
    "tpu.region"() ({
      %run_scoped3A_61 = tpu.sem_alloc : memref<!tpu.dma_semaphore, #tpu.memory_space<semaphore_mem>>
      %dma_start3A_62 = arith.constant 0 : i32
      %dma_start3A_63 = tpu.memref_slice %arg10[%add3A_60, %dma_start3A_62] : memref<10240x64xf32, #tpu.memory_space<vmem_shared>> -> memref<128x64xf32, #tpu.memory_space<vmem_shared>>
      %dma_start3A_64 = arith.constant 0 : i32
      %dma_start3A_65 = tpu.memref_slice %arg10[%add3A_60, %dma_start3A_64] : memref<10240x64xf32, #tpu.memory_space<vmem_shared>> -> memref<128x64xf32, #tpu.memory_space<vmem_shared>>
      tpu.enqueue_dma source(%dma_start3A_65 : memref<128x64xf32, #tpu.memory_space<vmem_shared>>) target(%arg7 : memref<128x64xf32, #tpu.memory_space<vmem>>) target_semaphore(%run_scoped3A_61 : memref<!tpu.dma_semaphore, #tpu.memory_space<semaphore_mem>>)
      %dma_wait3A = arith.constant 0 : i32
      %dma_wait3A_66 = tpu.memref_slice %arg10[%add3A_60, %dma_wait3A] : memref<10240x64xf32, #tpu.memory_space<vmem_shared>> -> memref<128x64xf32, #tpu.memory_space<vmem_shared>>
      %dma_wait3A_67 = arith.constant 0 : i32
      %dma_wait3A_68 = tpu.memref_slice %arg10[%add3A_60, %dma_wait3A_67] : memref<10240x64xf32, #tpu.memory_space<vmem_shared>> -> memref<128x64xf32, #tpu.memory_space<vmem_shared>>
      tpu.wait_dma2 semaphore(%run_scoped3A_61 : memref<!tpu.dma_semaphore, #tpu.memory_space<semaphore_mem>>) src(%dma_wait3A_68 : memref<128x64xf32, #tpu.memory_space<vmem_shared>>) dst(%arg7 : memref<128x64xf32, #tpu.memory_space<vmem>>)
      tpu.yield
    }) : () -> ()
    "tpu.region"() ({
      %run_scoped3A_61 = tpu.sem_alloc : memref<!tpu.dma_semaphore, #tpu.memory_space<semaphore_mem>>
      %dma_start3A_62 = arith.constant 0 : i32
      %dma_start3A_63 = tpu.memref_slice %arg4[%arg0, %add3A_60, %dma_start3A_62] : memref<2x10240x64xf32, #tpu.memory_space<hbm>> -> memref<1x128x64xf32, #tpu.memory_space<hbm>>
      %dma_start3A_64 = tpu.memref_squeeze %dma_start3A_63 : memref<1x128x64xf32, #tpu.memory_space<hbm>> -> memref<128x64xf32, #tpu.memory_space<hbm>>
      %dma_start3A_65 = arith.constant 0 : i32
      %dma_start3A_66 = tpu.memref_slice %arg4[%arg0, %add3A_60, %dma_start3A_65] : memref<2x10240x64xf32, #tpu.memory_space<hbm>> -> memref<1x128x64xf32, #tpu.memory_space<hbm>>
      %dma_start3A_67 = tpu.memref_squeeze %dma_start3A_66 : memref<1x128x64xf32, #tpu.memory_space<hbm>> -> memref<128x64xf32, #tpu.memory_space<hbm>>
      tpu.enqueue_dma source(%arg7 : memref<128x64xf32, #tpu.memory_space<vmem>>) target(%dma_start3A_67 : memref<128x64xf32, #tpu.memory_space<hbm>>) target_semaphore(%run_scoped3A_61 : memref<!tpu.dma_semaphore, #tpu.memory_space<semaphore_mem>>)
      %dma_wait3A = arith.constant 0 : i32
      %dma_wait3A_68 = tpu.memref_slice %arg4[%arg0, %add3A_60, %dma_wait3A] : memref<2x10240x64xf32, #tpu.memory_space<hbm>> -> memref<1x128x64xf32, #tpu.memory_space<hbm>>
      %dma_wait3A_69 = tpu.memref_squeeze %dma_wait3A_68 : memref<1x128x64xf32, #tpu.memory_space<hbm>> -> memref<128x64xf32, #tpu.memory_space<hbm>>
      %dma_wait3A_70 = arith.constant 0 : i32
      %dma_wait3A_71 = tpu.memref_slice %arg4[%arg0, %add3A_60, %dma_wait3A_70] : memref<2x10240x64xf32, #tpu.memory_space<hbm>> -> memref<1x128x64xf32, #tpu.memory_space<hbm>>
      %dma_wait3A_72 = tpu.memref_squeeze %dma_wait3A_71 : memref<1x128x64xf32, #tpu.memory_space<hbm>> -> memref<128x64xf32, #tpu.memory_space<hbm>>
      tpu.wait_dma2 semaphore(%run_scoped3A_61 : memref<!tpu.dma_semaphore, #tpu.memory_space<semaphore_mem>>) src(%arg7 : memref<128x64xf32, #tpu.memory_space<vmem>>) dst(%dma_wait3A_72 : memref<128x64xf32, #tpu.memory_space<hbm>>)
      tpu.yield
    }) : () -> ()
    return
  }
}

#map = affine_map<(d0, d1) -> (0, 0)>
#map1 = affine_map<(d0, d1) -> (0, 0, 0)>
module attributes {stable_mosaic.version = 14 : i64} {
  func.func @agg_kernel(%arg0: i32, %arg1: i32, %arg2: memref<10240x32xf32, #tpu.memory_space<hbm>>, %arg3: memref<2x2500x128xi32, #tpu.memory_space<hbm>>, %arg4: memref<2x10240x32xf32, #tpu.memory_space<hbm>>, %arg5: memref<79x128xi32, #tpu.memory_space<vmem>>, %arg6: memref<79x128xi32, #tpu.memory_space<vmem>>, %arg7: memref<128x32xf32, #tpu.memory_space<vmem>>, %arg8: memref<128x32xf32, #tpu.memory_space<vmem>>, %arg9: memref<10240x32xf32, #tpu.memory_space<vmem_shared>>, %arg10: memref<10240x32xf32, #tpu.memory_space<vmem_shared>>, %arg11: memref<!tpu.dma_semaphore, #tpu.memory_space<semaphore_mem>>, %arg12: memref<!tpu.dma_semaphore, #tpu.memory_space<semaphore_mem>>) attributes {dimension_semantics = [#tpu.dimension_semantics<core_parallel>, #tpu.dimension_semantics<subcore_parallel>], iteration_bounds = array<i64: 2, 16>, scalar_prefetch = 0 : i64, scratch_operands = 8 : i64, tpu.core_type = #tpu.core_type<sc_vector_subcore>, window_params = [{transform_indices = #map}, {transform_indices = #map1}, {transform_indices = #map1}]} {
    %mul3A = arith.constant 2 : i32
    %mul3A_0 = arith.muli %arg1, %mul3A : i32
    %add3A = arith.addi %mul3A_0, %arg0 : i32
    %broadcast_in_dim3A = arith.constant 0.000000e+00 : f32
    %broadcast_in_dim3A_1 = vector.broadcast %broadcast_in_dim3A : f32 to vector<16xf32>
    %scan3A = arith.constant 0 : i32
    %scan3A_2 = arith.constant 0 : i32
    %scan3A_3 = arith.constant 128 : i32
    %scan3A_4 = arith.addi %scan3A_2, %scan3A_3 : i32
    %scan3A_5 = arith.constant 1 : i32
    scf.for %scan3A_61 = %scan3A_2 to %scan3A_4 step %scan3A_5  : i32 {
      %swap3A = arith.index_cast %scan3A_61 : i32 to index
      %swap3A_62 = arith.constant 0 : index
      %swap3A_63 = tpu.vector_load %arg7[%swap3A, %swap3A_62] {strides = array<i32>} : memref<128x32xf32, #tpu.memory_space<vmem>>, vector<1x16xf32>,
      %swap3A_64 = vector.shape_cast %swap3A_63 : vector<1x16xf32> to vector<16xf32>
      %swap3A_65 = vector.shape_cast %broadcast_in_dim3A_1 : vector<16xf32> to vector<1x16xf32>
      tpu.vector_store %arg7[%swap3A, %swap3A_62], %swap3A_65 {strides = array<i32>} : memref<128x32xf32, #tpu.memory_space<vmem>>, vector<1x16xf32>,
      %swap3A_66 = arith.index_cast %scan3A_61 : i32 to index
      %swap3A_67 = arith.constant 16 : index
      %swap3A_68 = tpu.vector_load %arg7[%swap3A_66, %swap3A_67] {strides = array<i32>} : memref<128x32xf32, #tpu.memory_space<vmem>>, vector<1x16xf32>,
      %swap3A_69 = vector.shape_cast %swap3A_68 : vector<1x16xf32> to vector<16xf32>
      %swap3A_70 = vector.shape_cast %broadcast_in_dim3A_1 : vector<16xf32> to vector<1x16xf32>
      tpu.vector_store %arg7[%swap3A_66, %swap3A_67], %swap3A_70 {strides = array<i32>} : memref<128x32xf32, #tpu.memory_space<vmem>>, vector<1x16xf32>,
    }
    %scan3A_6 = arith.constant 128 : i32
    %mul3A_7 = arith.constant 640 : i32
    %mul3A_8 = arith.muli %arg1, %mul3A_7 : i32
    %add3A_9 = arith.constant 0 : i32
    %add3A_10 = arith.addi %mul3A_8, %add3A_9 : i32
    "tpu.region"() ({
      %run_scoped3A_61 = tpu.sem_alloc : memref<!tpu.dma_semaphore, #tpu.memory_space<semaphore_mem>>
      %dma_start3A_62 = arith.constant 0 : i32
      %dma_start3A_63 = tpu.memref_slice %arg10[%add3A_10, %dma_start3A_62] : memref<10240x32xf32, #tpu.memory_space<vmem_shared>> -> memref<128x32xf32, #tpu.memory_space<vmem_shared>>
      %dma_start3A_64 = arith.constant 0 : i32
      %dma_start3A_65 = tpu.memref_slice %arg10[%add3A_10, %dma_start3A_64] : memref<10240x32xf32, #tpu.memory_space<vmem_shared>> -> memref<128x32xf32, #tpu.memory_space<vmem_shared>>
      tpu.enqueue_dma source(%arg7 : memref<128x32xf32, #tpu.memory_space<vmem>>) target(%dma_start3A_65 : memref<128x32xf32, #tpu.memory_space<vmem_shared>>) target_semaphore(%run_scoped3A_61 : memref<!tpu.dma_semaphore, #tpu.memory_space<semaphore_mem>>)
      %dma_wait3A = arith.constant 0 : i32
      %dma_wait3A_66 = tpu.memref_slice %arg10[%add3A_10, %dma_wait3A] : memref<10240x32xf32, #tpu.memory_space<vmem_shared>> -> memref<128x32xf32, #tpu.memory_space<vmem_shared>>
      %dma_wait3A_67 = arith.constant 0 : i32
      %dma_wait3A_68 = tpu.memref_slice %arg10[%add3A_10, %dma_wait3A_67] : memref<10240x32xf32, #tpu.memory_space<vmem_shared>> -> memref<128x32xf32, #tpu.memory_space<vmem_shared>>
      tpu.wait_dma2 semaphore(%run_scoped3A_61 : memref<!tpu.dma_semaphore, #tpu.memory_space<semaphore_mem>>) src(%arg7 : memref<128x32xf32, #tpu.memory_space<vmem>>) dst(%dma_wait3A_68 : memref<128x32xf32, #tpu.memory_space<vmem_shared>>)
      tpu.yield
    }) : () -> ()
    %add3A_11 = arith.constant 128 : i32
    %add3A_12 = arith.addi %mul3A_8, %add3A_11 : i32
    "tpu.region"() ({
      %run_scoped3A_61 = tpu.sem_alloc : memref<!tpu.dma_semaphore, #tpu.memory_space<semaphore_mem>>
      %dma_start3A_62 = arith.constant 0 : i32
      %dma_start3A_63 = tpu.memref_slice %arg10[%add3A_12, %dma_start3A_62] : memref<10240x32xf32, #tpu.memory_space<vmem_shared>> -> memref<128x32xf32, #tpu.memory_space<vmem_shared>>
      %dma_start3A_64 = arith.constant 0 : i32
      %dma_start3A_65 = tpu.memref_slice %arg10[%add3A_12, %dma_start3A_64] : memref<10240x32xf32, #tpu.memory_space<vmem_shared>> -> memref<128x32xf32, #tpu.memory_space<vmem_shared>>
      tpu.enqueue_dma source(%arg7 : memref<128x32xf32, #tpu.memory_space<vmem>>) target(%dma_start3A_65 : memref<128x32xf32, #tpu.memory_space<vmem_shared>>) target_semaphore(%run_scoped3A_61 : memref<!tpu.dma_semaphore, #tpu.memory_space<semaphore_mem>>)
      %dma_wait3A = arith.constant 0 : i32
      %dma_wait3A_66 = tpu.memref_slice %arg10[%add3A_12, %dma_wait3A] : memref<10240x32xf32, #tpu.memory_space<vmem_shared>> -> memref<128x32xf32, #tpu.memory_space<vmem_shared>>
      %dma_wait3A_67 = arith.constant 0 : i32
      %dma_wait3A_68 = tpu.memref_slice %arg10[%add3A_12, %dma_wait3A_67] : memref<10240x32xf32, #tpu.memory_space<vmem_shared>> -> memref<128x32xf32, #tpu.memory_space<vmem_shared>>
      tpu.wait_dma2 semaphore(%run_scoped3A_61 : memref<!tpu.dma_semaphore, #tpu.memory_space<semaphore_mem>>) src(%arg7 : memref<128x32xf32, #tpu.memory_space<vmem>>) dst(%dma_wait3A_68 : memref<128x32xf32, #tpu.memory_space<vmem_shared>>)
      tpu.yield
    }) : () -> ()
    %add3A_13 = arith.constant 256 : i32
    %add3A_14 = arith.addi %mul3A_8, %add3A_13 : i32
    "tpu.region"() ({
      %run_scoped3A_61 = tpu.sem_alloc : memref<!tpu.dma_semaphore, #tpu.memory_space<semaphore_mem>>
      %dma_start3A_62 = arith.constant 0 : i32
      %dma_start3A_63 = tpu.memref_slice %arg10[%add3A_14, %dma_start3A_62] : memref<10240x32xf32, #tpu.memory_space<vmem_shared>> -> memref<128x32xf32, #tpu.memory_space<vmem_shared>>
      %dma_start3A_64 = arith.constant 0 : i32
      %dma_start3A_65 = tpu.memref_slice %arg10[%add3A_14, %dma_start3A_64] : memref<10240x32xf32, #tpu.memory_space<vmem_shared>> -> memref<128x32xf32, #tpu.memory_space<vmem_shared>>
      tpu.enqueue_dma source(%arg7 : memref<128x32xf32, #tpu.memory_space<vmem>>) target(%dma_start3A_65 : memref<128x32xf32, #tpu.memory_space<vmem_shared>>) target_semaphore(%run_scoped3A_61 : memref<!tpu.dma_semaphore, #tpu.memory_space<semaphore_mem>>)
      %dma_wait3A = arith.constant 0 : i32
      %dma_wait3A_66 = tpu.memref_slice %arg10[%add3A_14, %dma_wait3A] : memref<10240x32xf32, #tpu.memory_space<vmem_shared>> -> memref<128x32xf32, #tpu.memory_space<vmem_shared>>
      %dma_wait3A_67 = arith.constant 0 : i32
      %dma_wait3A_68 = tpu.memref_slice %arg10[%add3A_14, %dma_wait3A_67] : memref<10240x32xf32, #tpu.memory_space<vmem_shared>> -> memref<128x32xf32, #tpu.memory_space<vmem_shared>>
      tpu.wait_dma2 semaphore(%run_scoped3A_61 : memref<!tpu.dma_semaphore, #tpu.memory_space<semaphore_mem>>) src(%arg7 : memref<128x32xf32, #tpu.memory_space<vmem>>) dst(%dma_wait3A_68 : memref<128x32xf32, #tpu.memory_space<vmem_shared>>)
      tpu.yield
    }) : () -> ()
    %add3A_15 = arith.constant 384 : i32
    %add3A_16 = arith.addi %mul3A_8, %add3A_15 : i32
    "tpu.region"() ({
      %run_scoped3A_61 = tpu.sem_alloc : memref<!tpu.dma_semaphore, #tpu.memory_space<semaphore_mem>>
      %dma_start3A_62 = arith.constant 0 : i32
      %dma_start3A_63 = tpu.memref_slice %arg10[%add3A_16, %dma_start3A_62] : memref<10240x32xf32, #tpu.memory_space<vmem_shared>> -> memref<128x32xf32, #tpu.memory_space<vmem_shared>>
      %dma_start3A_64 = arith.constant 0 : i32
      %dma_start3A_65 = tpu.memref_slice %arg10[%add3A_16, %dma_start3A_64] : memref<10240x32xf32, #tpu.memory_space<vmem_shared>> -> memref<128x32xf32, #tpu.memory_space<vmem_shared>>
      tpu.enqueue_dma source(%arg7 : memref<128x32xf32, #tpu.memory_space<vmem>>) target(%dma_start3A_65 : memref<128x32xf32, #tpu.memory_space<vmem_shared>>) target_semaphore(%run_scoped3A_61 : memref<!tpu.dma_semaphore, #tpu.memory_space<semaphore_mem>>)
      %dma_wait3A = arith.constant 0 : i32
      %dma_wait3A_66 = tpu.memref_slice %arg10[%add3A_16, %dma_wait3A] : memref<10240x32xf32, #tpu.memory_space<vmem_shared>> -> memref<128x32xf32, #tpu.memory_space<vmem_shared>>
      %dma_wait3A_67 = arith.constant 0 : i32
      %dma_wait3A_68 = tpu.memref_slice %arg10[%add3A_16, %dma_wait3A_67] : memref<10240x32xf32, #tpu.memory_space<vmem_shared>> -> memref<128x32xf32, #tpu.memory_space<vmem_shared>>
      tpu.wait_dma2 semaphore(%run_scoped3A_61 : memref<!tpu.dma_semaphore, #tpu.memory_space<semaphore_mem>>) src(%arg7 : memref<128x32xf32, #tpu.memory_space<vmem>>) dst(%dma_wait3A_68 : memref<128x32xf32, #tpu.memory_space<vmem_shared>>)
      tpu.yield
    }) : () -> ()
    %add3A_17 = arith.constant 512 : i32
    %add3A_18 = arith.addi %mul3A_8, %add3A_17 : i32
    "tpu.region"() ({
      %run_scoped3A_61 = tpu.sem_alloc : memref<!tpu.dma_semaphore, #tpu.memory_space<semaphore_mem>>
      %dma_start3A_62 = arith.constant 0 : i32
      %dma_start3A_63 = tpu.memref_slice %arg10[%add3A_18, %dma_start3A_62] : memref<10240x32xf32, #tpu.memory_space<vmem_shared>> -> memref<128x32xf32, #tpu.memory_space<vmem_shared>>
      %dma_start3A_64 = arith.constant 0 : i32
      %dma_start3A_65 = tpu.memref_slice %arg10[%add3A_18, %dma_start3A_64] : memref<10240x32xf32, #tpu.memory_space<vmem_shared>> -> memref<128x32xf32, #tpu.memory_space<vmem_shared>>
      tpu.enqueue_dma source(%arg7 : memref<128x32xf32, #tpu.memory_space<vmem>>) target(%dma_start3A_65 : memref<128x32xf32, #tpu.memory_space<vmem_shared>>) target_semaphore(%run_scoped3A_61 : memref<!tpu.dma_semaphore, #tpu.memory_space<semaphore_mem>>)
      %dma_wait3A = arith.constant 0 : i32
      %dma_wait3A_66 = tpu.memref_slice %arg10[%add3A_18, %dma_wait3A] : memref<10240x32xf32, #tpu.memory_space<vmem_shared>> -> memref<128x32xf32, #tpu.memory_space<vmem_shared>>
      %dma_wait3A_67 = arith.constant 0 : i32
      %dma_wait3A_68 = tpu.memref_slice %arg10[%add3A_18, %dma_wait3A_67] : memref<10240x32xf32, #tpu.memory_space<vmem_shared>> -> memref<128x32xf32, #tpu.memory_space<vmem_shared>>
      tpu.wait_dma2 semaphore(%run_scoped3A_61 : memref<!tpu.dma_semaphore, #tpu.memory_space<semaphore_mem>>) src(%arg7 : memref<128x32xf32, #tpu.memory_space<vmem>>) dst(%dma_wait3A_68 : memref<128x32xf32, #tpu.memory_space<vmem_shared>>)
      tpu.yield
    }) : () -> ()
    "tpu.region"() ({
      %run_scoped3A_61 = tpu.sem_alloc : memref<!tpu.dma_semaphore, #tpu.memory_space<semaphore_mem>>
      %dma_start3A_62 = arith.constant 0 : i32
      %dma_start3A_63 = tpu.memref_slice %arg9[%mul3A_8, %dma_start3A_62] : memref<10240x32xf32, #tpu.memory_space<vmem_shared>> -> memref<640x32xf32, #tpu.memory_space<vmem_shared>>
      %dma_start3A_64 = arith.constant 0 : i32
      %dma_start3A_65 = tpu.memref_slice %arg2[%mul3A_8, %dma_start3A_64] : memref<10240x32xf32, #tpu.memory_space<hbm>> -> memref<640x32xf32, #tpu.memory_space<hbm>>
      tpu.enqueue_dma source(%dma_start3A_65 : memref<640x32xf32, #tpu.memory_space<hbm>>) target(%dma_start3A_63 : memref<640x32xf32, #tpu.memory_space<vmem_shared>>) target_semaphore(%run_scoped3A_61 : memref<!tpu.dma_semaphore, #tpu.memory_space<semaphore_mem>>)
      %dma_wait3A = arith.constant 0 : i32
      %dma_wait3A_66 = tpu.memref_slice %arg9[%mul3A_8, %dma_wait3A] : memref<10240x32xf32, #tpu.memory_space<vmem_shared>> -> memref<640x32xf32, #tpu.memory_space<vmem_shared>>
      %dma_wait3A_67 = arith.constant 0 : i32
      %dma_wait3A_68 = tpu.memref_slice %arg2[%mul3A_8, %dma_wait3A_67] : memref<10240x32xf32, #tpu.memory_space<hbm>> -> memref<640x32xf32, #tpu.memory_space<hbm>>
      tpu.wait_dma2 semaphore(%run_scoped3A_61 : memref<!tpu.dma_semaphore, #tpu.memory_space<semaphore_mem>>) src(%dma_wait3A_68 : memref<640x32xf32, #tpu.memory_space<hbm>>) dst(%dma_wait3A_66 : memref<640x32xf32, #tpu.memory_space<vmem_shared>>)
      tpu.yield
    }) : () -> ()
    %barrier3A = arith.constant 0 : index
    tpu.barrier barrier_id(%barrier3A)
    %mul3A_19 = arith.constant 78 : i32
    %mul3A_20 = arith.muli %add3A, %mul3A_19 : i32
    %run_scoped3A = arith.constant 0 : i32
    "tpu.region"() ({
      %run_scoped3A_61 = tpu.sem_alloc : memref<!tpu.dma_semaphore, #tpu.memory_space<semaphore_mem>>
      %dma_start3A_62 = arith.constant 0 : i32
      %dma_start3A_63 = arith.constant 0 : i32
      %dma_start3A_64 = tpu.memref_slice %arg5[%dma_start3A_62, %dma_start3A_63] : memref<79x128xi32, #tpu.memory_space<vmem>> -> memref<78x128xi32, #tpu.memory_space<vmem>>
      %dma_start3A_65 = arith.constant 0 : i32
      %dma_start3A_66 = arith.constant 0 : i32
      %dma_start3A_67 = tpu.memref_slice %arg3[%run_scoped3A, %dma_start3A_65, %dma_start3A_66] : memref<2x2500x128xi32, #tpu.memory_space<hbm>> -> memref<1x2500x128xi32, #tpu.memory_space<hbm>>
      %dma_start3A_68 = tpu.memref_squeeze %dma_start3A_67 : memref<1x2500x128xi32, #tpu.memory_space<hbm>> -> memref<2500x128xi32, #tpu.memory_space<hbm>>
      %dma_start3A_69 = arith.constant 0 : i32
      %dma_start3A_70 = tpu.memref_slice %dma_start3A_68[%mul3A_20, %dma_start3A_69] : memref<2500x128xi32, #tpu.memory_space<hbm>> -> memref<78x128xi32, #tpu.memory_space<hbm>>
      %dma_start3A_71 = arith.constant 0 : i32
      %dma_start3A_72 = arith.constant 0 : i32
      %dma_start3A_73 = tpu.memref_slice %arg5[%dma_start3A_71, %dma_start3A_72] : memref<79x128xi32, #tpu.memory_space<vmem>> -> memref<78x128xi32, #tpu.memory_space<vmem>>
      %dma_start3A_74 = arith.constant 0 : i32
      %dma_start3A_75 = arith.constant 0 : i32
      %dma_start3A_76 = tpu.memref_slice %arg3[%run_scoped3A, %dma_start3A_74, %dma_start3A_75] : memref<2x2500x128xi32, #tpu.memory_space<hbm>> -> memref<1x2500x128xi32, #tpu.memory_space<hbm>>
      %dma_start3A_77 = tpu.memref_squeeze %dma_start3A_76 : memref<1x2500x128xi32, #tpu.memory_space<hbm>> -> memref<2500x128xi32, #tpu.memory_space<hbm>>
      %dma_start3A_78 = arith.constant 0 : i32
      %dma_start3A_79 = tpu.memref_slice %dma_start3A_77[%mul3A_20, %dma_start3A_78] : memref<2500x128xi32, #tpu.memory_space<hbm>> -> memref<78x128xi32, #tpu.memory_space<hbm>>
      tpu.enqueue_dma source(%dma_start3A_79 : memref<78x128xi32, #tpu.memory_space<hbm>>) target(%dma_start3A_73 : memref<78x128xi32, #tpu.memory_space<vmem>>) target_semaphore(%run_scoped3A_61 : memref<!tpu.dma_semaphore, #tpu.memory_space<semaphore_mem>>)
      %dma_wait3A = arith.constant 0 : i32
      %dma_wait3A_80 = arith.constant 0 : i32
      %dma_wait3A_81 = tpu.memref_slice %arg5[%dma_wait3A, %dma_wait3A_80] : memref<79x128xi32, #tpu.memory_space<vmem>> -> memref<78x128xi32, #tpu.memory_space<vmem>>
      %dma_wait3A_82 = arith.constant 0 : i32
      %dma_wait3A_83 = arith.constant 0 : i32
      %dma_wait3A_84 = tpu.memref_slice %arg3[%run_scoped3A, %dma_wait3A_82, %dma_wait3A_83] : memref<2x2500x128xi32, #tpu.memory_space<hbm>> -> memref<1x2500x128xi32, #tpu.memory_space<hbm>>
      %dma_wait3A_85 = tpu.memref_squeeze %dma_wait3A_84 : memref<1x2500x128xi32, #tpu.memory_space<hbm>> -> memref<2500x128xi32, #tpu.memory_space<hbm>>
      %dma_wait3A_86 = arith.constant 0 : i32
      %dma_wait3A_87 = tpu.memref_slice %dma_wait3A_85[%mul3A_20, %dma_wait3A_86] : memref<2500x128xi32, #tpu.memory_space<hbm>> -> memref<78x128xi32, #tpu.memory_space<hbm>>
      %dma_wait3A_88 = arith.constant 0 : i32
      %dma_wait3A_89 = arith.constant 0 : i32
      %dma_wait3A_90 = tpu.memref_slice %arg5[%dma_wait3A_88, %dma_wait3A_89] : memref<79x128xi32, #tpu.memory_space<vmem>> -> memref<78x128xi32, #tpu.memory_space<vmem>>
      %dma_wait3A_91 = arith.constant 0 : i32
      %dma_wait3A_92 = arith.constant 0 : i32
      %dma_wait3A_93 = tpu.memref_slice %arg3[%run_scoped3A, %dma_wait3A_91, %dma_wait3A_92] : memref<2x2500x128xi32, #tpu.memory_space<hbm>> -> memref<1x2500x128xi32, #tpu.memory_space<hbm>>
      %dma_wait3A_94 = tpu.memref_squeeze %dma_wait3A_93 : memref<1x2500x128xi32, #tpu.memory_space<hbm>> -> memref<2500x128xi32, #tpu.memory_space<hbm>>
      %dma_wait3A_95 = arith.constant 0 : i32
      %dma_wait3A_96 = tpu.memref_slice %dma_wait3A_94[%mul3A_20, %dma_wait3A_95] : memref<2500x128xi32, #tpu.memory_space<hbm>> -> memref<78x128xi32, #tpu.memory_space<hbm>>
      tpu.wait_dma2 semaphore(%run_scoped3A_61 : memref<!tpu.dma_semaphore, #tpu.memory_space<semaphore_mem>>) src(%dma_wait3A_96 : memref<78x128xi32, #tpu.memory_space<hbm>>) dst(%dma_wait3A_90 : memref<78x128xi32, #tpu.memory_space<vmem>>)
      tpu.yield
    }) : () -> ()
    %lt3A = arith.constant 4 : i32
    %lt3A_21 = arith.cmpi slt, %add3A, %lt3A : i32
    %convert_element_type3A = arith.extui %lt3A_21 : i1 to i32
    %cond3A = arith.constant 0 : i32
    %cond3A_22 = arith.constant 0 : i32
    %cond3A_23 = arith.cmpi ne, %convert_element_type3A, %cond3A_22 : i32
    scf.if %cond3A_23 {
      %add3A_61 = arith.constant 2496 : i32
      %add3A_62 = arith.addi %add3A_61, %add3A : i32
      %run_scoped3A_63 = arith.constant 78 : i32
      "tpu.region"() ({
        %run_scoped3A_64 = tpu.sem_alloc : memref<!tpu.dma_semaphore, #tpu.memory_space<semaphore_mem>>
        %dma_start3A_65 = arith.constant 0 : i32
        %dma_start3A_66 = tpu.memref_slice %arg5[%run_scoped3A_63, %dma_start3A_65] : memref<79x128xi32, #tpu.memory_space<vmem>> -> memref<1x128xi32, #tpu.memory_space<vmem>>
        %dma_start3A_67 = tpu.memref_squeeze %dma_start3A_66 : memref<1x128xi32, #tpu.memory_space<vmem>> -> memref<128xi32, #tpu.memory_space<vmem>>
        %dma_start3A_68 = arith.constant 0 : i32
        %dma_start3A_69 = arith.constant 0 : i32
        %dma_start3A_70 = tpu.memref_slice %arg3[%cond3A, %dma_start3A_68, %dma_start3A_69] : memref<2x2500x128xi32, #tpu.memory_space<hbm>> -> memref<1x2500x128xi32, #tpu.memory_space<hbm>>
        %dma_start3A_71 = tpu.memref_squeeze %dma_start3A_70 : memref<1x2500x128xi32, #tpu.memory_space<hbm>> -> memref<2500x128xi32, #tpu.memory_space<hbm>>
        %dma_start3A_72 = arith.constant 0 : i32
        %dma_start3A_73 = tpu.memref_slice %dma_start3A_71[%add3A_62, %dma_start3A_72] : memref<2500x128xi32, #tpu.memory_space<hbm>> -> memref<1x128xi32, #tpu.memory_space<hbm>>
        %dma_start3A_74 = tpu.memref_squeeze %dma_start3A_73 : memref<1x128xi32, #tpu.memory_space<hbm>> -> memref<128xi32, #tpu.memory_space<hbm>>
        %dma_start3A_75 = arith.constant 0 : i32
        %dma_start3A_76 = tpu.memref_slice %arg5[%run_scoped3A_63, %dma_start3A_75] : memref<79x128xi32, #tpu.memory_space<vmem>> -> memref<1x128xi32, #tpu.memory_space<vmem>>
        %dma_start3A_77 = tpu.memref_squeeze %dma_start3A_76 : memref<1x128xi32, #tpu.memory_space<vmem>> -> memref<128xi32, #tpu.memory_space<vmem>>
        %dma_start3A_78 = arith.constant 0 : i32
        %dma_start3A_79 = arith.constant 0 : i32
        %dma_start3A_80 = tpu.memref_slice %arg3[%cond3A, %dma_start3A_78, %dma_start3A_79] : memref<2x2500x128xi32, #tpu.memory_space<hbm>> -> memref<1x2500x128xi32, #tpu.memory_space<hbm>>
        %dma_start3A_81 = tpu.memref_squeeze %dma_start3A_80 : memref<1x2500x128xi32, #tpu.memory_space<hbm>> -> memref<2500x128xi32, #tpu.memory_space<hbm>>
        %dma_start3A_82 = arith.constant 0 : i32
        %dma_start3A_83 = tpu.memref_slice %dma_start3A_81[%add3A_62, %dma_start3A_82] : memref<2500x128xi32, #tpu.memory_space<hbm>> -> memref<1x128xi32, #tpu.memory_space<hbm>>
        %dma_start3A_84 = tpu.memref_squeeze %dma_start3A_83 : memref<1x128xi32, #tpu.memory_space<hbm>> -> memref<128xi32, #tpu.memory_space<hbm>>
        tpu.enqueue_dma source(%dma_start3A_84 : memref<128xi32, #tpu.memory_space<hbm>>) target(%dma_start3A_77 : memref<128xi32, #tpu.memory_space<vmem>>) target_semaphore(%run_scoped3A_64 : memref<!tpu.dma_semaphore, #tpu.memory_space<semaphore_mem>>)
        %dma_wait3A = arith.constant 0 : i32
        %dma_wait3A_85 = tpu.memref_slice %arg5[%run_scoped3A_63, %dma_wait3A] : memref<79x128xi32, #tpu.memory_space<vmem>> -> memref<1x128xi32, #tpu.memory_space<vmem>>
        %dma_wait3A_86 = tpu.memref_squeeze %dma_wait3A_85 : memref<1x128xi32, #tpu.memory_space<vmem>> -> memref<128xi32, #tpu.memory_space<vmem>>
        %dma_wait3A_87 = arith.constant 0 : i32
        %dma_wait3A_88 = arith.constant 0 : i32
        %dma_wait3A_89 = tpu.memref_slice %arg3[%cond3A, %dma_wait3A_87, %dma_wait3A_88] : memref<2x2500x128xi32, #tpu.memory_space<hbm>> -> memref<1x2500x128xi32, #tpu.memory_space<hbm>>
        %dma_wait3A_90 = tpu.memref_squeeze %dma_wait3A_89 : memref<1x2500x128xi32, #tpu.memory_space<hbm>> -> memref<2500x128xi32, #tpu.memory_space<hbm>>
        %dma_wait3A_91 = arith.constant 0 : i32
        %dma_wait3A_92 = tpu.memref_slice %dma_wait3A_90[%add3A_62, %dma_wait3A_91] : memref<2500x128xi32, #tpu.memory_space<hbm>> -> memref<1x128xi32, #tpu.memory_space<hbm>>
        %dma_wait3A_93 = tpu.memref_squeeze %dma_wait3A_92 : memref<1x128xi32, #tpu.memory_space<hbm>> -> memref<128xi32, #tpu.memory_space<hbm>>
        %dma_wait3A_94 = arith.constant 0 : i32
        %dma_wait3A_95 = tpu.memref_slice %arg5[%run_scoped3A_63, %dma_wait3A_94] : memref<79x128xi32, #tpu.memory_space<vmem>> -> memref<1x128xi32, #tpu.memory_space<vmem>>
        %dma_wait3A_96 = tpu.memref_squeeze %dma_wait3A_95 : memref<1x128xi32, #tpu.memory_space<vmem>> -> memref<128xi32, #tpu.memory_space<vmem>>
        %dma_wait3A_97 = arith.constant 0 : i32
        %dma_wait3A_98 = arith.constant 0 : i32
        %dma_wait3A_99 = tpu.memref_slice %arg3[%cond3A, %dma_wait3A_97, %dma_wait3A_98] : memref<2x2500x128xi32, #tpu.memory_space<hbm>> -> memref<1x2500x128xi32, #tpu.memory_space<hbm>>
        %dma_wait3A_100 = tpu.memref_squeeze %dma_wait3A_99 : memref<1x2500x128xi32, #tpu.memory_space<hbm>> -> memref<2500x128xi32, #tpu.memory_space<hbm>>
        %dma_wait3A_101 = arith.constant 0 : i32
        %dma_wait3A_102 = tpu.memref_slice %dma_wait3A_100[%add3A_62, %dma_wait3A_101] : memref<2500x128xi32, #tpu.memory_space<hbm>> -> memref<1x128xi32, #tpu.memory_space<hbm>>
        %dma_wait3A_103 = tpu.memref_squeeze %dma_wait3A_102 : memref<1x128xi32, #tpu.memory_space<hbm>> -> memref<128xi32, #tpu.memory_space<hbm>>
        tpu.wait_dma2 semaphore(%run_scoped3A_64 : memref<!tpu.dma_semaphore, #tpu.memory_space<semaphore_mem>>) src(%dma_wait3A_103 : memref<128xi32, #tpu.memory_space<hbm>>) dst(%dma_wait3A_96 : memref<128xi32, #tpu.memory_space<vmem>>)
        tpu.yield
      }) : () -> ()
    } else {
    }
    %mul3A_24 = arith.constant 78 : i32
    %mul3A_25 = arith.muli %add3A, %mul3A_24 : i32
    %run_scoped3A_26 = arith.constant 1 : i32
    "tpu.region"() ({
      %run_scoped3A_61 = tpu.sem_alloc : memref<!tpu.dma_semaphore, #tpu.memory_space<semaphore_mem>>
      %dma_start3A_62 = arith.constant 0 : i32
      %dma_start3A_63 = arith.constant 0 : i32
      %dma_start3A_64 = tpu.memref_slice %arg6[%dma_start3A_62, %dma_start3A_63] : memref<79x128xi32, #tpu.memory_space<vmem>> -> memref<78x128xi32, #tpu.memory_space<vmem>>
      %dma_start3A_65 = arith.constant 0 : i32
      %dma_start3A_66 = arith.constant 0 : i32
      %dma_start3A_67 = tpu.memref_slice %arg3[%run_scoped3A_26, %dma_start3A_65, %dma_start3A_66] : memref<2x2500x128xi32, #tpu.memory_space<hbm>> -> memref<1x2500x128xi32, #tpu.memory_space<hbm>>
      %dma_start3A_68 = tpu.memref_squeeze %dma_start3A_67 : memref<1x2500x128xi32, #tpu.memory_space<hbm>> -> memref<2500x128xi32, #tpu.memory_space<hbm>>
      %dma_start3A_69 = arith.constant 0 : i32
      %dma_start3A_70 = tpu.memref_slice %dma_start3A_68[%mul3A_25, %dma_start3A_69] : memref<2500x128xi32, #tpu.memory_space<hbm>> -> memref<78x128xi32, #tpu.memory_space<hbm>>
      %dma_start3A_71 = arith.constant 0 : i32
      %dma_start3A_72 = arith.constant 0 : i32
      %dma_start3A_73 = tpu.memref_slice %arg6[%dma_start3A_71, %dma_start3A_72] : memref<79x128xi32, #tpu.memory_space<vmem>> -> memref<78x128xi32, #tpu.memory_space<vmem>>
      %dma_start3A_74 = arith.constant 0 : i32
      %dma_start3A_75 = arith.constant 0 : i32
      %dma_start3A_76 = tpu.memref_slice %arg3[%run_scoped3A_26, %dma_start3A_74, %dma_start3A_75] : memref<2x2500x128xi32, #tpu.memory_space<hbm>> -> memref<1x2500x128xi32, #tpu.memory_space<hbm>>
      %dma_start3A_77 = tpu.memref_squeeze %dma_start3A_76 : memref<1x2500x128xi32, #tpu.memory_space<hbm>> -> memref<2500x128xi32, #tpu.memory_space<hbm>>
      %dma_start3A_78 = arith.constant 0 : i32
      %dma_start3A_79 = tpu.memref_slice %dma_start3A_77[%mul3A_25, %dma_start3A_78] : memref<2500x128xi32, #tpu.memory_space<hbm>> -> memref<78x128xi32, #tpu.memory_space<hbm>>
      tpu.enqueue_dma source(%dma_start3A_79 : memref<78x128xi32, #tpu.memory_space<hbm>>) target(%dma_start3A_73 : memref<78x128xi32, #tpu.memory_space<vmem>>) target_semaphore(%run_scoped3A_61 : memref<!tpu.dma_semaphore, #tpu.memory_space<semaphore_mem>>)
      %dma_wait3A = arith.constant 0 : i32
      %dma_wait3A_80 = arith.constant 0 : i32
      %dma_wait3A_81 = tpu.memref_slice %arg6[%dma_wait3A, %dma_wait3A_80] : memref<79x128xi32, #tpu.memory_space<vmem>> -> memref<78x128xi32, #tpu.memory_space<vmem>>
      %dma_wait3A_82 = arith.constant 0 : i32
      %dma_wait3A_83 = arith.constant 0 : i32
      %dma_wait3A_84 = tpu.memref_slice %arg3[%run_scoped3A_26, %dma_wait3A_82, %dma_wait3A_83] : memref<2x2500x128xi32, #tpu.memory_space<hbm>> -> memref<1x2500x128xi32, #tpu.memory_space<hbm>>
      %dma_wait3A_85 = tpu.memref_squeeze %dma_wait3A_84 : memref<1x2500x128xi32, #tpu.memory_space<hbm>> -> memref<2500x128xi32, #tpu.memory_space<hbm>>
      %dma_wait3A_86 = arith.constant 0 : i32
      %dma_wait3A_87 = tpu.memref_slice %dma_wait3A_85[%mul3A_25, %dma_wait3A_86] : memref<2500x128xi32, #tpu.memory_space<hbm>> -> memref<78x128xi32, #tpu.memory_space<hbm>>
      %dma_wait3A_88 = arith.constant 0 : i32
      %dma_wait3A_89 = arith.constant 0 : i32
      %dma_wait3A_90 = tpu.memref_slice %arg6[%dma_wait3A_88, %dma_wait3A_89] : memref<79x128xi32, #tpu.memory_space<vmem>> -> memref<78x128xi32, #tpu.memory_space<vmem>>
      %dma_wait3A_91 = arith.constant 0 : i32
      %dma_wait3A_92 = arith.constant 0 : i32
      %dma_wait3A_93 = tpu.memref_slice %arg3[%run_scoped3A_26, %dma_wait3A_91, %dma_wait3A_92] : memref<2x2500x128xi32, #tpu.memory_space<hbm>> -> memref<1x2500x128xi32, #tpu.memory_space<hbm>>
      %dma_wait3A_94 = tpu.memref_squeeze %dma_wait3A_93 : memref<1x2500x128xi32, #tpu.memory_space<hbm>> -> memref<2500x128xi32, #tpu.memory_space<hbm>>
      %dma_wait3A_95 = arith.constant 0 : i32
      %dma_wait3A_96 = tpu.memref_slice %dma_wait3A_94[%mul3A_25, %dma_wait3A_95] : memref<2500x128xi32, #tpu.memory_space<hbm>> -> memref<78x128xi32, #tpu.memory_space<hbm>>
      tpu.wait_dma2 semaphore(%run_scoped3A_61 : memref<!tpu.dma_semaphore, #tpu.memory_space<semaphore_mem>>) src(%dma_wait3A_96 : memref<78x128xi32, #tpu.memory_space<hbm>>) dst(%dma_wait3A_90 : memref<78x128xi32, #tpu.memory_space<vmem>>)
      tpu.yield
    }) : () -> ()
    %lt3A_27 = arith.constant 4 : i32
    %lt3A_28 = arith.cmpi slt, %add3A, %lt3A_27 : i32
    %convert_element_type3A_29 = arith.extui %lt3A_28 : i1 to i32
    %cond3A_30 = arith.constant 1 : i32
    %cond3A_31 = arith.constant 0 : i32
    %cond3A_32 = arith.cmpi ne, %convert_element_type3A_29, %cond3A_31 : i32
    scf.if %cond3A_32 {
      %add3A_61 = arith.constant 2496 : i32
      %add3A_62 = arith.addi %add3A_61, %add3A : i32
      %run_scoped3A_63 = arith.constant 78 : i32
      "tpu.region"() ({
        %run_scoped3A_64 = tpu.sem_alloc : memref<!tpu.dma_semaphore, #tpu.memory_space<semaphore_mem>>
        %dma_start3A_65 = arith.constant 0 : i32
        %dma_start3A_66 = tpu.memref_slice %arg6[%run_scoped3A_63, %dma_start3A_65] : memref<79x128xi32, #tpu.memory_space<vmem>> -> memref<1x128xi32, #tpu.memory_space<vmem>>
        %dma_start3A_67 = tpu.memref_squeeze %dma_start3A_66 : memref<1x128xi32, #tpu.memory_space<vmem>> -> memref<128xi32, #tpu.memory_space<vmem>>
        %dma_start3A_68 = arith.constant 0 : i32
        %dma_start3A_69 = arith.constant 0 : i32
        %dma_start3A_70 = tpu.memref_slice %arg3[%cond3A_30, %dma_start3A_68, %dma_start3A_69] : memref<2x2500x128xi32, #tpu.memory_space<hbm>> -> memref<1x2500x128xi32, #tpu.memory_space<hbm>>
        %dma_start3A_71 = tpu.memref_squeeze %dma_start3A_70 : memref<1x2500x128xi32, #tpu.memory_space<hbm>> -> memref<2500x128xi32, #tpu.memory_space<hbm>>
        %dma_start3A_72 = arith.constant 0 : i32
        %dma_start3A_73 = tpu.memref_slice %dma_start3A_71[%add3A_62, %dma_start3A_72] : memref<2500x128xi32, #tpu.memory_space<hbm>> -> memref<1x128xi32, #tpu.memory_space<hbm>>
        %dma_start3A_74 = tpu.memref_squeeze %dma_start3A_73 : memref<1x128xi32, #tpu.memory_space<hbm>> -> memref<128xi32, #tpu.memory_space<hbm>>
        %dma_start3A_75 = arith.constant 0 : i32
        %dma_start3A_76 = tpu.memref_slice %arg6[%run_scoped3A_63, %dma_start3A_75] : memref<79x128xi32, #tpu.memory_space<vmem>> -> memref<1x128xi32, #tpu.memory_space<vmem>>
        %dma_start3A_77 = tpu.memref_squeeze %dma_start3A_76 : memref<1x128xi32, #tpu.memory_space<vmem>> -> memref<128xi32, #tpu.memory_space<vmem>>
        %dma_start3A_78 = arith.constant 0 : i32
        %dma_start3A_79 = arith.constant 0 : i32
        %dma_start3A_80 = tpu.memref_slice %arg3[%cond3A_30, %dma_start3A_78, %dma_start3A_79] : memref<2x2500x128xi32, #tpu.memory_space<hbm>> -> memref<1x2500x128xi32, #tpu.memory_space<hbm>>
        %dma_start3A_81 = tpu.memref_squeeze %dma_start3A_80 : memref<1x2500x128xi32, #tpu.memory_space<hbm>> -> memref<2500x128xi32, #tpu.memory_space<hbm>>
        %dma_start3A_82 = arith.constant 0 : i32
        %dma_start3A_83 = tpu.memref_slice %dma_start3A_81[%add3A_62, %dma_start3A_82] : memref<2500x128xi32, #tpu.memory_space<hbm>> -> memref<1x128xi32, #tpu.memory_space<hbm>>
        %dma_start3A_84 = tpu.memref_squeeze %dma_start3A_83 : memref<1x128xi32, #tpu.memory_space<hbm>> -> memref<128xi32, #tpu.memory_space<hbm>>
        tpu.enqueue_dma source(%dma_start3A_84 : memref<128xi32, #tpu.memory_space<hbm>>) target(%dma_start3A_77 : memref<128xi32, #tpu.memory_space<vmem>>) target_semaphore(%run_scoped3A_64 : memref<!tpu.dma_semaphore, #tpu.memory_space<semaphore_mem>>)
        %dma_wait3A = arith.constant 0 : i32
        %dma_wait3A_85 = tpu.memref_slice %arg6[%run_scoped3A_63, %dma_wait3A] : memref<79x128xi32, #tpu.memory_space<vmem>> -> memref<1x128xi32, #tpu.memory_space<vmem>>
        %dma_wait3A_86 = tpu.memref_squeeze %dma_wait3A_85 : memref<1x128xi32, #tpu.memory_space<vmem>> -> memref<128xi32, #tpu.memory_space<vmem>>
        %dma_wait3A_87 = arith.constant 0 : i32
        %dma_wait3A_88 = arith.constant 0 : i32
        %dma_wait3A_89 = tpu.memref_slice %arg3[%cond3A_30, %dma_wait3A_87, %dma_wait3A_88] : memref<2x2500x128xi32, #tpu.memory_space<hbm>> -> memref<1x2500x128xi32, #tpu.memory_space<hbm>>
        %dma_wait3A_90 = tpu.memref_squeeze %dma_wait3A_89 : memref<1x2500x128xi32, #tpu.memory_space<hbm>> -> memref<2500x128xi32, #tpu.memory_space<hbm>>
        %dma_wait3A_91 = arith.constant 0 : i32
        %dma_wait3A_92 = tpu.memref_slice %dma_wait3A_90[%add3A_62, %dma_wait3A_91] : memref<2500x128xi32, #tpu.memory_space<hbm>> -> memref<1x128xi32, #tpu.memory_space<hbm>>
        %dma_wait3A_93 = tpu.memref_squeeze %dma_wait3A_92 : memref<1x128xi32, #tpu.memory_space<hbm>> -> memref<128xi32, #tpu.memory_space<hbm>>
        %dma_wait3A_94 = arith.constant 0 : i32
        %dma_wait3A_95 = tpu.memref_slice %arg6[%run_scoped3A_63, %dma_wait3A_94] : memref<79x128xi32, #tpu.memory_space<vmem>> -> memref<1x128xi32, #tpu.memory_space<vmem>>
        %dma_wait3A_96 = tpu.memref_squeeze %dma_wait3A_95 : memref<1x128xi32, #tpu.memory_space<vmem>> -> memref<128xi32, #tpu.memory_space<vmem>>
        %dma_wait3A_97 = arith.constant 0 : i32
        %dma_wait3A_98 = arith.constant 0 : i32
        %dma_wait3A_99 = tpu.memref_slice %arg3[%cond3A_30, %dma_wait3A_97, %dma_wait3A_98] : memref<2x2500x128xi32, #tpu.memory_space<hbm>> -> memref<1x2500x128xi32, #tpu.memory_space<hbm>>
        %dma_wait3A_100 = tpu.memref_squeeze %dma_wait3A_99 : memref<1x2500x128xi32, #tpu.memory_space<hbm>> -> memref<2500x128xi32, #tpu.memory_space<hbm>>
        %dma_wait3A_101 = arith.constant 0 : i32
        %dma_wait3A_102 = tpu.memref_slice %dma_wait3A_100[%add3A_62, %dma_wait3A_101] : memref<2500x128xi32, #tpu.memory_space<hbm>> -> memref<1x128xi32, #tpu.memory_space<hbm>>
        %dma_wait3A_103 = tpu.memref_squeeze %dma_wait3A_102 : memref<1x128xi32, #tpu.memory_space<hbm>> -> memref<128xi32, #tpu.memory_space<hbm>>
        tpu.wait_dma2 semaphore(%run_scoped3A_64 : memref<!tpu.dma_semaphore, #tpu.memory_space<semaphore_mem>>) src(%dma_wait3A_103 : memref<128xi32, #tpu.memory_space<hbm>>) dst(%dma_wait3A_96 : memref<128xi32, #tpu.memory_space<vmem>>)
        tpu.yield
      }) : () -> ()
    } else {
    }
    %dma_start3A = arith.constant 0 : i32
    %dma_start3A_33 = arith.constant 0 : i32
    %dma_start3A_34 = tpu.memref_slice %arg5[%dma_start3A, %dma_start3A_33] : memref<79x128xi32, #tpu.memory_space<vmem>> -> memref<1x128xi32, #tpu.memory_space<vmem>>
    %dma_start3A_35 = tpu.memref_squeeze %dma_start3A_34 : memref<1x128xi32, #tpu.memory_space<vmem>> -> memref<128xi32, #tpu.memory_space<vmem>>
    %dma_start3A_36 = arith.constant 0 : i32
    %dma_start3A_37 = arith.constant 0 : i32
    %dma_start3A_38 = tpu.memref_slice %arg9[%dma_start3A_36, %dma_start3A_37] : memref<10240x32xf32, #tpu.memory_space<vmem_shared>> -> memref<10240x32xf32, #tpu.memory_space<vmem_shared>>
    tpu.enqueue_indirect_dma source(%dma_start3A_38 : memref<10240x32xf32, #tpu.memory_space<vmem_shared>>) target(%arg7 : memref<128x32xf32, #tpu.memory_space<vmem>>) offsets(%dma_start3A_35 : memref<128xi32, #tpu.memory_space<vmem>>) semaphore(%arg11 : memref<!tpu.dma_semaphore, #tpu.memory_space<semaphore_mem>>)
    %scan3A_39 = arith.constant 0 : i32
    %scan3A_40 = arith.constant 0 : i32
    %scan3A_41 = arith.constant 39 : i32
    %scan3A_42 = arith.addi %scan3A_40, %scan3A_41 : i32
    %scan3A_43 = arith.constant 1 : i32
    scf.for %scan3A_61 = %scan3A_40 to %scan3A_42 step %scan3A_43  : i32 {
      %mul3A_62 = arith.constant 2 : i32
      %mul3A_63 = arith.muli %mul3A_62, %scan3A_61 : i32
      %add3A_64 = arith.constant 1 : i32
      %add3A_65 = arith.addi %mul3A_63, %add3A_64 : i32
      %dma_start3A_66 = arith.constant 0 : i32
      %dma_start3A_67 = tpu.memref_slice %arg5[%add3A_65, %dma_start3A_66] : memref<79x128xi32, #tpu.memory_space<vmem>> -> memref<1x128xi32, #tpu.memory_space<vmem>>
      %dma_start3A_68 = tpu.memref_squeeze %dma_start3A_67 : memref<1x128xi32, #tpu.memory_space<vmem>> -> memref<128xi32, #tpu.memory_space<vmem>>
      %dma_start3A_69 = arith.constant 0 : i32
      %dma_start3A_70 = arith.constant 0 : i32
      %dma_start3A_71 = tpu.memref_slice %arg9[%dma_start3A_69, %dma_start3A_70] : memref<10240x32xf32, #tpu.memory_space<vmem_shared>> -> memref<10240x32xf32, #tpu.memory_space<vmem_shared>>
      tpu.enqueue_indirect_dma source(%dma_start3A_71 : memref<10240x32xf32, #tpu.memory_space<vmem_shared>>) target(%arg8 : memref<128x32xf32, #tpu.memory_space<vmem>>) offsets(%dma_start3A_68 : memref<128xi32, #tpu.memory_space<vmem>>) semaphore(%arg12 : memref<!tpu.dma_semaphore, #tpu.memory_space<semaphore_mem>>)
      %dma_wait3A = arith.constant 0 : i32
      %dma_wait3A_72 = tpu.memref_slice %arg5[%mul3A_63, %dma_wait3A] : memref<79x128xi32, #tpu.memory_space<vmem>> -> memref<1x128xi32, #tpu.memory_space<vmem>>
      %dma_wait3A_73 = tpu.memref_squeeze %dma_wait3A_72 : memref<1x128xi32, #tpu.memory_space<vmem>> -> memref<128xi32, #tpu.memory_space<vmem>>
      %dma_wait3A_74 = arith.constant 0 : i32
      %dma_wait3A_75 = arith.constant 0 : i32
      %dma_wait3A_76 = tpu.memref_slice %arg9[%dma_wait3A_74, %dma_wait3A_75] : memref<10240x32xf32, #tpu.memory_space<vmem_shared>> -> memref<10240x32xf32, #tpu.memory_space<vmem_shared>>
      tpu.wait_indirect_dma semaphore(%arg11 : memref<!tpu.dma_semaphore, #tpu.memory_space<semaphore_mem>>) src(%dma_wait3A_76 : memref<10240x32xf32, #tpu.memory_space<vmem_shared>>) dst(%arg7 : memref<128x32xf32, #tpu.memory_space<vmem>>)
      "tpu.region"() ({
        %run_scoped3A_94 = tpu.sem_alloc : memref<!tpu.dma_semaphore, #tpu.memory_space<semaphore_mem>>
        %dma_start3A_95 = arith.constant 0 : i32
        %dma_start3A_96 = tpu.memref_slice %arg6[%mul3A_63, %dma_start3A_95] : memref<79x128xi32, #tpu.memory_space<vmem>> -> memref<1x128xi32, #tpu.memory_space<vmem>>
        %dma_start3A_97 = tpu.memref_squeeze %dma_start3A_96 : memref<1x128xi32, #tpu.memory_space<vmem>> -> memref<128xi32, #tpu.memory_space<vmem>>
        %dma_start3A_98 = arith.constant 0 : i32
        %dma_start3A_99 = arith.constant 0 : i32
        %dma_start3A_100 = tpu.memref_slice %arg10[%dma_start3A_98, %dma_start3A_99] : memref<10240x32xf32, #tpu.memory_space<vmem_shared>> -> memref<10240x32xf32, #tpu.memory_space<vmem_shared>>
        tpu.enqueue_indirect_dma source(%arg7 : memref<128x32xf32, #tpu.memory_space<vmem>>) target(%dma_start3A_100 : memref<10240x32xf32, #tpu.memory_space<vmem_shared>>) offsets(%dma_start3A_97 : memref<128xi32, #tpu.memory_space<vmem>>) semaphore(%run_scoped3A_94 : memref<!tpu.dma_semaphore, #tpu.memory_space<semaphore_mem>>) {add = true}
        %dma_wait3A_101 = arith.constant 0 : i32
        %dma_wait3A_102 = tpu.memref_slice %arg6[%mul3A_63, %dma_wait3A_101] : memref<79x128xi32, #tpu.memory_space<vmem>> -> memref<1x128xi32, #tpu.memory_space<vmem>>
        %dma_wait3A_103 = tpu.memref_squeeze %dma_wait3A_102 : memref<1x128xi32, #tpu.memory_space<vmem>> -> memref<128xi32, #tpu.memory_space<vmem>>
        %dma_wait3A_104 = arith.constant 0 : i32
        %dma_wait3A_105 = arith.constant 0 : i32
        %dma_wait3A_106 = tpu.memref_slice %arg10[%dma_wait3A_104, %dma_wait3A_105] : memref<10240x32xf32, #tpu.memory_space<vmem_shared>> -> memref<10240x32xf32, #tpu.memory_space<vmem_shared>>
        tpu.wait_indirect_dma semaphore(%run_scoped3A_94 : memref<!tpu.dma_semaphore, #tpu.memory_space<semaphore_mem>>) src(%arg7 : memref<128x32xf32, #tpu.memory_space<vmem>>) dst(%dma_wait3A_106 : memref<10240x32xf32, #tpu.memory_space<vmem_shared>>)
        tpu.yield
      }) : () -> ()
      %add3A_77 = arith.constant 2 : i32
      %add3A_78 = arith.addi %mul3A_63, %add3A_77 : i32
      %lt3A_79 = arith.constant 78 : i32
      %lt3A_80 = arith.cmpi slt, %add3A_78, %lt3A_79 : i32
      %convert_element_type3A_81 = arith.extui %lt3A_80 : i1 to i32
      %cond3A_82 = arith.constant 0 : i32
      %cond3A_83 = arith.cmpi ne, %convert_element_type3A_81, %cond3A_82 : i32
      scf.if %cond3A_83 {
        %add3A_94 = arith.constant 2 : i32
        %add3A_95 = arith.addi %mul3A_63, %add3A_94 : i32
        %dma_start3A_96 = arith.constant 0 : i32
        %dma_start3A_97 = tpu.memref_slice %arg5[%add3A_95, %dma_start3A_96] : memref<79x128xi32, #tpu.memory_space<vmem>> -> memref<1x128xi32, #tpu.memory_space<vmem>>
        %dma_start3A_98 = tpu.memref_squeeze %dma_start3A_97 : memref<1x128xi32, #tpu.memory_space<vmem>> -> memref<128xi32, #tpu.memory_space<vmem>>
        %dma_start3A_99 = arith.constant 0 : i32
        %dma_start3A_100 = arith.constant 0 : i32
        %dma_start3A_101 = tpu.memref_slice %arg9[%dma_start3A_99, %dma_start3A_100] : memref<10240x32xf32, #tpu.memory_space<vmem_shared>> -> memref<10240x32xf32, #tpu.memory_space<vmem_shared>>
        tpu.enqueue_indirect_dma source(%dma_start3A_101 : memref<10240x32xf32, #tpu.memory_space<vmem_shared>>) target(%arg7 : memref<128x32xf32, #tpu.memory_space<vmem>>) offsets(%dma_start3A_98 : memref<128xi32, #tpu.memory_space<vmem>>) semaphore(%arg11 : memref<!tpu.dma_semaphore, #tpu.memory_space<semaphore_mem>>)
      } else {
      }
      %add3A_84 = arith.constant 1 : i32
      %add3A_85 = arith.addi %mul3A_63, %add3A_84 : i32
      %dma_wait3A_86 = arith.constant 0 : i32
      %dma_wait3A_87 = tpu.memref_slice %arg5[%add3A_85, %dma_wait3A_86] : memref<79x128xi32, #tpu.memory_space<vmem>> -> memref<1x128xi32, #tpu.memory_space<vmem>>
      %dma_wait3A_88 = tpu.memref_squeeze %dma_wait3A_87 : memref<1x128xi32, #tpu.memory_space<vmem>> -> memref<128xi32, #tpu.memory_space<vmem>>
      %dma_wait3A_89 = arith.constant 0 : i32
      %dma_wait3A_90 = arith.constant 0 : i32
      %dma_wait3A_91 = tpu.memref_slice %arg9[%dma_wait3A_89, %dma_wait3A_90] : memref<10240x32xf32, #tpu.memory_space<vmem_shared>> -> memref<10240x32xf32, #tpu.memory_space<vmem_shared>>
      tpu.wait_indirect_dma semaphore(%arg12 : memref<!tpu.dma_semaphore, #tpu.memory_space<semaphore_mem>>) src(%dma_wait3A_91 : memref<10240x32xf32, #tpu.memory_space<vmem_shared>>) dst(%arg8 : memref<128x32xf32, #tpu.memory_space<vmem>>)
      %add3A_92 = arith.constant 1 : i32
      %add3A_93 = arith.addi %mul3A_63, %add3A_92 : i32
      "tpu.region"() ({
        %run_scoped3A_94 = tpu.sem_alloc : memref<!tpu.dma_semaphore, #tpu.memory_space<semaphore_mem>>
        %dma_start3A_95 = arith.constant 0 : i32
        %dma_start3A_96 = tpu.memref_slice %arg6[%add3A_93, %dma_start3A_95] : memref<79x128xi32, #tpu.memory_space<vmem>> -> memref<1x128xi32, #tpu.memory_space<vmem>>
        %dma_start3A_97 = tpu.memref_squeeze %dma_start3A_96 : memref<1x128xi32, #tpu.memory_space<vmem>> -> memref<128xi32, #tpu.memory_space<vmem>>
        %dma_start3A_98 = arith.constant 0 : i32
        %dma_start3A_99 = arith.constant 0 : i32
        %dma_start3A_100 = tpu.memref_slice %arg10[%dma_start3A_98, %dma_start3A_99] : memref<10240x32xf32, #tpu.memory_space<vmem_shared>> -> memref<10240x32xf32, #tpu.memory_space<vmem_shared>>
        tpu.enqueue_indirect_dma source(%arg8 : memref<128x32xf32, #tpu.memory_space<vmem>>) target(%dma_start3A_100 : memref<10240x32xf32, #tpu.memory_space<vmem_shared>>) offsets(%dma_start3A_97 : memref<128xi32, #tpu.memory_space<vmem>>) semaphore(%run_scoped3A_94 : memref<!tpu.dma_semaphore, #tpu.memory_space<semaphore_mem>>) {add = true}
        %dma_wait3A_101 = arith.constant 0 : i32
        %dma_wait3A_102 = tpu.memref_slice %arg6[%add3A_93, %dma_wait3A_101] : memref<79x128xi32, #tpu.memory_space<vmem>> -> memref<1x128xi32, #tpu.memory_space<vmem>>
        %dma_wait3A_103 = tpu.memref_squeeze %dma_wait3A_102 : memref<1x128xi32, #tpu.memory_space<vmem>> -> memref<128xi32, #tpu.memory_space<vmem>>
        %dma_wait3A_104 = arith.constant 0 : i32
        %dma_wait3A_105 = arith.constant 0 : i32
        %dma_wait3A_106 = tpu.memref_slice %arg10[%dma_wait3A_104, %dma_wait3A_105] : memref<10240x32xf32, #tpu.memory_space<vmem_shared>> -> memref<10240x32xf32, #tpu.memory_space<vmem_shared>>
        tpu.wait_indirect_dma semaphore(%run_scoped3A_94 : memref<!tpu.dma_semaphore, #tpu.memory_space<semaphore_mem>>) src(%arg8 : memref<128x32xf32, #tpu.memory_space<vmem>>) dst(%dma_wait3A_106 : memref<10240x32xf32, #tpu.memory_space<vmem_shared>>)
        tpu.yield
      }) : () -> ()
    }
    %scan3A_44 = arith.constant 39 : i32
    %lt3A_45 = arith.constant 4 : i32
    %lt3A_46 = arith.cmpi slt, %add3A, %lt3A_45 : i32
    %convert_element_type3A_47 = arith.extui %lt3A_46 : i1 to i32
    %cond3A_48 = arith.constant 0 : i32
    %cond3A_49 = arith.cmpi ne, %convert_element_type3A_47, %cond3A_48 : i32
    scf.if %cond3A_49 {
      %run_scoped3A_61 = arith.constant 78 : i32
      "tpu.region"() ({
        %run_scoped3A_63 = tpu.sem_alloc : memref<!tpu.dma_semaphore, #tpu.memory_space<semaphore_mem>>
        %dma_start3A_64 = arith.constant 0 : i32
        %dma_start3A_65 = tpu.memref_slice %arg5[%run_scoped3A_61, %dma_start3A_64] : memref<79x128xi32, #tpu.memory_space<vmem>> -> memref<1x128xi32, #tpu.memory_space<vmem>>
        %dma_start3A_66 = tpu.memref_squeeze %dma_start3A_65 : memref<1x128xi32, #tpu.memory_space<vmem>> -> memref<128xi32, #tpu.memory_space<vmem>>
        %dma_start3A_67 = arith.constant 0 : i32
        %dma_start3A_68 = arith.constant 0 : i32
        %dma_start3A_69 = tpu.memref_slice %arg9[%dma_start3A_67, %dma_start3A_68] : memref<10240x32xf32, #tpu.memory_space<vmem_shared>> -> memref<10240x32xf32, #tpu.memory_space<vmem_shared>>
        tpu.enqueue_indirect_dma source(%dma_start3A_69 : memref<10240x32xf32, #tpu.memory_space<vmem_shared>>) target(%arg7 : memref<128x32xf32, #tpu.memory_space<vmem>>) offsets(%dma_start3A_66 : memref<128xi32, #tpu.memory_space<vmem>>) semaphore(%run_scoped3A_63 : memref<!tpu.dma_semaphore, #tpu.memory_space<semaphore_mem>>)
        %dma_wait3A = arith.constant 0 : i32
        %dma_wait3A_70 = tpu.memref_slice %arg5[%run_scoped3A_61, %dma_wait3A] : memref<79x128xi32, #tpu.memory_space<vmem>> -> memref<1x128xi32, #tpu.memory_space<vmem>>
        %dma_wait3A_71 = tpu.memref_squeeze %dma_wait3A_70 : memref<1x128xi32, #tpu.memory_space<vmem>> -> memref<128xi32, #tpu.memory_space<vmem>>
        %dma_wait3A_72 = arith.constant 0 : i32
        %dma_wait3A_73 = arith.constant 0 : i32
        %dma_wait3A_74 = tpu.memref_slice %arg9[%dma_wait3A_72, %dma_wait3A_73] : memref<10240x32xf32, #tpu.memory_space<vmem_shared>> -> memref<10240x32xf32, #tpu.memory_space<vmem_shared>>
        tpu.wait_indirect_dma semaphore(%run_scoped3A_63 : memref<!tpu.dma_semaphore, #tpu.memory_space<semaphore_mem>>) src(%dma_wait3A_74 : memref<10240x32xf32, #tpu.memory_space<vmem_shared>>) dst(%arg7 : memref<128x32xf32, #tpu.memory_space<vmem>>)
        tpu.yield
      }) : () -> ()
      %run_scoped3A_62 = arith.constant 78 : i32
      "tpu.region"() ({
        %run_scoped3A_63 = tpu.sem_alloc : memref<!tpu.dma_semaphore, #tpu.memory_space<semaphore_mem>>
        %dma_start3A_64 = arith.constant 0 : i32
        %dma_start3A_65 = tpu.memref_slice %arg6[%run_scoped3A_62, %dma_start3A_64] : memref<79x128xi32, #tpu.memory_space<vmem>> -> memref<1x128xi32, #tpu.memory_space<vmem>>
        %dma_start3A_66 = tpu.memref_squeeze %dma_start3A_65 : memref<1x128xi32, #tpu.memory_space<vmem>> -> memref<128xi32, #tpu.memory_space<vmem>>
        %dma_start3A_67 = arith.constant 0 : i32
        %dma_start3A_68 = arith.constant 0 : i32
        %dma_start3A_69 = tpu.memref_slice %arg10[%dma_start3A_67, %dma_start3A_68] : memref<10240x32xf32, #tpu.memory_space<vmem_shared>> -> memref<10240x32xf32, #tpu.memory_space<vmem_shared>>
        tpu.enqueue_indirect_dma source(%arg7 : memref<128x32xf32, #tpu.memory_space<vmem>>) target(%dma_start3A_69 : memref<10240x32xf32, #tpu.memory_space<vmem_shared>>) offsets(%dma_start3A_66 : memref<128xi32, #tpu.memory_space<vmem>>) semaphore(%run_scoped3A_63 : memref<!tpu.dma_semaphore, #tpu.memory_space<semaphore_mem>>) {add = true}
        %dma_wait3A = arith.constant 0 : i32
        %dma_wait3A_70 = tpu.memref_slice %arg6[%run_scoped3A_62, %dma_wait3A] : memref<79x128xi32, #tpu.memory_space<vmem>> -> memref<1x128xi32, #tpu.memory_space<vmem>>
        %dma_wait3A_71 = tpu.memref_squeeze %dma_wait3A_70 : memref<1x128xi32, #tpu.memory_space<vmem>> -> memref<128xi32, #tpu.memory_space<vmem>>
        %dma_wait3A_72 = arith.constant 0 : i32
        %dma_wait3A_73 = arith.constant 0 : i32
        %dma_wait3A_74 = tpu.memref_slice %arg10[%dma_wait3A_72, %dma_wait3A_73] : memref<10240x32xf32, #tpu.memory_space<vmem_shared>> -> memref<10240x32xf32, #tpu.memory_space<vmem_shared>>
        tpu.wait_indirect_dma semaphore(%run_scoped3A_63 : memref<!tpu.dma_semaphore, #tpu.memory_space<semaphore_mem>>) src(%arg7 : memref<128x32xf32, #tpu.memory_space<vmem>>) dst(%dma_wait3A_74 : memref<10240x32xf32, #tpu.memory_space<vmem_shared>>)
        tpu.yield
      }) : () -> ()
    } else {
    }
    %barrier3A_50 = arith.constant 0 : index
    tpu.barrier barrier_id(%barrier3A_50)
    %add3A_51 = arith.constant 0 : i32
    %add3A_52 = arith.addi %mul3A_8, %add3A_51 : i32
    "tpu.region"() ({
      %run_scoped3A_61 = tpu.sem_alloc : memref<!tpu.dma_semaphore, #tpu.memory_space<semaphore_mem>>
      %dma_start3A_62 = arith.constant 0 : i32
      %dma_start3A_63 = tpu.memref_slice %arg10[%add3A_52, %dma_start3A_62] : memref<10240x32xf32, #tpu.memory_space<vmem_shared>> -> memref<128x32xf32, #tpu.memory_space<vmem_shared>>
      %dma_start3A_64 = arith.constant 0 : i32
      %dma_start3A_65 = tpu.memref_slice %arg10[%add3A_52, %dma_start3A_64] : memref<10240x32xf32, #tpu.memory_space<vmem_shared>> -> memref<128x32xf32, #tpu.memory_space<vmem_shared>>
      tpu.enqueue_dma source(%dma_start3A_65 : memref<128x32xf32, #tpu.memory_space<vmem_shared>>) target(%arg7 : memref<128x32xf32, #tpu.memory_space<vmem>>) target_semaphore(%run_scoped3A_61 : memref<!tpu.dma_semaphore, #tpu.memory_space<semaphore_mem>>)
      %dma_wait3A = arith.constant 0 : i32
      %dma_wait3A_66 = tpu.memref_slice %arg10[%add3A_52, %dma_wait3A] : memref<10240x32xf32, #tpu.memory_space<vmem_shared>> -> memref<128x32xf32, #tpu.memory_space<vmem_shared>>
      %dma_wait3A_67 = arith.constant 0 : i32
      %dma_wait3A_68 = tpu.memref_slice %arg10[%add3A_52, %dma_wait3A_67] : memref<10240x32xf32, #tpu.memory_space<vmem_shared>> -> memref<128x32xf32, #tpu.memory_space<vmem_shared>>
      tpu.wait_dma2 semaphore(%run_scoped3A_61 : memref<!tpu.dma_semaphore, #tpu.memory_space<semaphore_mem>>) src(%dma_wait3A_68 : memref<128x32xf32, #tpu.memory_space<vmem_shared>>) dst(%arg7 : memref<128x32xf32, #tpu.memory_space<vmem>>)
      tpu.yield
    }) : () -> ()
    "tpu.region"() ({
      %run_scoped3A_61 = tpu.sem_alloc : memref<!tpu.dma_semaphore, #tpu.memory_space<semaphore_mem>>
      %dma_start3A_62 = arith.constant 0 : i32
      %dma_start3A_63 = tpu.memref_slice %arg4[%arg0, %add3A_52, %dma_start3A_62] : memref<2x10240x32xf32, #tpu.memory_space<hbm>> -> memref<1x128x32xf32, #tpu.memory_space<hbm>>
      %dma_start3A_64 = tpu.memref_squeeze %dma_start3A_63 : memref<1x128x32xf32, #tpu.memory_space<hbm>> -> memref<128x32xf32, #tpu.memory_space<hbm>>
      %dma_start3A_65 = arith.constant 0 : i32
      %dma_start3A_66 = tpu.memref_slice %arg4[%arg0, %add3A_52, %dma_start3A_65] : memref<2x10240x32xf32, #tpu.memory_space<hbm>> -> memref<1x128x32xf32, #tpu.memory_space<hbm>>
      %dma_start3A_67 = tpu.memref_squeeze %dma_start3A_66 : memref<1x128x32xf32, #tpu.memory_space<hbm>> -> memref<128x32xf32, #tpu.memory_space<hbm>>
      tpu.enqueue_dma source(%arg7 : memref<128x32xf32, #tpu.memory_space<vmem>>) target(%dma_start3A_67 : memref<128x32xf32, #tpu.memory_space<hbm>>) target_semaphore(%run_scoped3A_61 : memref<!tpu.dma_semaphore, #tpu.memory_space<semaphore_mem>>)
      %dma_wait3A = arith.constant 0 : i32
      %dma_wait3A_68 = tpu.memref_slice %arg4[%arg0, %add3A_52, %dma_wait3A] : memref<2x10240x32xf32, #tpu.memory_space<hbm>> -> memref<1x128x32xf32, #tpu.memory_space<hbm>>
      %dma_wait3A_69 = tpu.memref_squeeze %dma_wait3A_68 : memref<1x128x32xf32, #tpu.memory_space<hbm>> -> memref<128x32xf32, #tpu.memory_space<hbm>>
      %dma_wait3A_70 = arith.constant 0 : i32
      %dma_wait3A_71 = tpu.memref_slice %arg4[%arg0, %add3A_52, %dma_wait3A_70] : memref<2x10240x32xf32, #tpu.memory_space<hbm>> -> memref<1x128x32xf32, #tpu.memory_space<hbm>>
      %dma_wait3A_72 = tpu.memref_squeeze %dma_wait3A_71 : memref<1x128x32xf32, #tpu.memory_space<hbm>> -> memref<128x32xf32, #tpu.memory_space<hbm>>
      tpu.wait_dma2 semaphore(%run_scoped3A_61 : memref<!tpu.dma_semaphore, #tpu.memory_space<semaphore_mem>>) src(%arg7 : memref<128x32xf32, #tpu.memory_space<vmem>>) dst(%dma_wait3A_72 : memref<128x32xf32, #tpu.memory_space<hbm>>)
      tpu.yield
    }) : () -> ()
    %add3A_53 = arith.constant 128 : i32
    %add3A_54 = arith.addi %mul3A_8, %add3A_53 : i32
    "tpu.region"() ({
      %run_scoped3A_61 = tpu.sem_alloc : memref<!tpu.dma_semaphore, #tpu.memory_space<semaphore_mem>>
      %dma_start3A_62 = arith.constant 0 : i32
      %dma_start3A_63 = tpu.memref_slice %arg10[%add3A_54, %dma_start3A_62] : memref<10240x32xf32, #tpu.memory_space<vmem_shared>> -> memref<128x32xf32, #tpu.memory_space<vmem_shared>>
      %dma_start3A_64 = arith.constant 0 : i32
      %dma_start3A_65 = tpu.memref_slice %arg10[%add3A_54, %dma_start3A_64] : memref<10240x32xf32, #tpu.memory_space<vmem_shared>> -> memref<128x32xf32, #tpu.memory_space<vmem_shared>>
      tpu.enqueue_dma source(%dma_start3A_65 : memref<128x32xf32, #tpu.memory_space<vmem_shared>>) target(%arg7 : memref<128x32xf32, #tpu.memory_space<vmem>>) target_semaphore(%run_scoped3A_61 : memref<!tpu.dma_semaphore, #tpu.memory_space<semaphore_mem>>)
      %dma_wait3A = arith.constant 0 : i32
      %dma_wait3A_66 = tpu.memref_slice %arg10[%add3A_54, %dma_wait3A] : memref<10240x32xf32, #tpu.memory_space<vmem_shared>> -> memref<128x32xf32, #tpu.memory_space<vmem_shared>>
      %dma_wait3A_67 = arith.constant 0 : i32
      %dma_wait3A_68 = tpu.memref_slice %arg10[%add3A_54, %dma_wait3A_67] : memref<10240x32xf32, #tpu.memory_space<vmem_shared>> -> memref<128x32xf32, #tpu.memory_space<vmem_shared>>
      tpu.wait_dma2 semaphore(%run_scoped3A_61 : memref<!tpu.dma_semaphore, #tpu.memory_space<semaphore_mem>>) src(%dma_wait3A_68 : memref<128x32xf32, #tpu.memory_space<vmem_shared>>) dst(%arg7 : memref<128x32xf32, #tpu.memory_space<vmem>>)
      tpu.yield
    }) : () -> ()
    "tpu.region"() ({
      %run_scoped3A_61 = tpu.sem_alloc : memref<!tpu.dma_semaphore, #tpu.memory_space<semaphore_mem>>
      %dma_start3A_62 = arith.constant 0 : i32
      %dma_start3A_63 = tpu.memref_slice %arg4[%arg0, %add3A_54, %dma_start3A_62] : memref<2x10240x32xf32, #tpu.memory_space<hbm>> -> memref<1x128x32xf32, #tpu.memory_space<hbm>>
      %dma_start3A_64 = tpu.memref_squeeze %dma_start3A_63 : memref<1x128x32xf32, #tpu.memory_space<hbm>> -> memref<128x32xf32, #tpu.memory_space<hbm>>
      %dma_start3A_65 = arith.constant 0 : i32
      %dma_start3A_66 = tpu.memref_slice %arg4[%arg0, %add3A_54, %dma_start3A_65] : memref<2x10240x32xf32, #tpu.memory_space<hbm>> -> memref<1x128x32xf32, #tpu.memory_space<hbm>>
      %dma_start3A_67 = tpu.memref_squeeze %dma_start3A_66 : memref<1x128x32xf32, #tpu.memory_space<hbm>> -> memref<128x32xf32, #tpu.memory_space<hbm>>
      tpu.enqueue_dma source(%arg7 : memref<128x32xf32, #tpu.memory_space<vmem>>) target(%dma_start3A_67 : memref<128x32xf32, #tpu.memory_space<hbm>>) target_semaphore(%run_scoped3A_61 : memref<!tpu.dma_semaphore, #tpu.memory_space<semaphore_mem>>)
      %dma_wait3A = arith.constant 0 : i32
      %dma_wait3A_68 = tpu.memref_slice %arg4[%arg0, %add3A_54, %dma_wait3A] : memref<2x10240x32xf32, #tpu.memory_space<hbm>> -> memref<1x128x32xf32, #tpu.memory_space<hbm>>
      %dma_wait3A_69 = tpu.memref_squeeze %dma_wait3A_68 : memref<1x128x32xf32, #tpu.memory_space<hbm>> -> memref<128x32xf32, #tpu.memory_space<hbm>>
      %dma_wait3A_70 = arith.constant 0 : i32
      %dma_wait3A_71 = tpu.memref_slice %arg4[%arg0, %add3A_54, %dma_wait3A_70] : memref<2x10240x32xf32, #tpu.memory_space<hbm>> -> memref<1x128x32xf32, #tpu.memory_space<hbm>>
      %dma_wait3A_72 = tpu.memref_squeeze %dma_wait3A_71 : memref<1x128x32xf32, #tpu.memory_space<hbm>> -> memref<128x32xf32, #tpu.memory_space<hbm>>
      tpu.wait_dma2 semaphore(%run_scoped3A_61 : memref<!tpu.dma_semaphore, #tpu.memory_space<semaphore_mem>>) src(%arg7 : memref<128x32xf32, #tpu.memory_space<vmem>>) dst(%dma_wait3A_72 : memref<128x32xf32, #tpu.memory_space<hbm>>)
      tpu.yield
    }) : () -> ()
    %add3A_55 = arith.constant 256 : i32
    %add3A_56 = arith.addi %mul3A_8, %add3A_55 : i32
    "tpu.region"() ({
      %run_scoped3A_61 = tpu.sem_alloc : memref<!tpu.dma_semaphore, #tpu.memory_space<semaphore_mem>>
      %dma_start3A_62 = arith.constant 0 : i32
      %dma_start3A_63 = tpu.memref_slice %arg10[%add3A_56, %dma_start3A_62] : memref<10240x32xf32, #tpu.memory_space<vmem_shared>> -> memref<128x32xf32, #tpu.memory_space<vmem_shared>>
      %dma_start3A_64 = arith.constant 0 : i32
      %dma_start3A_65 = tpu.memref_slice %arg10[%add3A_56, %dma_start3A_64] : memref<10240x32xf32, #tpu.memory_space<vmem_shared>> -> memref<128x32xf32, #tpu.memory_space<vmem_shared>>
      tpu.enqueue_dma source(%dma_start3A_65 : memref<128x32xf32, #tpu.memory_space<vmem_shared>>) target(%arg7 : memref<128x32xf32, #tpu.memory_space<vmem>>) target_semaphore(%run_scoped3A_61 : memref<!tpu.dma_semaphore, #tpu.memory_space<semaphore_mem>>)
      %dma_wait3A = arith.constant 0 : i32
      %dma_wait3A_66 = tpu.memref_slice %arg10[%add3A_56, %dma_wait3A] : memref<10240x32xf32, #tpu.memory_space<vmem_shared>> -> memref<128x32xf32, #tpu.memory_space<vmem_shared>>
      %dma_wait3A_67 = arith.constant 0 : i32
      %dma_wait3A_68 = tpu.memref_slice %arg10[%add3A_56, %dma_wait3A_67] : memref<10240x32xf32, #tpu.memory_space<vmem_shared>> -> memref<128x32xf32, #tpu.memory_space<vmem_shared>>
      tpu.wait_dma2 semaphore(%run_scoped3A_61 : memref<!tpu.dma_semaphore, #tpu.memory_space<semaphore_mem>>) src(%dma_wait3A_68 : memref<128x32xf32, #tpu.memory_space<vmem_shared>>) dst(%arg7 : memref<128x32xf32, #tpu.memory_space<vmem>>)
      tpu.yield
    }) : () -> ()
    "tpu.region"() ({
      %run_scoped3A_61 = tpu.sem_alloc : memref<!tpu.dma_semaphore, #tpu.memory_space<semaphore_mem>>
      %dma_start3A_62 = arith.constant 0 : i32
      %dma_start3A_63 = tpu.memref_slice %arg4[%arg0, %add3A_56, %dma_start3A_62] : memref<2x10240x32xf32, #tpu.memory_space<hbm>> -> memref<1x128x32xf32, #tpu.memory_space<hbm>>
      %dma_start3A_64 = tpu.memref_squeeze %dma_start3A_63 : memref<1x128x32xf32, #tpu.memory_space<hbm>> -> memref<128x32xf32, #tpu.memory_space<hbm>>
      %dma_start3A_65 = arith.constant 0 : i32
      %dma_start3A_66 = tpu.memref_slice %arg4[%arg0, %add3A_56, %dma_start3A_65] : memref<2x10240x32xf32, #tpu.memory_space<hbm>> -> memref<1x128x32xf32, #tpu.memory_space<hbm>>
      %dma_start3A_67 = tpu.memref_squeeze %dma_start3A_66 : memref<1x128x32xf32, #tpu.memory_space<hbm>> -> memref<128x32xf32, #tpu.memory_space<hbm>>
      tpu.enqueue_dma source(%arg7 : memref<128x32xf32, #tpu.memory_space<vmem>>) target(%dma_start3A_67 : memref<128x32xf32, #tpu.memory_space<hbm>>) target_semaphore(%run_scoped3A_61 : memref<!tpu.dma_semaphore, #tpu.memory_space<semaphore_mem>>)
      %dma_wait3A = arith.constant 0 : i32
      %dma_wait3A_68 = tpu.memref_slice %arg4[%arg0, %add3A_56, %dma_wait3A] : memref<2x10240x32xf32, #tpu.memory_space<hbm>> -> memref<1x128x32xf32, #tpu.memory_space<hbm>>
      %dma_wait3A_69 = tpu.memref_squeeze %dma_wait3A_68 : memref<1x128x32xf32, #tpu.memory_space<hbm>> -> memref<128x32xf32, #tpu.memory_space<hbm>>
      %dma_wait3A_70 = arith.constant 0 : i32
      %dma_wait3A_71 = tpu.memref_slice %arg4[%arg0, %add3A_56, %dma_wait3A_70] : memref<2x10240x32xf32, #tpu.memory_space<hbm>> -> memref<1x128x32xf32, #tpu.memory_space<hbm>>
      %dma_wait3A_72 = tpu.memref_squeeze %dma_wait3A_71 : memref<1x128x32xf32, #tpu.memory_space<hbm>> -> memref<128x32xf32, #tpu.memory_space<hbm>>
      tpu.wait_dma2 semaphore(%run_scoped3A_61 : memref<!tpu.dma_semaphore, #tpu.memory_space<semaphore_mem>>) src(%arg7 : memref<128x32xf32, #tpu.memory_space<vmem>>) dst(%dma_wait3A_72 : memref<128x32xf32, #tpu.memory_space<hbm>>)
      tpu.yield
    }) : () -> ()
    %add3A_57 = arith.constant 384 : i32
    %add3A_58 = arith.addi %mul3A_8, %add3A_57 : i32
    "tpu.region"() ({
      %run_scoped3A_61 = tpu.sem_alloc : memref<!tpu.dma_semaphore, #tpu.memory_space<semaphore_mem>>
      %dma_start3A_62 = arith.constant 0 : i32
      %dma_start3A_63 = tpu.memref_slice %arg10[%add3A_58, %dma_start3A_62] : memref<10240x32xf32, #tpu.memory_space<vmem_shared>> -> memref<128x32xf32, #tpu.memory_space<vmem_shared>>
      %dma_start3A_64 = arith.constant 0 : i32
      %dma_start3A_65 = tpu.memref_slice %arg10[%add3A_58, %dma_start3A_64] : memref<10240x32xf32, #tpu.memory_space<vmem_shared>> -> memref<128x32xf32, #tpu.memory_space<vmem_shared>>
      tpu.enqueue_dma source(%dma_start3A_65 : memref<128x32xf32, #tpu.memory_space<vmem_shared>>) target(%arg7 : memref<128x32xf32, #tpu.memory_space<vmem>>) target_semaphore(%run_scoped3A_61 : memref<!tpu.dma_semaphore, #tpu.memory_space<semaphore_mem>>)
      %dma_wait3A = arith.constant 0 : i32
      %dma_wait3A_66 = tpu.memref_slice %arg10[%add3A_58, %dma_wait3A] : memref<10240x32xf32, #tpu.memory_space<vmem_shared>> -> memref<128x32xf32, #tpu.memory_space<vmem_shared>>
      %dma_wait3A_67 = arith.constant 0 : i32
      %dma_wait3A_68 = tpu.memref_slice %arg10[%add3A_58, %dma_wait3A_67] : memref<10240x32xf32, #tpu.memory_space<vmem_shared>> -> memref<128x32xf32, #tpu.memory_space<vmem_shared>>
      tpu.wait_dma2 semaphore(%run_scoped3A_61 : memref<!tpu.dma_semaphore, #tpu.memory_space<semaphore_mem>>) src(%dma_wait3A_68 : memref<128x32xf32, #tpu.memory_space<vmem_shared>>) dst(%arg7 : memref<128x32xf32, #tpu.memory_space<vmem>>)
      tpu.yield
    }) : () -> ()
    "tpu.region"() ({
      %run_scoped3A_61 = tpu.sem_alloc : memref<!tpu.dma_semaphore, #tpu.memory_space<semaphore_mem>>
      %dma_start3A_62 = arith.constant 0 : i32
      %dma_start3A_63 = tpu.memref_slice %arg4[%arg0, %add3A_58, %dma_start3A_62] : memref<2x10240x32xf32, #tpu.memory_space<hbm>> -> memref<1x128x32xf32, #tpu.memory_space<hbm>>
      %dma_start3A_64 = tpu.memref_squeeze %dma_start3A_63 : memref<1x128x32xf32, #tpu.memory_space<hbm>> -> memref<128x32xf32, #tpu.memory_space<hbm>>
      %dma_start3A_65 = arith.constant 0 : i32
      %dma_start3A_66 = tpu.memref_slice %arg4[%arg0, %add3A_58, %dma_start3A_65] : memref<2x10240x32xf32, #tpu.memory_space<hbm>> -> memref<1x128x32xf32, #tpu.memory_space<hbm>>
      %dma_start3A_67 = tpu.memref_squeeze %dma_start3A_66 : memref<1x128x32xf32, #tpu.memory_space<hbm>> -> memref<128x32xf32, #tpu.memory_space<hbm>>
      tpu.enqueue_dma source(%arg7 : memref<128x32xf32, #tpu.memory_space<vmem>>) target(%dma_start3A_67 : memref<128x32xf32, #tpu.memory_space<hbm>>) target_semaphore(%run_scoped3A_61 : memref<!tpu.dma_semaphore, #tpu.memory_space<semaphore_mem>>)
      %dma_wait3A = arith.constant 0 : i32
      %dma_wait3A_68 = tpu.memref_slice %arg4[%arg0, %add3A_58, %dma_wait3A] : memref<2x10240x32xf32, #tpu.memory_space<hbm>> -> memref<1x128x32xf32, #tpu.memory_space<hbm>>
      %dma_wait3A_69 = tpu.memref_squeeze %dma_wait3A_68 : memref<1x128x32xf32, #tpu.memory_space<hbm>> -> memref<128x32xf32, #tpu.memory_space<hbm>>
      %dma_wait3A_70 = arith.constant 0 : i32
      %dma_wait3A_71 = tpu.memref_slice %arg4[%arg0, %add3A_58, %dma_wait3A_70] : memref<2x10240x32xf32, #tpu.memory_space<hbm>> -> memref<1x128x32xf32, #tpu.memory_space<hbm>>
      %dma_wait3A_72 = tpu.memref_squeeze %dma_wait3A_71 : memref<1x128x32xf32, #tpu.memory_space<hbm>> -> memref<128x32xf32, #tpu.memory_space<hbm>>
      tpu.wait_dma2 semaphore(%run_scoped3A_61 : memref<!tpu.dma_semaphore, #tpu.memory_space<semaphore_mem>>) src(%arg7 : memref<128x32xf32, #tpu.memory_space<vmem>>) dst(%dma_wait3A_72 : memref<128x32xf32, #tpu.memory_space<hbm>>)
      tpu.yield
    }) : () -> ()
    %add3A_59 = arith.constant 512 : i32
    %add3A_60 = arith.addi %mul3A_8, %add3A_59 : i32
    "tpu.region"() ({
      %run_scoped3A_61 = tpu.sem_alloc : memref<!tpu.dma_semaphore, #tpu.memory_space<semaphore_mem>>
      %dma_start3A_62 = arith.constant 0 : i32
      %dma_start3A_63 = tpu.memref_slice %arg10[%add3A_60, %dma_start3A_62] : memref<10240x32xf32, #tpu.memory_space<vmem_shared>> -> memref<128x32xf32, #tpu.memory_space<vmem_shared>>
      %dma_start3A_64 = arith.constant 0 : i32
      %dma_start3A_65 = tpu.memref_slice %arg10[%add3A_60, %dma_start3A_64] : memref<10240x32xf32, #tpu.memory_space<vmem_shared>> -> memref<128x32xf32, #tpu.memory_space<vmem_shared>>
      tpu.enqueue_dma source(%dma_start3A_65 : memref<128x32xf32, #tpu.memory_space<vmem_shared>>) target(%arg7 : memref<128x32xf32, #tpu.memory_space<vmem>>) target_semaphore(%run_scoped3A_61 : memref<!tpu.dma_semaphore, #tpu.memory_space<semaphore_mem>>)
      %dma_wait3A = arith.constant 0 : i32
      %dma_wait3A_66 = tpu.memref_slice %arg10[%add3A_60, %dma_wait3A] : memref<10240x32xf32, #tpu.memory_space<vmem_shared>> -> memref<128x32xf32, #tpu.memory_space<vmem_shared>>
      %dma_wait3A_67 = arith.constant 0 : i32
      %dma_wait3A_68 = tpu.memref_slice %arg10[%add3A_60, %dma_wait3A_67] : memref<10240x32xf32, #tpu.memory_space<vmem_shared>> -> memref<128x32xf32, #tpu.memory_space<vmem_shared>>
      tpu.wait_dma2 semaphore(%run_scoped3A_61 : memref<!tpu.dma_semaphore, #tpu.memory_space<semaphore_mem>>) src(%dma_wait3A_68 : memref<128x32xf32, #tpu.memory_space<vmem_shared>>) dst(%arg7 : memref<128x32xf32, #tpu.memory_space<vmem>>)
      tpu.yield
    }) : () -> ()
    "tpu.region"() ({
      %run_scoped3A_61 = tpu.sem_alloc : memref<!tpu.dma_semaphore, #tpu.memory_space<semaphore_mem>>
      %dma_start3A_62 = arith.constant 0 : i32
      %dma_start3A_63 = tpu.memref_slice %arg4[%arg0, %add3A_60, %dma_start3A_62] : memref<2x10240x32xf32, #tpu.memory_space<hbm>> -> memref<1x128x32xf32, #tpu.memory_space<hbm>>
      %dma_start3A_64 = tpu.memref_squeeze %dma_start3A_63 : memref<1x128x32xf32, #tpu.memory_space<hbm>> -> memref<128x32xf32, #tpu.memory_space<hbm>>
      %dma_start3A_65 = arith.constant 0 : i32
      %dma_start3A_66 = tpu.memref_slice %arg4[%arg0, %add3A_60, %dma_start3A_65] : memref<2x10240x32xf32, #tpu.memory_space<hbm>> -> memref<1x128x32xf32, #tpu.memory_space<hbm>>
      %dma_start3A_67 = tpu.memref_squeeze %dma_start3A_66 : memref<1x128x32xf32, #tpu.memory_space<hbm>> -> memref<128x32xf32, #tpu.memory_space<hbm>>
      tpu.enqueue_dma source(%arg7 : memref<128x32xf32, #tpu.memory_space<vmem>>) target(%dma_start3A_67 : memref<128x32xf32, #tpu.memory_space<hbm>>) target_semaphore(%run_scoped3A_61 : memref<!tpu.dma_semaphore, #tpu.memory_space<semaphore_mem>>)
      %dma_wait3A = arith.constant 0 : i32
      %dma_wait3A_68 = tpu.memref_slice %arg4[%arg0, %add3A_60, %dma_wait3A] : memref<2x10240x32xf32, #tpu.memory_space<hbm>> -> memref<1x128x32xf32, #tpu.memory_space<hbm>>
      %dma_wait3A_69 = tpu.memref_squeeze %dma_wait3A_68 : memref<1x128x32xf32, #tpu.memory_space<hbm>> -> memref<128x32xf32, #tpu.memory_space<hbm>>
      %dma_wait3A_70 = arith.constant 0 : i32
      %dma_wait3A_71 = tpu.memref_slice %arg4[%arg0, %add3A_60, %dma_wait3A_70] : memref<2x10240x32xf32, #tpu.memory_space<hbm>> -> memref<1x128x32xf32, #tpu.memory_space<hbm>>
      %dma_wait3A_72 = tpu.memref_squeeze %dma_wait3A_71 : memref<1x128x32xf32, #tpu.memory_space<hbm>> -> memref<128x32xf32, #tpu.memory_space<hbm>>
      tpu.wait_dma2 semaphore(%run_scoped3A_61 : memref<!tpu.dma_semaphore, #tpu.memory_space<semaphore_mem>>) src(%arg7 : memref<128x32xf32, #tpu.memory_space<vmem>>) dst(%dma_wait3A_72 : memref<128x32xf32, #tpu.memory_space<hbm>>)
      tpu.yield
    }) : () -> ()
    return
  }
}

module attributes {stable_mosaic.version = 14 : i64} {
  func.func @body(%arg0: i32, %arg1: memref<1000x128xf32, #tpu.memory_space<vmem>>, %arg2: memref<128x64xf32, #tpu.memory_space<vmem>>, %arg3: memref<1000x64xf32, #tpu.memory_space<vmem>>) attributes {dimension_semantics = [#tpu.dimension_semantics<arbitrary>], iteration_bounds = array<i64: 10>, scalar_prefetch = 0 : i64, scratch_operands = 0 : i64, tpu.core_type = #tpu.core_type<tc>, window_params = [{transform_indices = @transform_0, window_bounds = array<i64: 1000, 128>}, {pipeline_mode = #tpu.pipeline_mode<synchronous>, transform_indices = @transform_1, window_bounds = array<i64: 128, 64>}, {transform_indices = @transform_2, window_bounds = array<i64: 1000, 64>}]} {
    %get3A = arith.constant 0 : index
    %get3A_0 = arith.constant 0 : index
    %get3A_1 = vector.load %arg1[%get3A, %get3A_0] : memref<1000x128xf32, #tpu.memory_space<vmem>>, vector<1000x128xf32>
    %get3A_2 = arith.constant 0 : index
    %get3A_3 = arith.constant 0 : index
    %get3A_4 = vector.load %arg2[%get3A_2, %get3A_3] : memref<128x64xf32, #tpu.memory_space<vmem>>, vector<128x64xf32>
    %dot_general3A = arith.constant dense<0.000000e+00> : vector<1000x64xf32>
    %dot_general3A_5 = tpu.matmul %get3A_1, %get3A_4, %dot_general3A {dimension_numbers = #tpu.dot_dimension_numbers<[1], [0], [0], [1], [0, 0, 1, 1], [], []>, transpose_lhs_hint = false} : vector<1000x128xf32>, vector<128x64xf32>, vector<1000x64xf32> -> vector<1000x64xf32>
    %swap3A = arith.constant 0 : index
    %swap3A_6 = arith.constant 0 : index
    %swap3A_7 = vector.load %arg3[%swap3A, %swap3A_6] : memref<1000x64xf32, #tpu.memory_space<vmem>>, vector<1000x64xf32>
    tpu.vector_store %arg3[%swap3A, %swap3A_6], %dot_general3A_5 {strides = array<i32>} : memref<1000x64xf32, #tpu.memory_space<vmem>>, vector<1000x64xf32>,
    return
  }
  func.func @transform_0(%arg0: i32) -> (i32, i32) {
    %c0_i32 = arith.constant 0 : i32
    %c0_i32_0 = arith.constant 0 : i32
    return %arg0, %c0_i32 : i32, i32
  }
  func.func @transform_1(%arg0: i32) -> (i32, i32) {
    %c0_i32 = arith.constant 0 : i32
    %c0_i32_0 = arith.constant 0 : i32
    %c0_i32_1 = arith.constant 0 : i32
    return %c0_i32, %c0_i32_0 : i32, i32
  }
  func.func @transform_2(%arg0: i32) -> (i32, i32) {
    %c0_i32 = arith.constant 0 : i32
    %c0_i32_0 = arith.constant 0 : i32
    return %arg0, %c0_i32 : i32, i32
  }
}

module attributes {stable_mosaic.version = 14 : i64} {
  func.func @body(%arg0: i32, %arg1: memref<2x1000x16xf32, #tpu.memory_space<vmem>>, %arg2: memref<1000x64xf32, #tpu.memory_space<vmem>>, %arg3: memref<1000x64xf32, #tpu.memory_space<vmem>>, %arg4: memref<1000x8xf32, #tpu.memory_space<vmem>>) attributes {dimension_semantics = [#tpu.dimension_semantics<arbitrary>], iteration_bounds = array<i64: 10>, scalar_prefetch = 0 : i64, scratch_operands = 0 : i64, tpu.core_type = #tpu.core_type<tc>, window_params = [{transform_indices = @transform_0, window_bounds = array<i64: 2, 1000, 16>}, {transform_indices = @transform_1, window_bounds = array<i64: 1000, 64>}, {transform_indices = @transform_2, window_bounds = array<i64: 1000, 64>}, {transform_indices = @transform_3, window_bounds = array<i64: 1000, 8>}]} {
    %get3A = arith.constant 0 : index
    %get3A_0 = arith.constant 0 : index
    %get3A_1 = arith.constant 0 : index
    %get3A_2 = vector.load %arg1[%get3A, %get3A_0, %get3A_1] : memref<2x1000x16xf32, #tpu.memory_space<vmem>>, vector<2x1000x16xf32>
    %slice3A = vector.extract_strided_slice %get3A_2 {offsets = [0, 0, 0], sizes = [1, 1000, 1], strides = [1, 1, 1]} : vector<2x1000x16xf32> to vector<1x1000x1xf32>
    %squeeze3A = vector.shape_cast %slice3A : vector<1x1000x1xf32> to vector<1000x1xf32>
    %slice3A_3 = vector.extract_strided_slice %get3A_2 {offsets = [1, 0, 0], sizes = [1, 1000, 1], strides = [1, 1, 1]} : vector<2x1000x16xf32> to vector<1x1000x1xf32>
    %squeeze3A_4 = vector.shape_cast %slice3A_3 : vector<1x1000x1xf32> to vector<1000x1xf32>
    %add3A = arith.addf %squeeze3A, %squeeze3A_4 : vector<1000x1xf32>
    %add3A_5 = arith.constant 1.000000e+00 : f32
    %add3A_6 = vector.broadcast %add3A_5 : f32 to vector<1000x1xf32>
    %add3A_7 = arith.addf %add3A, %add3A_6 : vector<1000x1xf32>
    %rsqrt3A = math.rsqrt %add3A_7 : vector<1000x1xf32>
    %get3A_8 = arith.constant 0 : index
    %get3A_9 = arith.constant 0 : index
    %get3A_10 = vector.load %arg2[%get3A_8, %get3A_9] : memref<1000x64xf32, #tpu.memory_space<vmem>>, vector<1000x64xf32>
    %mul3A = vector.broadcast %rsqrt3A : vector<1000x1xf32> to vector<1000x64xf32>
    %mul3A_11 = arith.mulf %mul3A, %get3A_10 : vector<1000x64xf32>
    %swap3A = arith.constant 0 : index
    %swap3A_12 = arith.constant 0 : index
    %swap3A_13 = vector.load %arg3[%swap3A, %swap3A_12] : memref<1000x64xf32, #tpu.memory_space<vmem>>, vector<1000x64xf32>
    tpu.vector_store %arg3[%swap3A, %swap3A_12], %mul3A_11 {strides = array<i32>} : memref<1000x64xf32, #tpu.memory_space<vmem>>, vector<1000x64xf32>,
    %broadcast_in_dim3A = vector.shape_cast %rsqrt3A : vector<1000x1xf32> to vector<1000x1xf32>
    %broadcast_in_dim3A_14 = vector.broadcast %broadcast_in_dim3A : vector<1000x1xf32> to vector<1000x8xf32>
    %swap3A_15 = arith.constant 0 : index
    %swap3A_16 = arith.constant 0 : index
    %swap3A_17 = vector.load %arg4[%swap3A_15, %swap3A_16] : memref<1000x8xf32, #tpu.memory_space<vmem>>, vector<1000x8xf32>
    tpu.vector_store %arg4[%swap3A_15, %swap3A_16], %broadcast_in_dim3A_14 {strides = array<i32>} : memref<1000x8xf32, #tpu.memory_space<vmem>>, vector<1000x8xf32>,
    return
  }
  func.func @transform_0(%arg0: i32) -> (i32, i32, i32) {
    %c0_i32 = arith.constant 0 : i32
    %c0_i32_0 = arith.constant 0 : i32
    %c0_i32_1 = arith.constant 0 : i32
    return %c0_i32, %arg0, %c0_i32_0 : i32, i32, i32
  }
  func.func @transform_1(%arg0: i32) -> (i32, i32) {
    %c0_i32 = arith.constant 0 : i32
    %c0_i32_0 = arith.constant 0 : i32
    return %arg0, %c0_i32 : i32, i32
  }
  func.func @transform_2(%arg0: i32) -> (i32, i32) {
    %c0_i32 = arith.constant 0 : i32
    %c0_i32_0 = arith.constant 0 : i32
    return %arg0, %c0_i32 : i32, i32
  }
  func.func @transform_3(%arg0: i32) -> (i32, i32) {
    %c0_i32 = arith.constant 0 : i32
    %c0_i32_0 = arith.constant 0 : i32
    return %arg0, %c0_i32 : i32, i32
  }
}

module attributes {stable_mosaic.version = 14 : i64} {
  func.func @body(%arg0: i32, %arg1: memref<2x1000x64xf32, #tpu.memory_space<vmem>>, %arg2: memref<1000x64xf32, #tpu.memory_space<vmem>>, %arg3: memref<1000x8xf32, #tpu.memory_space<vmem>>, %arg4: memref<64xf32, #tpu.memory_space<vmem>>, %arg5: memref<64xf32, #tpu.memory_space<vmem>>, %arg6: memref<64xf32, #tpu.memory_space<vmem>>, %arg7: memref<64x32xf32, #tpu.memory_space<vmem>>, %arg8: memref<1000x32xf32, #tpu.memory_space<vmem>>) attributes {dimension_semantics = [#tpu.dimension_semantics<arbitrary>], iteration_bounds = array<i64: 10>, scalar_prefetch = 0 : i64, scratch_operands = 0 : i64, tpu.core_type = #tpu.core_type<tc>, window_params = [{transform_indices = @transform_0, window_bounds = array<i64: 2, 1000, 64>}, {transform_indices = @transform_1, window_bounds = array<i64: 1000, 64>}, {transform_indices = @transform_2, window_bounds = array<i64: 1000, 8>}, {pipeline_mode = #tpu.pipeline_mode<synchronous>, transform_indices = @transform_3, window_bounds = array<i64: 64>}, {pipeline_mode = #tpu.pipeline_mode<synchronous>, transform_indices = @transform_4, window_bounds = array<i64: 64>}, {pipeline_mode = #tpu.pipeline_mode<synchronous>, transform_indices = @transform_5, window_bounds = array<i64: 64>}, {pipeline_mode = #tpu.pipeline_mode<synchronous>, transform_indices = @transform_6, window_bounds = array<i64: 64, 32>}, {transform_indices = @transform_7, window_bounds = array<i64: 1000, 32>}]} {
    %get3A = arith.constant 0 : index
    %get3A_0 = arith.constant 0 : index
    %get3A_1 = arith.constant 0 : index
    %get3A_2 = vector.load %arg1[%get3A, %get3A_0, %get3A_1] : memref<2x1000x64xf32, #tpu.memory_space<vmem>>, vector<2x1000x64xf32>
    %get3A_3 = arith.constant 0 : index
    %get3A_4 = arith.constant 0 : index
    %get3A_5 = vector.load %arg3[%get3A_3, %get3A_4] : memref<1000x8xf32, #tpu.memory_space<vmem>>, vector<1000x8xf32>
    %slice3A = vector.extract_strided_slice %get3A_5 {offsets = [0, 0], sizes = [1000, 1], strides = [1, 1]} : vector<1000x8xf32> to vector<1000x1xf32>
    %slice3A_6 = vector.extract_strided_slice %get3A_2 {offsets = [0, 0, 0], sizes = [1, 1000, 64], strides = [1, 1, 1]} : vector<2x1000x64xf32> to vector<1x1000x64xf32>
    %squeeze3A = vector.shape_cast %slice3A_6 : vector<1x1000x64xf32> to vector<1000x64xf32>
    %slice3A_7 = vector.extract_strided_slice %get3A_2 {offsets = [1, 0, 0], sizes = [1, 1000, 64], strides = [1, 1, 1]} : vector<2x1000x64xf32> to vector<1x1000x64xf32>
    %squeeze3A_8 = vector.shape_cast %slice3A_7 : vector<1x1000x64xf32> to vector<1000x64xf32>
    %add3A = arith.addf %squeeze3A, %squeeze3A_8 : vector<1000x64xf32>
    %get3A_9 = arith.constant 0 : index
    %get3A_10 = arith.constant 0 : index
    %get3A_11 = vector.load %arg2[%get3A_9, %get3A_10] : memref<1000x64xf32, #tpu.memory_space<vmem>>, vector<1000x64xf32>
    %add3A_12 = arith.addf %add3A, %get3A_11 : vector<1000x64xf32>
    %mul3A = vector.broadcast %slice3A : vector<1000x1xf32> to vector<1000x64xf32>
    %mul3A_13 = arith.mulf %mul3A, %add3A_12 : vector<1000x64xf32>
    %get3A_14 = arith.constant 0 : index
    %get3A_15 = vector.load %arg4[%get3A_14] : memref<64xf32, #tpu.memory_space<vmem>>, vector<64xf32>
    %broadcast_in_dim3A = vector.shape_cast %get3A_15 : vector<64xf32> to vector<1x64xf32>
    %add3A_16 = vector.broadcast %broadcast_in_dim3A : vector<1x64xf32> to vector<1000x64xf32>
    %add3A_17 = arith.addf %mul3A_13, %add3A_16 : vector<1000x64xf32>
    %get3A_18 = arith.constant 0 : index
    %get3A_19 = vector.load %arg5[%get3A_18] : memref<64xf32, #tpu.memory_space<vmem>>, vector<64xf32>
    %mul3A_20 = arith.constant 0.999994993 : f32
    %mul3A_21 = vector.broadcast %mul3A_20 : f32 to vector<64xf32>
    %mul3A_22 = arith.mulf %mul3A_21, %get3A_19 : vector<64xf32>
    %broadcast_in_dim3A_23 = vector.shape_cast %mul3A_22 : vector<64xf32> to vector<1x64xf32>
    %mul3A_24 = vector.broadcast %broadcast_in_dim3A_23 : vector<1x64xf32> to vector<1000x64xf32>
    %mul3A_25 = arith.mulf %mul3A_24, %add3A_17 : vector<1000x64xf32>
    %get3A_26 = arith.constant 0 : index
    %get3A_27 = vector.load %arg6[%get3A_26] : memref<64xf32, #tpu.memory_space<vmem>>, vector<64xf32>
    %broadcast_in_dim3A_28 = vector.shape_cast %get3A_27 : vector<64xf32> to vector<1x64xf32>
    %add3A_29 = vector.broadcast %broadcast_in_dim3A_28 : vector<1x64xf32> to vector<1000x64xf32>
    %add3A_30 = arith.addf %mul3A_25, %add3A_29 : vector<1000x64xf32>
    %max3A = arith.constant 0.000000e+00 : f32
    %max3A_31 = vector.broadcast %max3A : f32 to vector<1000x64xf32>
    %max3A_32 = arith.maximumf %add3A_30, %max3A_31 : vector<1000x64xf32>
    %get3A_33 = arith.constant 0 : index
    %get3A_34 = arith.constant 0 : index
    %get3A_35 = vector.load %arg7[%get3A_33, %get3A_34] : memref<64x32xf32, #tpu.memory_space<vmem>>, vector<64x32xf32>
    %dot_general3A = arith.constant dense<0.000000e+00> : vector<1000x32xf32>
    %dot_general3A_36 = tpu.matmul %max3A_32, %get3A_35, %dot_general3A {dimension_numbers = #tpu.dot_dimension_numbers<[1], [0], [0], [1], [0, 0, 1, 1], [], []>, transpose_lhs_hint = false} : vector<1000x64xf32>, vector<64x32xf32>, vector<1000x32xf32> -> vector<1000x32xf32>
    %mul3A_37 = vector.broadcast %slice3A : vector<1000x1xf32> to vector<1000x32xf32>
    %mul3A_38 = arith.mulf %mul3A_37, %dot_general3A_36 : vector<1000x32xf32>
    %swap3A = arith.constant 0 : index
    %swap3A_39 = arith.constant 0 : index
    %swap3A_40 = vector.load %arg8[%swap3A, %swap3A_39] : memref<1000x32xf32, #tpu.memory_space<vmem>>, vector<1000x32xf32>
    tpu.vector_store %arg8[%swap3A, %swap3A_39], %mul3A_38 {strides = array<i32>} : memref<1000x32xf32, #tpu.memory_space<vmem>>, vector<1000x32xf32>,
    return
  }
  func.func @transform_0(%arg0: i32) -> (i32, i32, i32) {
    %c0_i32 = arith.constant 0 : i32
    %c0_i32_0 = arith.constant 0 : i32
    %c0_i32_1 = arith.constant 0 : i32
    return %c0_i32, %arg0, %c0_i32_0 : i32, i32, i32
  }
  func.func @transform_1(%arg0: i32) -> (i32, i32) {
    %c0_i32 = arith.constant 0 : i32
    %c0_i32_0 = arith.constant 0 : i32
    return %arg0, %c0_i32 : i32, i32
  }
  func.func @transform_2(%arg0: i32) -> (i32, i32) {
    %c0_i32 = arith.constant 0 : i32
    %c0_i32_0 = arith.constant 0 : i32
    return %arg0, %c0_i32 : i32, i32
  }
  func.func @transform_3(%arg0: i32) -> i32 {
    %c0_i32 = arith.constant 0 : i32
    %c0_i32_0 = arith.constant 0 : i32
    return %c0_i32 : i32
  }
  func.func @transform_4(%arg0: i32) -> i32 {
    %c0_i32 = arith.constant 0 : i32
    %c0_i32_0 = arith.constant 0 : i32
    return %c0_i32 : i32
  }
  func.func @transform_5(%arg0: i32) -> i32 {
    %c0_i32 = arith.constant 0 : i32
    %c0_i32_0 = arith.constant 0 : i32
    return %c0_i32 : i32
  }
  func.func @transform_6(%arg0: i32) -> (i32, i32) {
    %c0_i32 = arith.constant 0 : i32
    %c0_i32_0 = arith.constant 0 : i32
    %c0_i32_1 = arith.constant 0 : i32
    return %c0_i32, %c0_i32_0 : i32, i32
  }
  func.func @transform_7(%arg0: i32) -> (i32, i32) {
    %c0_i32 = arith.constant 0 : i32
    %c0_i32_0 = arith.constant 0 : i32
    return %arg0, %c0_i32 : i32, i32
  }
}

module attributes {stable_mosaic.version = 14 : i64} {
  func.func @body(%arg0: i32, %arg1: memref<2x1000x32xf32, #tpu.memory_space<vmem>>, %arg2: memref<1000x32xf32, #tpu.memory_space<vmem>>, %arg3: memref<1000x8xf32, #tpu.memory_space<vmem>>, %arg4: memref<32xf32, #tpu.memory_space<vmem>>, %arg5: memref<32xf32, #tpu.memory_space<vmem>>, %arg6: memref<32xf32, #tpu.memory_space<vmem>>, %arg7: memref<32x128xf32, #tpu.memory_space<vmem>>, %arg8: memref<128xf32, #tpu.memory_space<vmem>>, %arg9: memref<1000x128xf32, #tpu.memory_space<vmem>>) attributes {dimension_semantics = [#tpu.dimension_semantics<arbitrary>], iteration_bounds = array<i64: 10>, scalar_prefetch = 0 : i64, scratch_operands = 0 : i64, tpu.core_type = #tpu.core_type<tc>, window_params = [{transform_indices = @transform_0, window_bounds = array<i64: 2, 1000, 32>}, {transform_indices = @transform_1, window_bounds = array<i64: 1000, 32>}, {transform_indices = @transform_2, window_bounds = array<i64: 1000, 8>}, {pipeline_mode = #tpu.pipeline_mode<synchronous>, transform_indices = @transform_3, window_bounds = array<i64: 32>}, {pipeline_mode = #tpu.pipeline_mode<synchronous>, transform_indices = @transform_4, window_bounds = array<i64: 32>}, {pipeline_mode = #tpu.pipeline_mode<synchronous>, transform_indices = @transform_5, window_bounds = array<i64: 32>}, {pipeline_mode = #tpu.pipeline_mode<synchronous>, transform_indices = @transform_6, window_bounds = array<i64: 32, 128>}, {pipeline_mode = #tpu.pipeline_mode<synchronous>, transform_indices = @transform_7, window_bounds = array<i64: 128>}, {transform_indices = @transform_8, window_bounds = array<i64: 1000, 128>}]} {
    %get3A = arith.constant 0 : index
    %get3A_0 = arith.constant 0 : index
    %get3A_1 = arith.constant 0 : index
    %get3A_2 = vector.load %arg1[%get3A, %get3A_0, %get3A_1] : memref<2x1000x32xf32, #tpu.memory_space<vmem>>, vector<2x1000x32xf32>
    %get3A_3 = arith.constant 0 : index
    %get3A_4 = arith.constant 0 : index
    %get3A_5 = vector.load %arg3[%get3A_3, %get3A_4] : memref<1000x8xf32, #tpu.memory_space<vmem>>, vector<1000x8xf32>
    %slice3A = vector.extract_strided_slice %get3A_5 {offsets = [0, 0], sizes = [1000, 1], strides = [1, 1]} : vector<1000x8xf32> to vector<1000x1xf32>
    %slice3A_6 = vector.extract_strided_slice %get3A_2 {offsets = [0, 0, 0], sizes = [1, 1000, 32], strides = [1, 1, 1]} : vector<2x1000x32xf32> to vector<1x1000x32xf32>
    %squeeze3A = vector.shape_cast %slice3A_6 : vector<1x1000x32xf32> to vector<1000x32xf32>
    %slice3A_7 = vector.extract_strided_slice %get3A_2 {offsets = [1, 0, 0], sizes = [1, 1000, 32], strides = [1, 1, 1]} : vector<2x1000x32xf32> to vector<1x1000x32xf32>
    %squeeze3A_8 = vector.shape_cast %slice3A_7 : vector<1x1000x32xf32> to vector<1000x32xf32>
    %add3A = arith.addf %squeeze3A, %squeeze3A_8 : vector<1000x32xf32>
    %get3A_9 = arith.constant 0 : index
    %get3A_10 = arith.constant 0 : index
    %get3A_11 = vector.load %arg2[%get3A_9, %get3A_10] : memref<1000x32xf32, #tpu.memory_space<vmem>>, vector<1000x32xf32>
    %add3A_12 = arith.addf %add3A, %get3A_11 : vector<1000x32xf32>
    %mul3A = vector.broadcast %slice3A : vector<1000x1xf32> to vector<1000x32xf32>
    %mul3A_13 = arith.mulf %mul3A, %add3A_12 : vector<1000x32xf32>
    %get3A_14 = arith.constant 0 : index
    %get3A_15 = vector.load %arg4[%get3A_14] : memref<32xf32, #tpu.memory_space<vmem>>, vector<32xf32>
    %broadcast_in_dim3A = vector.shape_cast %get3A_15 : vector<32xf32> to vector<1x32xf32>
    %add3A_16 = vector.broadcast %broadcast_in_dim3A : vector<1x32xf32> to vector<1000x32xf32>
    %add3A_17 = arith.addf %mul3A_13, %add3A_16 : vector<1000x32xf32>
    %get3A_18 = arith.constant 0 : index
    %get3A_19 = vector.load %arg5[%get3A_18] : memref<32xf32, #tpu.memory_space<vmem>>, vector<32xf32>
    %mul3A_20 = arith.constant 0.999994993 : f32
    %mul3A_21 = vector.broadcast %mul3A_20 : f32 to vector<32xf32>
    %mul3A_22 = arith.mulf %mul3A_21, %get3A_19 : vector<32xf32>
    %broadcast_in_dim3A_23 = vector.shape_cast %mul3A_22 : vector<32xf32> to vector<1x32xf32>
    %mul3A_24 = vector.broadcast %broadcast_in_dim3A_23 : vector<1x32xf32> to vector<1000x32xf32>
    %mul3A_25 = arith.mulf %mul3A_24, %add3A_17 : vector<1000x32xf32>
    %get3A_26 = arith.constant 0 : index
    %get3A_27 = vector.load %arg6[%get3A_26] : memref<32xf32, #tpu.memory_space<vmem>>, vector<32xf32>
    %broadcast_in_dim3A_28 = vector.shape_cast %get3A_27 : vector<32xf32> to vector<1x32xf32>
    %add3A_29 = vector.broadcast %broadcast_in_dim3A_28 : vector<1x32xf32> to vector<1000x32xf32>
    %add3A_30 = arith.addf %mul3A_25, %add3A_29 : vector<1000x32xf32>
    %max3A = arith.constant 0.000000e+00 : f32
    %max3A_31 = vector.broadcast %max3A : f32 to vector<1000x32xf32>
    %max3A_32 = arith.maximumf %add3A_30, %max3A_31 : vector<1000x32xf32>
    %get3A_33 = arith.constant 0 : index
    %get3A_34 = arith.constant 0 : index
    %get3A_35 = vector.load %arg7[%get3A_33, %get3A_34] : memref<32x128xf32, #tpu.memory_space<vmem>>, vector<32x128xf32>
    %dot_general3A = arith.constant dense<0.000000e+00> : vector<1000x128xf32>
    %dot_general3A_36 = tpu.matmul %max3A_32, %get3A_35, %dot_general3A {dimension_numbers = #tpu.dot_dimension_numbers<[1], [0], [0], [1], [0, 0, 1, 1], [], []>, transpose_lhs_hint = false} : vector<1000x32xf32>, vector<32x128xf32>, vector<1000x128xf32> -> vector<1000x128xf32>
    %get3A_37 = arith.constant 0 : index
    %get3A_38 = vector.load %arg8[%get3A_37] : memref<128xf32, #tpu.memory_space<vmem>>, vector<128xf32>
    %broadcast_in_dim3A_39 = vector.shape_cast %get3A_38 : vector<128xf32> to vector<1x128xf32>
    %add3A_40 = vector.broadcast %broadcast_in_dim3A_39 : vector<1x128xf32> to vector<1000x128xf32>
    %add3A_41 = arith.addf %dot_general3A_36, %add3A_40 : vector<1000x128xf32>
    %swap3A = arith.constant 0 : index
    %swap3A_42 = arith.constant 0 : index
    %swap3A_43 = vector.load %arg9[%swap3A, %swap3A_42] : memref<1000x128xf32, #tpu.memory_space<vmem>>, vector<1000x128xf32>
    tpu.vector_store %arg9[%swap3A, %swap3A_42], %add3A_41 {strides = array<i32>} : memref<1000x128xf32, #tpu.memory_space<vmem>>, vector<1000x128xf32>,
    return
  }
  func.func @transform_0(%arg0: i32) -> (i32, i32, i32) {
    %c0_i32 = arith.constant 0 : i32
    %c0_i32_0 = arith.constant 0 : i32
    %c0_i32_1 = arith.constant 0 : i32
    return %c0_i32, %arg0, %c0_i32_0 : i32, i32, i32
  }
  func.func @transform_1(%arg0: i32) -> (i32, i32) {
    %c0_i32 = arith.constant 0 : i32
    %c0_i32_0 = arith.constant 0 : i32
    return %arg0, %c0_i32 : i32, i32
  }
  func.func @transform_2(%arg0: i32) -> (i32, i32) {
    %c0_i32 = arith.constant 0 : i32
    %c0_i32_0 = arith.constant 0 : i32
    return %arg0, %c0_i32 : i32, i32
  }
  func.func @transform_3(%arg0: i32) -> i32 {
    %c0_i32 = arith.constant 0 : i32
    %c0_i32_0 = arith.constant 0 : i32
    return %c0_i32 : i32
  }
  func.func @transform_4(%arg0: i32) -> i32 {
    %c0_i32 = arith.constant 0 : i32
    %c0_i32_0 = arith.constant 0 : i32
    return %c0_i32 : i32
  }
  func.func @transform_5(%arg0: i32) -> i32 {
    %c0_i32 = arith.constant 0 : i32
    %c0_i32_0 = arith.constant 0 : i32
    return %c0_i32 : i32
  }
  func.func @transform_6(%arg0: i32) -> (i32, i32) {
    %c0_i32 = arith.constant 0 : i32
    %c0_i32_0 = arith.constant 0 : i32
    %c0_i32_1 = arith.constant 0 : i32
    return %c0_i32, %c0_i32_0 : i32, i32
  }
  func.func @transform_7(%arg0: i32) -> i32 {
    %c0_i32 = arith.constant 0 : i32
    %c0_i32_0 = arith.constant 0 : i32
    return %c0_i32 : i32
  }
  func.func @transform_8(%arg0: i32) -> (i32, i32) {
    %c0_i32 = arith.constant 0 : i32
    %c0_i32_0 = arith.constant 0 : i32
    return %arg0, %c0_i32 : i32, i32
  }
}

</mosaic_0001>

<sc_bundles>
// kernel: kernel.12.cloned.1.call-start
scs
__scs_entry_jumppad:
0x0: {  	(pc) =	sbr.rel $0x88, $3  }
0x1: {  	(tag) =	ssettag $0x0;
	lr =	simm.s32 $0x1  }
0x2: {  	[smem:$0x3F95] =	sst lr;
	_ =	strace $0xD0000000  }
0x3: {  	_ = 	snop  }
0x4: {  	_ = 	snop  }
0x5: {  	_ = 	snop  }
0x6: {  	_ = 	snop  }
0x7: {  	_ = 	snop  }
__scs_overlays_trampoline_lowered:
0x8: {  	[smem:$0x3FA4] =	sst s0  }
0x9: {  	[smem:$0x3FA5] =	sst s1  }
0xa: {  	[smem:$0x3FA6] =	sst s2  }
0xb: {  	[smem:$0x3FA7] =	sst s3  }
0xc: {  	[smem:$0x3FA8] =	sst s4  }
0xd: {  	[smem:$0x3FA9] =	sst s5  }
0xe: {  	[smem:$0x3FAA] =	sst s6  }
0xf: {  	[smem:$0x3FAB] =	sst s7  }
0x10: {  	[smem:$0x3FAC] =	sst s8  }
0x11: {  	[smem:$0x3FAD] =	sst s9;
	s0 =	simm.s32 @!p0 $0x0  }
0x12: {  	s1 =	sld [smem:$0x3F93];
	s0 =	simm.s32 @p0 $0x1  }
0x13: {  	[smem:$0x3FAE] =	sst s0;
	s0 =	simm.s32 @!p1 $0x0  }
0x14: {  	s2 =	sld [smem:$0x3F92];
	s0 =	simm.s32 @p1 $0x1  }
0x15: {  	[smem:$0x3FAF] =	sst s0;
	s0 =	simm.s32 @!p2 $0x0  }
0x16: {  	s3 =	sld [smem:$0x3FDB];
	s0 =	simm.s32 @p2 $0x1  }
0x17: {  	s4 =	simm.s32 $0x1BF5;
	[smem:$0x3FB1] =	sst s0  }
0x18: {  	s0 =	sld [smem:$0x3F94];
	_ =	swait.ge [sflag:s4], $0x0  }
0x19: {  	s7 =	sld [smem:$0x3F95]  }
0x1a: {  	s8 =	sadd.s32 $0xFFFFE003, lr  }
0x1b: {  	s9 =	sadd.s32 $0xFFFFFEF7, lr;
	s5 =	simm.s32 $0xFFFFFFFF;
	p2 =	slt.u32 s8, $0xFFFFF086  }
0x1c: {  	p1 =	slt.u32 s9, $0xF7A;
	s5 =	simm.s32 @!p2 $0x0  }
0x1d: {  	s5 =	simm.s32 @p1 $0x1;
	p0 =	seq.s32 s7, s2  }
0x1e: {  	s7 =	smul.u32 @!p0 $0xF7A, s2;
	p2 =	seq.s32 @!p0 s5, $0x0  }
0x1f: {  	s9 =	smul.u32 $0xF7A, s1;
	s8 =	simm.s32 @!p0 $0x1BF5;
	p2 =	por !p2, p0  }
0x20: {  	[sflag:s8] =	ssyncset.s32 @!p0 $0xFFFFF086;
	s6 =	sadd.s32 @!p0 s3, s7;
	s7 =	simm.s32 @!p0 $0x108  }
0x21: {  	s3 =	sadd.s32 s3, s9;
	s6 =	sadd.s32 @!p0 $0x88, s6;
	s7 =	simm.s32 @p2 $0x1082  }
0x22: {  	[simem:s7], [sflag:s8] =	dma.local @!p0 [hbm:s6], $0xF7A  }
0x23: {  	s9 =	sor.u32 $0xD0000000, s2;
	s6 =	simm.s32 $0x108;
	_ =	swait.ge @!p0 [sflag:s8], $0x0  }
0x24: {  	s3 =	sadd.s32 $0x88, s3;
	s6 =	simm.s32 @!p1 $0x1082;
	[sflag:s4] =	ssyncset.s32 $0xFFFFF086  }
0x25: {  	[simem:s6], [sflag:s4] =	dma.local [hbm:s3], $0xF7A  }
0x26: {  	[smem:$0x3F95] =	sst s1;
	(tag) =	ssettag s2;
	_ =	strace s9  }
0x27: {  	s1 =	sld [smem:$0x3FA5]  }
0x28: {  	s2 =	sld [smem:$0x3FA6]  }
0x29: {  	s4 =	sld [smem:$0x3FA8]  }
0x2a: {  	p0 =	seq.s32 s5, $0x0;
	s5 =	sld [smem:$0x3FA9]  }
0x2b: {  	s6 =	sld [smem:$0x3FAA]  }
0x2c: {  	s7 =	sld [smem:$0x3FAB]  }
0x2d: {  	s3 =	simm.s32 $0x108;
	s8 =	sld [smem:$0x3FAC]  }
0x2e: {  	s3 =	simm.s32 @!p0 $0x1082;
	s9 =	sld [smem:$0x3FAD]  }
0x2f: {  	lr =	sadd.s32 s0, s3;
	s0 =	sld [smem:$0x3FA4]  }
0x30: {  	s3 =	sld [smem:$0x3FA7]  }
0x31: {  	[smem:$0x3FB0] =	sst s10  }
0x32: {  	s10 =	sld [smem:$0x3FAE];
	_ =	sdelay $0x3  }
0x33: {  	p0 =	seq.s32 s10, $0x1;
	s10 =	sld [smem:$0x3FB0];
	_ =	sdelay $0x3  }
0x34: {  	[smem:$0x3FB0] =	sst s10  }
0x35: {  	s10 =	sld [smem:$0x3FAF];
	_ =	sdelay $0x3  }
0x36: {  	p1 =	seq.s32 s10, $0x1;
	s10 =	sld [smem:$0x3FB0];
	_ =	sdelay $0x3  }
0x37: {  	[smem:$0x3FB0] =	sst s10  }
0x38: {  	s10 =	sld [smem:$0x3FB1]  }
0x39: {  	_ = 	snop;
	(pc) =	sbr.ind lr, $3  }
0x3a: {  	_ = 	snop  }
0x3b: {  	_ = 	snop  }
0x3c: {  	p2 =	seq.s32 s10, $0x1;
	s10 =	sld [smem:$0x3FB0]  }
0x3d: {  	_ =	shalt  }
0x3e: {  	_ =	shalt  }
0x3f: {  	_ =	shalt  }
0x40: {  	_ =	shalt  }
0x41: {  	_ =	shalt  }
0x42: {  	_ =	shalt  }
0x43: {  	_ =	shalt  }
0x44: {  	_ =	shalt  }
0x45: {  	_ =	shalt  }
0x46: {  	_ =	shalt  }
0x47: {  	_ =	shalt  }
0x48: {  	_ =	shalt  }
0x49: {  	_ =	shalt  }
0x4a: {  	_ =	shalt  }
0x4b: {  	_ =	shalt  }
0x4c: {  	_ =	shalt  }
0x4d: {  	_ =	shalt  }
0x4e: {  	_ =	shalt  }
0x4f: {  	_ =	shalt  }
0x50: {  	_ =	shalt  }
0x51: {  	_ =	shalt  }
0x52: {  	_ =	shalt  }
0x53: {  	_ =	shalt  }
0x54: {  	_ =	shalt  }
0x55: {  	_ =	shalt  }
0x56: {  	_ =	shalt  }
0x57: {  	_ =	shalt  }
0x58: {  	_ =	shalt  }
0x59: {  	_ =	shalt  }
0x5a: {  	_ =	shalt  }
0x5b: {  	_ =	shalt  }
0x5c: {  	_ =	shalt  }
0x5d: {  	_ =	shalt  }
0x5e: {  	_ =	shalt  }
0x5f: {  	_ =	shalt  }
0x60: {  	_ =	shalt  }
0x61: {  	_ =	shalt  }
0x62: {  	_ =	shalt  }
0x63: {  	_ =	shalt  }
0x64: {  	_ =	shalt  }
0x65: {  	_ =	shalt  }
0x66: {  	_ =	shalt  }
0x67: {  	_ =	shalt  }
0x68: {  	_ =	shalt  }
0x69: {  	_ =	shalt  }
0x6a: {  	_ =	shalt  }
0x6b: {  	_ =	shalt  }
0x6c: {  	_ =	shalt  }
0x6d: {  	_ =	shalt  }
0x6e: {  	_ =	shalt  }
0x6f: {  	_ =	shalt  }
0x70: {  	_ =	shalt  }
0x71: {  	_ =	shalt  }
0x72: {  	_ =	shalt  }
0x73: {  	_ =	shalt  }
0x74: {  	_ =	shalt  }
0x75: {  	_ =	shalt  }
0x76: {  	_ =	shalt  }
0x77: {  	_ =	shalt  }
0x78: {  	_ =	shalt  }
0x79: {  	_ =	shalt  }
0x7a: {  	_ =	shalt  }
0x7b: {  	_ =	shalt  }
0x7c: {  	_ =	shalt  }
0x7d: {  	_ =	shalt  }
0x7e: {  	_ =	shalt  }
0x7f: {  	_ =	shalt  }
0x80: {  	_ =	shalt  }
0x81: {  	_ =	shalt  }
0x82: {  	_ =	shalt  }
0x83: {  	_ =	shalt  }
0x84: {  	_ =	shalt  }
0x85: {  	_ =	shalt  }
0x86: {  	_ =	shalt  }
0x87: {  	_ =	shalt  }
.Lfunc_end0:
.L_simem_size_0:
called_computation.1_lowered:
.L_overlay_start_0:
0x88: {  	s2 =	sld [smem:$0x3FD9]  }
0x89: {  	s3 =	sld [smem:$0x3FFE];
	_ =	sdelay $0x1  }
0x8a: {  	s1 =	srdreg.scid  }
0x8b: {  	s0 =	sand.u32 $0x1, s1  }
0x8c: {  	s16 =	sshll.u32 s0, $0xA;
	s2 =	sadd.s32 s3, s2  }
0x8d: {  	s2 =	sadd.s32 s2, s16  }
0x8e: {  	[smem:$0x3FBC] =	sst s2  }
0x8f: {  	_ = 	snop  }
0x90: {  	(tm) =	ssettm $0x1  }
0x91: {  	s17 =	sld [smem:$0x3FFB];
	_ =	sdelay $0x3  }
0x92: {  	_ =	strace s17  }
0x93: {  	s2 =	sld [smem:$0x3FFC];
	_ =	sdelay $0x3  }
0x94: {  	_ =	strace s2  }
0x95: {  	s2 =	sld [smem:$0x3FFD];
	_ =	sdelay $0x3  }
0x96: {  	_ =	strace s2  }
0x97: {  	_ =	strace $0x8FFFFFFF  }
0x98: {  	s18 =	sld [smem:$0x3FDB];
	_ =	sdelay $0x1  }
0x99: {  	s19 =	simm.s32 $_scs_section_size  }
0x9a: {  	s4 =	simm.s32 $_size__tile_overlayer_lowered;
	s5 =	simm.s32 $_tile_overlayer_lowered  }
0x9b: {  	s22 =	simm.s32 $0x1BFF;
	s21 =	sshll.u32 s5, $0x1;
	s2 =	sadd.s32 s19, s18  }
0x9c: {  	s6 =	simm.s32 $0x0;
	s20 =	sshll.u32 s4, $0x1;
	s4 =	sadd.s32 s21, s2  }
0x9d: {  	[timem:s6], [sflag:s22] =	dma.local [hbm:s4], s20  }
0x9e: {  	_ =	swait.ge [sflag:s22], s20  }
0x9f: {  	s3 =	ssub.s32 $0x0, s20;
	[sflag:s22] =	ssyncset.done $0x0  }
0xa0: {  	[sflag:s22] =	ssyncadd.s32 s3;
	_ =	sdelay $0x1  }
0xa1: {  	s23 =	simm.s32 $0x1B8B  }
0xa2: {  	_ =	swait.ge [sflag:s23], $0x1  }
0xa3: {  	[sflag:s23] =	ssyncset.done $0x0  }
0xa4: {  	s25 =	simm.s32 $0x1B8E;
	s24 =	sld [smem:$0x3FFE];
	[sflag:s23] =	ssyncadd.s32 $0xFFFFFFFF  }
0xa5: {  	s26 =	simm.s32 $execute0_lowered;
	[smem:$0x3FD2] =	sst s25  }
0xa6: {  	s4 =	sshll.u32 s26, $0x1;
	_ =	strace $0x80000049;
	[dreg:$0x1] =	wrdreg $0xFFFFFFFF  }
0xa7: {  	s28 =	simm.s32 $_size_execute0_lowered;
	s2 =	sadd.s32 s2, s4;
	[dreg:$0x0] =	wrdreg $0x0  }
0xa8: {  	s4 =	sshll.u32 s28, $0x1;
	[dreg:$0x2] =	wrdreg s2  }
0xa9: {  	[dreg:$0x3] =	wrdreg s4  }
0xaa: {  	[dreg:$0x4] =	wrdreg $0xC0  }
0xab: {  	_ =	task [dreg:s6], $0x5FFFF  }
0xac: {  	[dreg:$0x1] =	wrdreg $0xFFFFFFFF  }
0xad: {  	[dreg:$0x0] =	wrdreg $0x60  }
0xae: {  	[dreg:$0x2] =	wrdreg s24  }
0xaf: {  	[dreg:$0x3] =	wrdreg $0x12F000  }
0xb0: {  	[dreg:$0x4] =	wrdreg $0x8F000  }
0xb1: {  	[dreg:$0x5] =	wrdreg $0x9  }
0xb2: {  	_ =	task.clear_ibuf [dreg:s6], $0x6FFFF;
	_ =	strace $0x90000049  }
0xb3: {  	s29 =	simm.s32 $0x9;
	_ =	strace $0x8000004B  }
0xb4: {  	_ =	swait.ge [sflag:s29], $0x1  }
0xb5: {  	[sflag:s29] =	ssyncadd.s32 $0xFFFFFFFF  }
0xb6: {  	_ =	strace $0x9000004B  }
0xb7: {  	_ =	sfence  }
0xb8: {  	s30 =	sld [smem:$0x0];
	_ =	sdelay $0x2  }
0xb9: {  	s31 =	sshll.u32 s1, $0xD;
	s1 =	sshrl.u32 s1, $0x2  }
0xba: {  	s3 =	sand.u32 $0x4000, s31;
	s1 =	sadd.s32 s1, s30  }
0xbb: {  	s0 =	sor.u32 s3, s0;
	s1 =	sshll.u32 s1, $0x11  }
0xbc: {  	s0 =	sor.u32 s1, s0  }
0xbd: {  	s0 =	sadd.s32 $0x8F2B, s0  }
0xbe: {  	[sflag:s0] =	ssyncadd.remote.s32 $0x1  }
0xbf: {  	_ =	sfence.sel $0xFFFF  }
0xc0: {  	[dreg:$0x0] =	wrdreg $0xFFFFFFFF;
	(pc) =	sbr.abs _section_cstart, $3  }
0xc1: {  	[dreg:$0x1] =	wrdreg $0xFFFFFFFF  }
0xc2: {  	_ =	task.clear_ibuf [dreg:s6], $0x2FFFF;
	_ =	strace $0x9FFFFFFF  }
0xc3: {  	(tm) =	ssettm $0x7FFFFFFF  }
tec
execute0_lowered:
.L_overlay_start_1:
0x0: {  	(tag) =	ssettag $0x1  }
0x1: {  	s0 =	rddreg [dreg:$0x0]  }
0x2: {  	s2 =	rddreg [dreg:$0x1];
	s25 =	stileid.u32  }
0x3: {  	s3 =	rddreg [dreg:$0x2];
	s4 =	simm.s32 $0x0;
	s5 =	srdreg.scid  }
0x4: {  	s28 =	simm.s32 $0x1;
	s29 =	simm.s32 $0x2;
	s1 =	smul.u32 $0xA000, s25  }
0x5: {  	[smem:$0x7FF] =	sst s4;
	s11 =	sand.u32 $0x1, s5;
	s13 =	sadd.s32 $0x2600, s0  }
0x6: {  	s7 =	sshll.u32 s25, $0x1;
	s19 =	sadd.s32 $0x2A000, s0;
	p0 =	sgt.u32 s25, $0x1  }
0x7: {  	s25 =	simm.s32 $0x80;
	_ =	strace $0x8000004A;
	s5 =	ssub.s32 $0x2, s11  }
0x8: {  	s14 =	sor.u32 s11, s7;
	s22 =	smul.u32 $0xA0000, s11;
	s6 =	sshrl.u32 s1, $0x3  }
0x9: {  	s26 =	sshrl.u32 s5, $0x1;
	s15 =	sadd.s32 $0x2000, s1;
	s17 =	sadd.s32 $0x4000, s1  }
0xa: {  	s18 =	sadd.s32 $0x6000, s1;
	s21 =	sadd.s32 $0x8000, s1;
	s9 =	smul.u32 $0x4E0, s14  }
0xb: {  	s16 =	sshll.u32 s14, $0x4;
	s23 =	sadd.s32 s1, s3;
	s12 =	sadd.s32 s6, s0  }
0xc: {  	s20 =	ssub.s32 s5, s26;
	s5 =	sadd.s32 s1, s2;
	s6 =	sadd.s32 s15, s2  }
0xd: {  	s7 =	sadd.s32 s17, s2;
	s8 =	sadd.s32 s18, s2;
	s10 =	sadd.s32 s21, s2  }
0xe: {  	s14 =	sadd.s32 s16, s13;
	s1 =	sadd.s32 s1, s22;
	s24 =	sor.u32 $0x9C00, s16  }
0xf: {  	s26 =	sadd.s32 s22, s17;
	s21 =	sadd.s32 s22, s21;
	s23 =	sshrl.u32 s23, $0x3  }
0x10: {  	s30 =	sadd.s32 $0x16000, s12;
	s31 =	sadd.s32 s13, s9;
	s13 =	sadd.s32 $0x9C00, s14  }
0x11: {  	s14 =	sadd.s32 $0xC240, s0;
	s11 =	sshrl.u32 s1, $0x3;
	s12 =	sadd.s32 s22, s15  }
0x12: {  	s0 =	sshrl.u32 s26, $0x3;
	s20 =	smax.u32 s20, $0x1;
	[dreg:$0x4] =	wrdreg s30  }
0x13: {  	s26 =	simm.s32 $0x6F00;
	[dreg:$0x5] =	wrdreg s31;
	s15 =	sadd.s32 s19, s11  }
0x14: {  	s16 =	sshrl.u32 s12, $0x3;
	s30 =	sadd.s32 s22, s18;
	s17 =	sadd.s32 s19, s0  }
0x15: {  	s31 =	sshrl.u32 s21, $0x3;
	s21 =	simm.s32 $0x4F00;
	s22 =	simm.s32 $0x3  }
0x16: {  	s24 =	sadd.s32 @!p0 s14, s24;
	s0 =	simm.s32 $0x0;
	s1 =	sshrl.u32 s30, $0x3  }
0x17: {  	v0 =	vimm.f32 $0.0e+00;
	s16 =	sadd.s32 s19, s16;
	s18 =	sadd.s32 s19, s1;
	s19 =	sadd.s32 s19, s31  }
.LBB2_1:
0x18: {  	s31 =	simm.s32 $0x100;
	s30 =	simm.s32 $0x0  }
.LBB2_2:
0x19: {  	p1 =	sne.s32 s31, $0x7F00;
	[tilespmem:s30+$0x4F30] =	vst v0;
	s1 =	smov.u32 s31;
	s31 =	sadd.s32 $0x100, s31  }
.Ltmp0:
0x1a: {  	[tilespmem:s30+$0x4F20] =	vst v0;
	(pc) =	sbr.rel @p1 .LBB2_2-.Ltmp0, $3  }
0x1b: {  	[tilespmem:s30+$0x4F00] =	vst v0  }
0x1c: {  	[tilespmem:s30+$0x4F10] =	vst v0;
	_ =	sdelay $0x1  }
0x1d: {  	s30 =	sshra.s32 s1, $0x2  }
0x1e: {  	[tilespmem:s30+$0x4F30] =	vst v0  }
0x1f: {  	[tilespmem:s30+$0x4F20] =	vst v0  }
0x20: {  	[tilespmem:s30+$0x4F00] =	vst v0  }
0x21: {  	[tilespmem:s30+$0x4F10] =	vst v0  }
0x22: {  	[spmem:s5] =	stream.linear.scatter [tilespmem:s21], [sflag:$0x3], $0x2000, $0x38;
	[tilespmem:$0x1CF00] =	vst v63  }
0x23: {  	_ =	swait.ge [sflag:s22], $0x2000  }
0x24: {  	[sflag:s22] =	ssyncset.done $0x0  }
0x25: {  	[sflag:s22] =	ssyncadd.s32 $0xFFFFE000  }
0x26: {  	[spmem:s6] =	stream.linear.scatter [tilespmem:s21], [sflag:$0x3], $0x2000, $0x38;
	[tilespmem:$0x1CF00] =	vst v63  }
0x27: {  	_ =	swait.ge [sflag:s22], $0x2000  }
0x28: {  	[sflag:s22] =	ssyncset.done $0x0  }
0x29: {  	[sflag:s22] =	ssyncadd.s32 $0xFFFFE000  }
0x2a: {  	[spmem:s7] =	stream.linear.scatter [tilespmem:s21], [sflag:$0x3], $0x2000, $0x38;
	[tilespmem:$0x1CF00] =	vst v63  }
0x2b: {  	_ =	swait.ge [sflag:s22], $0x2000  }
0x2c: {  	[sflag:s22] =	ssyncset.done $0x0  }
0x2d: {  	[sflag:s22] =	ssyncadd.s32 $0xFFFFE000  }
0x2e: {  	[spmem:s8] =	stream.linear.scatter [tilespmem:s21], [sflag:$0x3], $0x2000, $0x38;
	[tilespmem:$0x1CF00] =	vst v63  }
0x2f: {  	_ =	swait.ge [sflag:s22], $0x2000  }
0x30: {  	[sflag:s22] =	ssyncset.done $0x0  }
0x31: {  	[sflag:s22] =	ssyncadd.s32 $0xFFFFE000  }
0x32: {  	[spmem:s10] =	stream.linear.scatter [tilespmem:s21], [sflag:$0x3], $0x2000, $0x38;
	[tilespmem:$0x1CF00] =	vst v63  }
0x33: {  	s1 =	stileid.u32;
	_ =	swait.ge [sflag:s22], $0x2000  }
0x34: {  	s1 =	sshll.u32 s1, $0x6;
	[sflag:s22] =	ssyncset.done $0x0  }
0x35: {  	s1 =	sor.u32 $0x1C03, s1;
	s11 =	rddreg [dreg:$0x4];
	[sflag:s22] =	ssyncadd.s32 $0xFFFFE000  }
0x36: {  	[spmem:s23], [sflag:s1] =	dma.local [hbm:s11], $0x1400  }
0x37: {  	_ =	swait.ge [sflag:s22], $0x1400  }
0x38: {  	[sflag:s22] =	ssyncset.done $0x0  }
0x39: {  	[sflag:s22] =	ssyncadd.s32 $0xFFFFEC00  }
0x3a: {  	[bflag:$0x0] =	sbarrier.arrive $0xFFFF  }
0x3b: {  	s11 =	rddreg [dreg:$0x5]  }
0x3c: {  	[tilespmem:s4], [sflag:$0x3] =	stream.linear.gather [hbm4b:s11+s4], $0x2700, $0x38;
	[tilespmem:$0x1CF00] =	vst v63  }
0x3d: {  	_ =	swait.ge [sflag:s22], $0x2700  }
0x3e: {  	s30 =	simm.s32 @p0 $0x0;
	[sflag:s22] =	ssyncset.done $0x0  }
0x3f: {  	s31 =	simm.s32 @p0 $0x2780;
	s1 =	sadd.s32 @p0 s9, s14;
	[sflag:s22] =	ssyncadd.s32 $0xFFFFD900  }
0x40: {  	[tilespmem:s31], [sflag:$0x3] =	stream.linear.gather @p0 [hbm4b:s1+s30], $0x2700, $0x38;
	[tilespmem:$0x1CF00] =	vst v63  }
0x41: {  	s1 =	simm.s32 @p0 $0x3  }
0x42: {  	_ =	swait.ge @p0 [sflag:s1], $0x2700  }
0x43: {  	[sflag:s1] =	ssyncset.done @p0 $0x0  }
0x44: {  	s30 =	simm.s32 @!p0 $0x2700;
	[sflag:s1] =	ssyncadd.s32 @p0 $0xFFFFD900;
	s1 =	simm.s32 @!p0 $0x0  }
0x45: {  	[tilespmem:s30], [sflag:$0x3] =	stream.linear.gather @!p0 [hbm4b:s13+s1], $0x80, $0x38;
	[tilespmem:$0x1CF00] =	vst v63  }
0x46: {  	s30 =	simm.s32 @!p0 $0x3  }
0x47: {  	_ =	swait.ge @!p0 [sflag:s30], $0x80  }
0x48: {  	[sflag:s30] =	ssyncset.done @!p0 $0x0  }
0x49: {  	s11 =	simm.s32 @!p0 $0x2780;
	s31 =	sadd.s32 @!p0 s9, s14;
	[sflag:s30] =	ssyncadd.s32 @!p0 $0xFFFFFF80  }
0x4a: {  	[tilespmem:s11], [sflag:$0x3] =	stream.linear.gather @!p0 [hbm4b:s31+s1], $0x2700, $0x38;
	[tilespmem:$0x1CF00] =	vst v63  }
0x4b: {  	_ =	swait.ge @!p0 [sflag:s30], $0x2700  }
0x4c: {  	[sflag:s30] =	ssyncset.done @!p0 $0x0  }
0x4d: {  	s11 =	simm.s32 @!p0 $0x4E80;
	[sflag:s30] =	ssyncadd.s32 @!p0 $0xFFFFD900  }
0x4e: {  	[tilespmem:s11], [sflag:$0x3] =	stream.linear.gather @!p0 [hbm4b:s24+s1], $0x80, $0x38;
	[tilespmem:$0x1CF00] =	vst v63  }
0x4f: {  	_ =	swait.ge @!p0 [sflag:s30], $0x80  }
0x50: {  	[sflag:s30] =	ssyncset.done @!p0 $0x0  }
0x51: {  	s12 =	simm.s32 $0x0;
	[sflag:s30] =	ssyncadd.s32 @!p0 $0xFFFFFF80  }
0x52: {  	[tilespmem:s21], [sflag:$0x1] =	stream.indirect.gather [spmem:s3], $0x40, s12, s25, $0xb8;
	[tilespmem:$0x1CF00] =	vst v63  }
0x53: {  	s11 =	simm.s32 $0x80  }
0x54: {  	[tilespmem:s26], [sflag:$0x2] =	stream.indirect.gather [spmem:s3], $0x40, s11, s25, $0xb8;
	[tilespmem:$0x1CF00] =	vst v63  }
0x55: {  	_ =	swait.ge [sflag:s28], $0x2000  }
0x56: {  	[sflag:s28] =	ssyncset.done $0x0  }
0x57: {  	s12 =	simm.s32 $0x2780;
	[sflag:s28] =	ssyncadd.s32 $0xFFFFE000  }
0x58: {  	[spmem:s2] =	stream.indirect.scatter.add.f32 [tilespmem:s21], [sflag:$0x3], $0x40, s12, s25, $0xb8;
	[tilespmem:$0x1CF00] =	vst v63  }
0x59: {  	_ =	swait.ge [sflag:s22], $0x2000  }
0x5a: {  	[sflag:s22] =	ssyncset.done $0x0  }
0x5b: {  	s11 =	simm.s32 $0x100;
	[sflag:s22] =	ssyncadd.s32 $0xFFFFE000  }
0x5c: {  	[tilespmem:s21], [sflag:$0x1] =	stream.indirect.gather [spmem:s3], $0x40, s11, s25, $0xb8;
	[tilespmem:$0x1CF00] =	vst v63  }
0x5d: {  	_ =	swait.ge [sflag:s29], $0x2000  }
0x5e: {  	[sflag:s29] =	ssyncset.done $0x0  }
0x5f: {  	s12 =	simm.s32 $0x2800;
	[sflag:s29] =	ssyncadd.s32 $0xFFFFE000  }
0x60: {  	[spmem:s2] =	stream.indirect.scatter.add.f32 [tilespmem:s26], [sflag:$0x3], $0x40, s12, s25, $0xb8;
	[tilespmem:$0x1CF00] =	vst v63  }
0x61: {  	_ =	swait.ge [sflag:s22], $0x2000  }
0x62: {  	s31 =	simm.s32 $0x800;
	s30 =	simm.s32 $0x100;
	[sflag:s22] =	ssyncset.done $0x0  }
.LBB2_4:
0x63: {  	s1 =	sadd.s32 $0x80, s30  }
0x64: {  	[sflag:s22] =	ssyncadd.s32 $0xFFFFE000;
	s11 =	smov.u32 s31;
	s12 =	sadd.s32 $0x400, s31  }
0x65: {  	[tilespmem:s26], [sflag:$0x2] =	stream.indirect.gather [spmem:s3], $0x40, s1, s25, $0xb8;
	[tilespmem:$0x1CF00] =	vst v63  }
0x66: {  	p1 =	sne.s32 s31, $0x9400;
	_ =	swait.ge [sflag:s28], $0x2000  }
0x67: {  	[sflag:s28] =	ssyncset.done $0x0  }
0x68: {  	s1 =	sadd.s32 $0x2780, s30;
	[sflag:s28] =	ssyncadd.s32 $0xFFFFE000  }
0x69: {  	[spmem:s2] =	stream.indirect.scatter.add.f32 [tilespmem:s21], [sflag:$0x3], $0x40, s1, s25, $0xb8;
	[tilespmem:$0x1CF00] =	vst v63  }
0x6a: {  	_ =	swait.ge [sflag:s22], $0x2000  }
0x6b: {  	[sflag:s22] =	ssyncset.done $0x0  }
0x6c: {  	s1 =	sadd.s32 $0x100, s30;
	[sflag:s22] =	ssyncadd.s32 $0xFFFFE000  }
0x6d: {  	[tilespmem:s21], [sflag:$0x1] =	stream.indirect.gather [spmem:s3], $0x40, s1, s25, $0xb8;
	[tilespmem:$0x1CF00] =	vst v63  }
0x6e: {  	_ =	swait.ge [sflag:s29], $0x2000  }
.Ltmp1:
0x6f: {  	[sflag:s29] =	ssyncset.done $0x0;
	(pc) =	sbr.rel @p1 .LBB2_4-.Ltmp1, $4  }
0x70: {  	s1 =	sadd.s32 $0x2800, s30;
	[sflag:s29] =	ssyncadd.s32 $0xFFFFE000  }
0x71: {  	[spmem:s2] =	stream.indirect.scatter.add.f32 [tilespmem:s26], [sflag:$0x3], $0x40, s1, s25, $0xb8;
	[tilespmem:$0x1CF00] =	vst v63  }
0x72: {  	_ =	swait.ge [sflag:s22], $0x2000  }
0x73: {  	s31 =	smov.u32 s12;
	s30 =	sshra.s32 s11, $0x2;
	[sflag:s22] =	ssyncset.done $0x0  }
0x74: {  	s1 =	sadd.s32 $0x80, s30;
	[sflag:s22] =	ssyncadd.s32 $0xFFFFE000  }
0x75: {  	[tilespmem:s26], [sflag:$0x2] =	stream.indirect.gather [spmem:s3], $0x40, s1, s25, $0xb8;
	[tilespmem:$0x1CF00] =	vst v63  }
0x76: {  	_ =	swait.ge [sflag:s28], $0x2000  }
0x77: {  	[sflag:s28] =	ssyncset.done $0x0  }
0x78: {  	s12 =	sadd.s32 $0x2780, s30;
	[sflag:s28] =	ssyncadd.s32 $0xFFFFE000  }
0x79: {  	[spmem:s2] =	stream.indirect.scatter.add.f32 [tilespmem:s21], [sflag:$0x3], $0x40, s12, s25, $0xb8;
	[tilespmem:$0x1CF00] =	vst v63  }
0x7a: {  	_ =	swait.ge [sflag:s22], $0x2000  }
0x7b: {  	[sflag:s22] =	ssyncset.done $0x0  }
0x7c: {  	s31 =	sadd.s32 $0x100, s30;
	[sflag:s22] =	ssyncadd.s32 $0xFFFFE000  }
0x7d: {  	[tilespmem:s21], [sflag:$0x1] =	stream.indirect.gather [spmem:s3], $0x40, s31, s25, $0xb8;
	[tilespmem:$0x1CF00] =	vst v63  }
0x7e: {  	_ =	swait.ge [sflag:s29], $0x2000  }
0x7f: {  	[sflag:s29] =	ssyncset.done $0x0  }
0x80: {  	s11 =	sadd.s32 $0x2800, s30;
	[sflag:s29] =	ssyncadd.s32 $0xFFFFE000  }
0x81: {  	[spmem:s2] =	stream.indirect.scatter.add.f32 [tilespmem:s26], [sflag:$0x3], $0x40, s11, s25, $0xb8;
	[tilespmem:$0x1CF00] =	vst v63  }
0x82: {  	_ =	swait.ge [sflag:s22], $0x2000  }
0x83: {  	[sflag:s22] =	ssyncset.done $0x0  }
0x84: {  	s12 =	simm.s32 $0x2680;
	[sflag:s22] =	ssyncadd.s32 $0xFFFFE000  }
0x85: {  	[tilespmem:s26], [sflag:$0x2] =	stream.indirect.gather [spmem:s3], $0x40, s12, s25, $0xb8;
	[tilespmem:$0x1CF00] =	vst v63  }
0x86: {  	_ =	swait.ge [sflag:s28], $0x2000  }
0x87: {  	[sflag:s28] =	ssyncset.done $0x0  }
0x88: {  	s30 =	simm.s32 $0x4D80;
	[sflag:s28] =	ssyncadd.s32 $0xFFFFE000  }
0x89: {  	[spmem:s2] =	stream.indirect.scatter.add.f32 [tilespmem:s21], [sflag:$0x3], $0x40, s30, s25, $0xb8;
	[tilespmem:$0x1CF00] =	vst v63  }
0x8a: {  	_ =	swait.ge [sflag:s22], $0x2000  }
0x8b: {  	[sflag:s22] =	ssyncset.done $0x0  }
0x8c: {  	[sflag:s22] =	ssyncadd.s32 $0xFFFFE000  }
0x8d: {  	_ =	swait.ge [sflag:s29], $0x2000  }
0x8e: {  	[sflag:s29] =	ssyncset.done $0x0  }
0x8f: {  	s31 =	simm.s32 $0x4E00;
	[sflag:s29] =	ssyncadd.s32 $0xFFFFE000  }
0x90: {  	[spmem:s2] =	stream.indirect.scatter.add.f32 [tilespmem:s26], [sflag:$0x3], $0x40, s31, s25, $0xb8;
	[tilespmem:$0x1CF00] =	vst v63  }
0x91: {  	_ =	swait.ge [sflag:s22], $0x2000  }
0x92: {  	s1 =	simm.s32 @!p0 $0x80;
	[sflag:s22] =	ssyncset.done $0x0  }
0x93: {  	s11 =	simm.s32 @!p0 $0x2700;
	s12 =	simm.s32 @!p0 $0x4F00;
	[sflag:s22] =	ssyncadd.s32 $0xFFFFE000  }
0x94: {  	[tilespmem:s12], [sflag:$0x3] =	stream.indirect.gather @!p0 [spmem:s3], $0x40, s11, s1, $0xb8;
	[tilespmem:$0x1CF00] =	vst v63  }
0x95: {  	s11 =	simm.s32 @!p0 $0x3  }
0x96: {  	_ =	swait.ge @!p0 [sflag:s11], $0x2000  }
0x97: {  	[sflag:s11] =	ssyncset.done @!p0 $0x0  }
0x98: {  	s30 =	simm.s32 @!p0 $0x4E80;
	[sflag:s11] =	ssyncadd.s32 @!p0 $0xFFFFE000  }
0x99: {  	[spmem:s2] =	stream.indirect.scatter.add.f32 @!p0 [tilespmem:s12], [sflag:$0x3], $0x40, s30, s1, $0xb8;
	[tilespmem:$0x1CF00] =	vst v63  }
0x9a: {  	_ =	swait.ge @!p0 [sflag:s11], $0x2000  }
0x9b: {  	[sflag:s11] =	ssyncset.done @!p0 $0x0  }
0x9c: {  	[sflag:s11] =	ssyncadd.s32 @!p0 $0xFFFFE000  }
0x9d: {  	[bflag:$0x0] =	sbarrier.arrive $0xFFFF  }
0x9e: {  	[tilespmem:s21], [sflag:$0x3] =	stream.linear.gather [spmem:s5], $0x2000, $0x38;
	[tilespmem:$0x1CF00] =	vst v63  }
0x9f: {  	_ =	swait.ge [sflag:s22], $0x2000  }
0xa0: {  	[sflag:s22] =	ssyncset.done $0x0  }
0xa1: {  	[sflag:s22] =	ssyncadd.s32 $0xFFFFE000  }
0xa2: {  	[hbm4b:s15+s4] =	stream.linear.scatter [tilespmem:s21], [sflag:$0x3], $0x2000, $0x38;
	[tilespmem:$0x1CF00] =	vst v63  }
0xa3: {  	_ =	swait.ge [sflag:s22], $0x2000  }
0xa4: {  	[sflag:s22] =	ssyncset.done $0x0  }
0xa5: {  	[sflag:s22] =	ssyncadd.s32 $0xFFFFE000  }
0xa6: {  	[tilespmem:s21], [sflag:$0x3] =	stream.linear.gather [spmem:s6], $0x2000, $0x38;
	[tilespmem:$0x1CF00] =	vst v63  }
0xa7: {  	_ =	swait.ge [sflag:s22], $0x2000  }
0xa8: {  	[sflag:s22] =	ssyncset.done $0x0  }
0xa9: {  	[sflag:s22] =	ssyncadd.s32 $0xFFFFE000  }
0xaa: {  	[hbm4b:s16+s4] =	stream.linear.scatter [tilespmem:s21], [sflag:$0x3], $0x2000, $0x38;
	[tilespmem:$0x1CF00] =	vst v63  }
0xab: {  	_ =	swait.ge [sflag:s22], $0x2000  }
0xac: {  	[sflag:s22] =	ssyncset.done $0x0  }
0xad: {  	[sflag:s22] =	ssyncadd.s32 $0xFFFFE000  }
0xae: {  	[tilespmem:s21], [sflag:$0x3] =	stream.linear.gather [spmem:s7], $0x2000, $0x38;
	[tilespmem:$0x1CF00] =	vst v63  }
0xaf: {  	_ =	swait.ge [sflag:s22], $0x2000  }
0xb0: {  	[sflag:s22] =	ssyncset.done $0x0  }
0xb1: {  	[sflag:s22] =	ssyncadd.s32 $0xFFFFE000  }
0xb2: {  	[hbm4b:s17+s4] =	stream.linear.scatter [tilespmem:s21], [sflag:$0x3], $0x2000, $0x38;
	[tilespmem:$0x1CF00] =	vst v63  }
0xb3: {  	_ =	swait.ge [sflag:s22], $0x2000  }
0xb4: {  	[sflag:s22] =	ssyncset.done $0x0  }
0xb5: {  	[sflag:s22] =	ssyncadd.s32 $0xFFFFE000  }
0xb6: {  	[tilespmem:s21], [sflag:$0x3] =	stream.linear.gather [spmem:s8], $0x2000, $0x38;
	[tilespmem:$0x1CF00] =	vst v63  }
0xb7: {  	_ =	swait.ge [sflag:s22], $0x2000  }
0xb8: {  	[sflag:s22] =	ssyncset.done $0x0  }
0xb9: {  	[sflag:s22] =	ssyncadd.s32 $0xFFFFE000  }
0xba: {  	[hbm4b:s18+s4] =	stream.linear.scatter [tilespmem:s21], [sflag:$0x3], $0x2000, $0x38;
	[tilespmem:$0x1CF00] =	vst v63  }
0xbb: {  	_ =	swait.ge [sflag:s22], $0x2000  }
0xbc: {  	[sflag:s22] =	ssyncset.done $0x0  }
0xbd: {  	[sflag:s22] =	ssyncadd.s32 $0xFFFFE000  }
0xbe: {  	[tilespmem:s21], [sflag:$0x3] =	stream.linear.gather [spmem:s10], $0x2000, $0x38;
	[tilespmem:$0x1CF00] =	vst v63  }
0xbf: {  	s0 =	sadd.s32 $0x1, s0;
	_ =	swait.ge [sflag:s22], $0x2000  }
0xc0: {  	p1 =	sne.s32 s0, s20;
	[sflag:s22] =	ssyncset.done $0x0  }
.Ltmp2:
0xc1: {  	[sflag:s22] =	ssyncadd.s32 $0xFFFFE000;
	(pc) =	sbr.rel @p1 .LBB2_1-.Ltmp2, $4  }
0xc2: {  	[hbm4b:s19+s4] =	stream.linear.scatter [tilespmem:s21], [sflag:$0x3], $0x2000, $0x38;
	[tilespmem:$0x1CF00] =	vst v63  }
0xc3: {  	_ =	swait.ge [sflag:s22], $0x2000  }
0xc4: {  	[sflag:s22] =	ssyncset.done $0x0  }
0xc5: {  	[sflag:s22] =	ssyncadd.s32 $0xFFFFE000  }
0xc6: {  	_ =	sfence.sel $0x180000  }
0xc7: {  	[bflag:$0x0] =	sbarrier.arrive $0xFFFF  }
0xc8: {  	_ =	strace $0x9000004A  }
0xc9: {  	s0 =	stileid.u32;
	[bflag:$0x2] =	sbarrier.arrive $0xFFFF  }
0xca: {  	p0 =	sne.s32 s0, $0x0;
	s0 =	rddreg [dreg:$0x3]  }
0xcb: {  	s0 =	sadd.s32 @!p0 $0x100000, s0  }
0xcc: {  	[sflag:s0] =	ssyncadd.tile.s32 @!p0 $0x1;
	_ =	shalt  }
.Lfunc_end2:
_tile_overlayer_lowered:
.L_overlay_start_2:
0xcd: {  	(tag) =	ssettag $0x2  }
0xce: {  	s0 =	rddreg [dreg:$0x0];
	s2 =	stileid.u32  }
0xcf: {  	s1 =	rddreg [dreg:$0x1];
	p0 =	sne.s32 s2, $0x0  }
0xd0: {  	s3 =	rddreg [dreg:$0x2];
	[bflag:$0x3] =	sbarrier.arrive $0xFFFF;
	s2 =	simm.s32 @!p0 $0x1C03  }
0xd1: {  	[timem:s3], [sflag:s2] =	dma.local @!p0 [hbm:s0], s1  }
0xd2: {  	s0 =	simm.s32 @!p0 $0x3  }
0xd3: {  	_ =	swait.ge @!p0 [sflag:s0], s1  }
0xd4: {  	s1 =	ssub.s32 @!p0 $0x0, s1;
	[sflag:s0] =	ssyncset.done @!p0 $0x0  }
0xd5: {  	[sflag:s0] =	ssyncadd.s32 @!p0 s1  }
0xd6: {  	[bflag:$0x3] =	sbarrier.arrive $0xFFFF  }
0xd7: {  	_ =	shalt  }

// kernel: kernel.15.cloned.1.call-start
scs
__scs_entry_jumppad:
0x0: {  	(pc) =	sbr.rel $0x88, $3  }
0x1: {  	(tag) =	ssettag $0x0;
	lr =	simm.s32 $0x1  }
0x2: {  	[smem:$0x3F95] =	sst lr;
	_ =	strace $0xD0000000  }
0x3: {  	_ = 	snop  }
0x4: {  	_ = 	snop  }
0x5: {  	_ = 	snop  }
0x6: {  	_ = 	snop  }
0x7: {  	_ = 	snop  }
__scs_overlays_trampoline_lowered:
0x8: {  	[smem:$0x3FA4] =	sst s0  }
0x9: {  	[smem:$0x3FA5] =	sst s1  }
0xa: {  	[smem:$0x3FA6] =	sst s2  }
0xb: {  	[smem:$0x3FA7] =	sst s3  }
0xc: {  	[smem:$0x3FA8] =	sst s4  }
0xd: {  	[smem:$0x3FA9] =	sst s5  }
0xe: {  	[smem:$0x3FAA] =	sst s6  }
0xf: {  	[smem:$0x3FAB] =	sst s7  }
0x10: {  	[smem:$0x3FAC] =	sst s8  }
0x11: {  	[smem:$0x3FAD] =	sst s9;
	s0 =	simm.s32 @!p0 $0x0  }
0x12: {  	s1 =	sld [smem:$0x3F93];
	s0 =	simm.s32 @p0 $0x1  }
0x13: {  	[smem:$0x3FAE] =	sst s0;
	s0 =	simm.s32 @!p1 $0x0  }
0x14: {  	s2 =	sld [smem:$0x3F92];
	s0 =	simm.s32 @p1 $0x1  }
0x15: {  	[smem:$0x3FAF] =	sst s0;
	s0 =	simm.s32 @!p2 $0x0  }
0x16: {  	s3 =	sld [smem:$0x3FDB];
	s0 =	simm.s32 @p2 $0x1  }
0x17: {  	s4 =	simm.s32 $0x1BF5;
	[smem:$0x3FB1] =	sst s0  }
0x18: {  	s0 =	sld [smem:$0x3F94];
	_ =	swait.ge [sflag:s4], $0x0  }
0x19: {  	s7 =	sld [smem:$0x3F95]  }
0x1a: {  	s8 =	sadd.s32 $0xFFFFE003, lr  }
0x1b: {  	s9 =	sadd.s32 $0xFFFFFEF7, lr;
	s5 =	simm.s32 $0xFFFFFFFF;
	p2 =	slt.u32 s8, $0xFFFFF086  }
0x1c: {  	p1 =	slt.u32 s9, $0xF7A;
	s5 =	simm.s32 @!p2 $0x0  }
0x1d: {  	s5 =	simm.s32 @p1 $0x1;
	p0 =	seq.s32 s7, s2  }
0x1e: {  	s7 =	smul.u32 @!p0 $0xF7A, s2;
	p2 =	seq.s32 @!p0 s5, $0x0  }
0x1f: {  	s9 =	smul.u32 $0xF7A, s1;
	s8 =	simm.s32 @!p0 $0x1BF5;
	p2 =	por !p2, p0  }
0x20: {  	[sflag:s8] =	ssyncset.s32 @!p0 $0xFFFFF086;
	s6 =	sadd.s32 @!p0 s3, s7;
	s7 =	simm.s32 @!p0 $0x108  }
0x21: {  	s3 =	sadd.s32 s3, s9;
	s6 =	sadd.s32 @!p0 $0x88, s6;
	s7 =	simm.s32 @p2 $0x1082  }
0x22: {  	[simem:s7], [sflag:s8] =	dma.local @!p0 [hbm:s6], $0xF7A  }
0x23: {  	s9 =	sor.u32 $0xD0000000, s2;
	s6 =	simm.s32 $0x108;
	_ =	swait.ge @!p0 [sflag:s8], $0x0  }
0x24: {  	s3 =	sadd.s32 $0x88, s3;
	s6 =	simm.s32 @!p1 $0x1082;
	[sflag:s4] =	ssyncset.s32 $0xFFFFF086  }
0x25: {  	[simem:s6], [sflag:s4] =	dma.local [hbm:s3], $0xF7A  }
0x26: {  	[smem:$0x3F95] =	sst s1;
	(tag) =	ssettag s2;
	_ =	strace s9  }
0x27: {  	s1 =	sld [smem:$0x3FA5]  }
0x28: {  	s2 =	sld [smem:$0x3FA6]  }
0x29: {  	s4 =	sld [smem:$0x3FA8]  }
0x2a: {  	p0 =	seq.s32 s5, $0x0;
	s5 =	sld [smem:$0x3FA9]  }
0x2b: {  	s6 =	sld [smem:$0x3FAA]  }
0x2c: {  	s7 =	sld [smem:$0x3FAB]  }
0x2d: {  	s3 =	simm.s32 $0x108;
	s8 =	sld [smem:$0x3FAC]  }
0x2e: {  	s3 =	simm.s32 @!p0 $0x1082;
	s9 =	sld [smem:$0x3FAD]  }
0x2f: {  	lr =	sadd.s32 s0, s3;
	s0 =	sld [smem:$0x3FA4]  }
0x30: {  	s3 =	sld [smem:$0x3FA7]  }
0x31: {  	[smem:$0x3FB0] =	sst s10  }
0x32: {  	s10 =	sld [smem:$0x3FAE];
	_ =	sdelay $0x3  }
0x33: {  	p0 =	seq.s32 s10, $0x1;
	s10 =	sld [smem:$0x3FB0];
	_ =	sdelay $0x3  }
0x34: {  	[smem:$0x3FB0] =	sst s10  }
0x35: {  	s10 =	sld [smem:$0x3FAF];
	_ =	sdelay $0x3  }
0x36: {  	p1 =	seq.s32 s10, $0x1;
	s10 =	sld [smem:$0x3FB0];
	_ =	sdelay $0x3  }
0x37: {  	[smem:$0x3FB0] =	sst s10  }
0x38: {  	s10 =	sld [smem:$0x3FB1]  }
0x39: {  	_ = 	snop;
	(pc) =	sbr.ind lr, $3  }
0x3a: {  	_ = 	snop  }
0x3b: {  	_ = 	snop  }
0x3c: {  	p2 =	seq.s32 s10, $0x1;
	s10 =	sld [smem:$0x3FB0]  }
0x3d: {  	_ =	shalt  }
0x3e: {  	_ =	shalt  }
0x3f: {  	_ =	shalt  }
0x40: {  	_ =	shalt  }
0x41: {  	_ =	shalt  }
0x42: {  	_ =	shalt  }
0x43: {  	_ =	shalt  }
0x44: {  	_ =	shalt  }
0x45: {  	_ =	shalt  }
0x46: {  	_ =	shalt  }
0x47: {  	_ =	shalt  }
0x48: {  	_ =	shalt  }
0x49: {  	_ =	shalt  }
0x4a: {  	_ =	shalt  }
0x4b: {  	_ =	shalt  }
0x4c: {  	_ =	shalt  }
0x4d: {  	_ =	shalt  }
0x4e: {  	_ =	shalt  }
0x4f: {  	_ =	shalt  }
0x50: {  	_ =	shalt  }
0x51: {  	_ =	shalt  }
0x52: {  	_ =	shalt  }
0x53: {  	_ =	shalt  }
0x54: {  	_ =	shalt  }
0x55: {  	_ =	shalt  }
0x56: {  	_ =	shalt  }
0x57: {  	_ =	shalt  }
0x58: {  	_ =	shalt  }
0x59: {  	_ =	shalt  }
0x5a: {  	_ =	shalt  }
0x5b: {  	_ =	shalt  }
0x5c: {  	_ =	shalt  }
0x5d: {  	_ =	shalt  }
0x5e: {  	_ =	shalt  }
0x5f: {  	_ =	shalt  }
0x60: {  	_ =	shalt  }
0x61: {  	_ =	shalt  }
0x62: {  	_ =	shalt  }
0x63: {  	_ =	shalt  }
0x64: {  	_ =	shalt  }
0x65: {  	_ =	shalt  }
0x66: {  	_ =	shalt  }
0x67: {  	_ =	shalt  }
0x68: {  	_ =	shalt  }
0x69: {  	_ =	shalt  }
0x6a: {  	_ =	shalt  }
0x6b: {  	_ =	shalt  }
0x6c: {  	_ =	shalt  }
0x6d: {  	_ =	shalt  }
0x6e: {  	_ =	shalt  }
0x6f: {  	_ =	shalt  }
0x70: {  	_ =	shalt  }
0x71: {  	_ =	shalt  }
0x72: {  	_ =	shalt  }
0x73: {  	_ =	shalt  }
0x74: {  	_ =	shalt  }
0x75: {  	_ =	shalt  }
0x76: {  	_ =	shalt  }
0x77: {  	_ =	shalt  }
0x78: {  	_ =	shalt  }
0x79: {  	_ =	shalt  }
0x7a: {  	_ =	shalt  }
0x7b: {  	_ =	shalt  }
0x7c: {  	_ =	shalt  }
0x7d: {  	_ =	shalt  }
0x7e: {  	_ =	shalt  }
0x7f: {  	_ =	shalt  }
0x80: {  	_ =	shalt  }
0x81: {  	_ =	shalt  }
0x82: {  	_ =	shalt  }
0x83: {  	_ =	shalt  }
0x84: {  	_ =	shalt  }
0x85: {  	_ =	shalt  }
0x86: {  	_ =	shalt  }
0x87: {  	_ =	shalt  }
.Lfunc_end0:
.L_simem_size_0:
called_computation.2_lowered:
.L_overlay_start_0:
0x88: {  	s2 =	sld [smem:$0x3FD9]  }
0x89: {  	s3 =	sld [smem:$0x3FFE];
	_ =	sdelay $0x1  }
0x8a: {  	s1 =	srdreg.scid  }
0x8b: {  	s0 =	sand.u32 $0x1, s1  }
0x8c: {  	s16 =	sshll.u32 s0, $0xA;
	s2 =	sadd.s32 s3, s2  }
0x8d: {  	s2 =	sadd.s32 s2, s16  }
0x8e: {  	[smem:$0x3FBC] =	sst s2  }
0x8f: {  	_ = 	snop  }
0x90: {  	(tm) =	ssettm $0x1  }
0x91: {  	s17 =	sld [smem:$0x3FFB];
	_ =	sdelay $0x3  }
0x92: {  	_ =	strace s17  }
0x93: {  	s2 =	sld [smem:$0x3FFC];
	_ =	sdelay $0x3  }
0x94: {  	_ =	strace s2  }
0x95: {  	s2 =	sld [smem:$0x3FFD];
	_ =	sdelay $0x3  }
0x96: {  	_ =	strace s2  }
0x97: {  	_ =	strace $0x8FFFFFFF  }
0x98: {  	s18 =	sld [smem:$0x3FDB];
	_ =	sdelay $0x1  }
0x99: {  	s19 =	simm.s32 $_scs_section_size  }
0x9a: {  	s4 =	simm.s32 $_size__tile_overlayer_lowered;
	s5 =	simm.s32 $_tile_overlayer_lowered  }
0x9b: {  	s22 =	simm.s32 $0x1BFF;
	s21 =	sshll.u32 s5, $0x1;
	s2 =	sadd.s32 s19, s18  }
0x9c: {  	s6 =	simm.s32 $0x0;
	s20 =	sshll.u32 s4, $0x1;
	s4 =	sadd.s32 s21, s2  }
0x9d: {  	[timem:s6], [sflag:s22] =	dma.local [hbm:s4], s20  }
0x9e: {  	_ =	swait.ge [sflag:s22], s20  }
0x9f: {  	s3 =	ssub.s32 $0x0, s20;
	[sflag:s22] =	ssyncset.done $0x0  }
0xa0: {  	[sflag:s22] =	ssyncadd.s32 s3;
	_ =	sdelay $0x1  }
0xa1: {  	s23 =	simm.s32 $0x1B8B  }
0xa2: {  	_ =	swait.ge [sflag:s23], $0x1  }
0xa3: {  	[sflag:s23] =	ssyncset.done $0x0  }
0xa4: {  	s25 =	simm.s32 $0x1B8E;
	s24 =	sld [smem:$0x3FFE];
	[sflag:s23] =	ssyncadd.s32 $0xFFFFFFFF  }
0xa5: {  	s26 =	simm.s32 $execute0_lowered;
	[smem:$0x3FD2] =	sst s25  }
0xa6: {  	s4 =	sshll.u32 s26, $0x1;
	_ =	strace $0x8000004C;
	[dreg:$0x1] =	wrdreg $0xFFFFFFFF  }
0xa7: {  	s28 =	simm.s32 $_size_execute0_lowered;
	s2 =	sadd.s32 s2, s4;
	[dreg:$0x0] =	wrdreg $0x0  }
0xa8: {  	s4 =	sshll.u32 s28, $0x1;
	[dreg:$0x2] =	wrdreg s2  }
0xa9: {  	[dreg:$0x3] =	wrdreg s4  }
0xaa: {  	[dreg:$0x4] =	wrdreg $0xC0  }
0xab: {  	_ =	task [dreg:s6], $0x5FFFF  }
0xac: {  	[dreg:$0x1] =	wrdreg $0xFFFFFFFF  }
0xad: {  	[dreg:$0x0] =	wrdreg $0x60  }
0xae: {  	[dreg:$0x2] =	wrdreg s24  }
0xaf: {  	[dreg:$0x3] =	wrdreg $0xBF000  }
0xb0: {  	[dreg:$0x4] =	wrdreg $0x6F000  }
0xb1: {  	[dreg:$0x5] =	wrdreg $0x9  }
0xb2: {  	_ =	task.clear_ibuf [dreg:s6], $0x6FFFF;
	_ =	strace $0x9000004C  }
0xb3: {  	s29 =	simm.s32 $0x9;
	_ =	strace $0x8000004E  }
0xb4: {  	_ =	swait.ge [sflag:s29], $0x1  }
0xb5: {  	[sflag:s29] =	ssyncadd.s32 $0xFFFFFFFF  }
0xb6: {  	_ =	strace $0x9000004E  }
0xb7: {  	_ =	sfence  }
0xb8: {  	s30 =	sld [smem:$0x0];
	_ =	sdelay $0x2  }
0xb9: {  	s31 =	sshll.u32 s1, $0xD;
	s1 =	sshrl.u32 s1, $0x2  }
0xba: {  	s3 =	sand.u32 $0x4000, s31;
	s1 =	sadd.s32 s1, s30  }
0xbb: {  	s0 =	sor.u32 s3, s0;
	s1 =	sshll.u32 s1, $0x11  }
0xbc: {  	s0 =	sor.u32 s1, s0  }
0xbd: {  	s0 =	sadd.s32 $0x8F2B, s0  }
0xbe: {  	[sflag:s0] =	ssyncadd.remote.s32 $0x1  }
0xbf: {  	_ =	sfence.sel $0xFFFF  }
0xc0: {  	[dreg:$0x0] =	wrdreg $0xFFFFFFFF;
	(pc) =	sbr.abs _section_cstart, $3  }
0xc1: {  	[dreg:$0x1] =	wrdreg $0xFFFFFFFF  }
0xc2: {  	_ =	task.clear_ibuf [dreg:s6], $0x2FFFF;
	_ =	strace $0x9FFFFFFF  }
0xc3: {  	(tm) =	ssettm $0x7FFFFFFF  }
tec
execute0_lowered:
.L_overlay_start_1:
0x0: {  	(tag) =	ssettag $0x1  }
0x1: {  	s0 =	rddreg [dreg:$0x0]  }
0x2: {  	s2 =	rddreg [dreg:$0x1];
	s25 =	stileid.u32  }
0x3: {  	s3 =	rddreg [dreg:$0x2];
	s4 =	simm.s32 $0x0;
	s5 =	srdreg.scid  }
0x4: {  	s28 =	simm.s32 $0x1;
	s29 =	simm.s32 $0x2;
	s1 =	smul.u32 $0x5000, s25  }
0x5: {  	[smem:$0x7FF] =	sst s4;
	s11 =	sand.u32 $0x1, s5;
	s13 =	sadd.s32 $0x2600, s0  }
0x6: {  	s7 =	sshll.u32 s25, $0x1;
	s19 =	sadd.s32 $0x20000, s0;
	p0 =	sgt.u32 s25, $0x1  }
0x7: {  	s25 =	simm.s32 $0x80;
	_ =	strace $0x8000004D;
	s5 =	ssub.s32 $0x2, s11  }
0x8: {  	s14 =	sor.u32 s11, s7;
	s22 =	smul.u32 $0x50000, s11;
	s6 =	sshrl.u32 s1, $0x3  }
0x9: {  	s26 =	sshrl.u32 s5, $0x1;
	s15 =	sadd.s32 $0x1000, s1;
	s17 =	sadd.s32 $0x2000, s1  }
0xa: {  	s18 =	sadd.s32 $0x3000, s1;
	s21 =	sadd.s32 $0x4000, s1;
	s9 =	smul.u32 $0x4E0, s14  }
0xb: {  	s16 =	sshll.u32 s14, $0x4;
	s23 =	sadd.s32 s1, s3;
	s12 =	sadd.s32 s6, s0  }
0xc: {  	s20 =	ssub.s32 s5, s26;
	s5 =	sadd.s32 s1, s2;
	s6 =	sadd.s32 s15, s2  }
0xd: {  	s7 =	sadd.s32 s17, s2;
	s8 =	sadd.s32 s18, s2;
	s10 =	sadd.s32 s21, s2  }
0xe: {  	s14 =	sadd.s32 s16, s13;
	s1 =	sadd.s32 s1, s22;
	s24 =	sor.u32 $0x9C00, s16  }
0xf: {  	s26 =	sadd.s32 s22, s17;
	s21 =	sadd.s32 s22, s21;
	s23 =	sshrl.u32 s23, $0x3  }
0x10: {  	s30 =	sadd.s32 $0x16000, s12;
	s31 =	sadd.s32 s13, s9;
	s13 =	sadd.s32 $0x9C00, s14  }
0x11: {  	s14 =	sadd.s32 $0xC240, s0;
	s11 =	sshrl.u32 s1, $0x3;
	s12 =	sadd.s32 s22, s15  }
0x12: {  	s0 =	sshrl.u32 s26, $0x3;
	s20 =	smax.u32 s20, $0x1;
	[dreg:$0x4] =	wrdreg s30  }
0x13: {  	s26 =	simm.s32 $0x5F00;
	[dreg:$0x5] =	wrdreg s31;
	s15 =	sadd.s32 s19, s11  }
0x14: {  	s16 =	sshrl.u32 s12, $0x3;
	s30 =	sadd.s32 s22, s18;
	s17 =	sadd.s32 s19, s0  }
0x15: {  	s31 =	sshrl.u32 s21, $0x3;
	s21 =	simm.s32 $0x4F00;
	s22 =	simm.s32 $0x3  }
0x16: {  	s24 =	sadd.s32 @!p0 s14, s24;
	s0 =	simm.s32 $0x0;
	s1 =	sshrl.u32 s30, $0x3  }
0x17: {  	v0 =	vimm.f32 $0.0e+00;
	s16 =	sadd.s32 s19, s16;
	s18 =	sadd.s32 s19, s1;
	s19 =	sadd.s32 s19, s31  }
.LBB2_1:
0x18: {  	s30 =	simm.s32 $0x80;
	s31 =	simm.s32 $0x0  }
.LBB2_2:
0x19: {  	p1 =	sne.s32 s30, $0x3F80;
	[tilespmem:s31+$0x4F00] =	vst v0;
	s1 =	smov.u32 s30;
	s30 =	sadd.s32 $0x80, s30  }
.Ltmp0:
0x1a: {  	[tilespmem:s31+$0x4F10] =	vst v0;
	(pc) =	sbr.rel @p1 .LBB2_2-.Ltmp0, $2  }
0x1b: {  	_ =	sdelay $0x2  }
0x1c: {  	s31 =	sshra.s32 s1, $0x2  }
0x1d: {  	[tilespmem:s31+$0x4F00] =	vst v0  }
0x1e: {  	[tilespmem:s31+$0x4F10] =	vst v0  }
0x1f: {  	[spmem:s5] =	stream.linear.scatter [tilespmem:s21], [sflag:$0x3], $0x1000, $0x38;
	[tilespmem:$0x10F00] =	vst v63  }
0x20: {  	_ =	swait.ge [sflag:s22], $0x1000  }
0x21: {  	[sflag:s22] =	ssyncset.done $0x0  }
0x22: {  	[sflag:s22] =	ssyncadd.s32 $0xFFFFF000  }
0x23: {  	[spmem:s6] =	stream.linear.scatter [tilespmem:s21], [sflag:$0x3], $0x1000, $0x38;
	[tilespmem:$0x10F00] =	vst v63  }
0x24: {  	_ =	swait.ge [sflag:s22], $0x1000  }
0x25: {  	[sflag:s22] =	ssyncset.done $0x0  }
0x26: {  	[sflag:s22] =	ssyncadd.s32 $0xFFFFF000  }
0x27: {  	[spmem:s7] =	stream.linear.scatter [tilespmem:s21], [sflag:$0x3], $0x1000, $0x38;
	[tilespmem:$0x10F00] =	vst v63  }
0x28: {  	_ =	swait.ge [sflag:s22], $0x1000  }
0x29: {  	[sflag:s22] =	ssyncset.done $0x0  }
0x2a: {  	[sflag:s22] =	ssyncadd.s32 $0xFFFFF000  }
0x2b: {  	[spmem:s8] =	stream.linear.scatter [tilespmem:s21], [sflag:$0x3], $0x1000, $0x38;
	[tilespmem:$0x10F00] =	vst v63  }
0x2c: {  	_ =	swait.ge [sflag:s22], $0x1000  }
0x2d: {  	[sflag:s22] =	ssyncset.done $0x0  }
0x2e: {  	[sflag:s22] =	ssyncadd.s32 $0xFFFFF000  }
0x2f: {  	[spmem:s10] =	stream.linear.scatter [tilespmem:s21], [sflag:$0x3], $0x1000, $0x38;
	[tilespmem:$0x10F00] =	vst v63  }
0x30: {  	s1 =	stileid.u32;
	_ =	swait.ge [sflag:s22], $0x1000  }
0x31: {  	s1 =	sshll.u32 s1, $0x6;
	[sflag:s22] =	ssyncset.done $0x0  }
0x32: {  	s1 =	sor.u32 $0x1C03, s1;
	s11 =	rddreg [dreg:$0x4];
	[sflag:s22] =	ssyncadd.s32 $0xFFFFF000  }
0x33: {  	[spmem:s23], [sflag:s1] =	dma.local [hbm:s11], $0xA00  }
0x34: {  	_ =	swait.ge [sflag:s22], $0xA00  }
0x35: {  	[sflag:s22] =	ssyncset.done $0x0  }
0x36: {  	[sflag:s22] =	ssyncadd.s32 $0xFFFFF600  }
0x37: {  	[bflag:$0x0] =	sbarrier.arrive $0xFFFF  }
0x38: {  	s11 =	rddreg [dreg:$0x5]  }
0x39: {  	[tilespmem:s4], [sflag:$0x3] =	stream.linear.gather [hbm4b:s11+s4], $0x2700, $0x38;
	[tilespmem:$0x10F00] =	vst v63  }
0x3a: {  	_ =	swait.ge [sflag:s22], $0x2700  }
0x3b: {  	s30 =	simm.s32 @p0 $0x0;
	[sflag:s22] =	ssyncset.done $0x0  }
0x3c: {  	s31 =	simm.s32 @p0 $0x2780;
	s1 =	sadd.s32 @p0 s9, s14;
	[sflag:s22] =	ssyncadd.s32 $0xFFFFD900  }
0x3d: {  	[tilespmem:s31], [sflag:$0x3] =	stream.linear.gather @p0 [hbm4b:s1+s30], $0x2700, $0x38;
	[tilespmem:$0x10F00] =	vst v63  }
0x3e: {  	s1 =	simm.s32 @p0 $0x3  }
0x3f: {  	_ =	swait.ge @p0 [sflag:s1], $0x2700  }
0x40: {  	[sflag:s1] =	ssyncset.done @p0 $0x0  }
0x41: {  	s30 =	simm.s32 @!p0 $0x2700;
	[sflag:s1] =	ssyncadd.s32 @p0 $0xFFFFD900;
	s1 =	simm.s32 @!p0 $0x0  }
0x42: {  	[tilespmem:s30], [sflag:$0x3] =	stream.linear.gather @!p0 [hbm4b:s13+s1], $0x80, $0x38;
	[tilespmem:$0x10F00] =	vst v63  }
0x43: {  	s30 =	simm.s32 @!p0 $0x3  }
0x44: {  	_ =	swait.ge @!p0 [sflag:s30], $0x80  }
0x45: {  	[sflag:s30] =	ssyncset.done @!p0 $0x0  }
0x46: {  	s11 =	simm.s32 @!p0 $0x2780;
	s31 =	sadd.s32 @!p0 s9, s14;
	[sflag:s30] =	ssyncadd.s32 @!p0 $0xFFFFFF80  }
0x47: {  	[tilespmem:s11], [sflag:$0x3] =	stream.linear.gather @!p0 [hbm4b:s31+s1], $0x2700, $0x38;
	[tilespmem:$0x10F00] =	vst v63  }
0x48: {  	_ =	swait.ge @!p0 [sflag:s30], $0x2700  }
0x49: {  	[sflag:s30] =	ssyncset.done @!p0 $0x0  }
0x4a: {  	s11 =	simm.s32 @!p0 $0x4E80;
	[sflag:s30] =	ssyncadd.s32 @!p0 $0xFFFFD900  }
0x4b: {  	[tilespmem:s11], [sflag:$0x3] =	stream.linear.gather @!p0 [hbm4b:s24+s1], $0x80, $0x38;
	[tilespmem:$0x10F00] =	vst v63  }
0x4c: {  	_ =	swait.ge @!p0 [sflag:s30], $0x80  }
0x4d: {  	[sflag:s30] =	ssyncset.done @!p0 $0x0  }
0x4e: {  	s12 =	simm.s32 $0x0;
	[sflag:s30] =	ssyncadd.s32 @!p0 $0xFFFFFF80  }
0x4f: {  	[tilespmem:s21], [sflag:$0x1] =	stream.indirect.gather [spmem:s3], $0x20, s12, s25, $0xb8;
	[tilespmem:$0x10F00] =	vst v63  }
0x50: {  	s11 =	simm.s32 $0x80  }
0x51: {  	[tilespmem:s26], [sflag:$0x2] =	stream.indirect.gather [spmem:s3], $0x20, s11, s25, $0xb8;
	[tilespmem:$0x10F00] =	vst v63  }
0x52: {  	_ =	swait.ge [sflag:s28], $0x1000  }
0x53: {  	[sflag:s28] =	ssyncset.done $0x0  }
0x54: {  	s12 =	simm.s32 $0x2780;
	[sflag:s28] =	ssyncadd.s32 $0xFFFFF000  }
0x55: {  	[spmem:s2] =	stream.indirect.scatter.add.f32 [tilespmem:s21], [sflag:$0x3], $0x20, s12, s25, $0xb8;
	[tilespmem:$0x10F00] =	vst v63  }
0x56: {  	_ =	swait.ge [sflag:s22], $0x1000  }
0x57: {  	[sflag:s22] =	ssyncset.done $0x0  }
0x58: {  	s11 =	simm.s32 $0x100;
	[sflag:s22] =	ssyncadd.s32 $0xFFFFF000  }
0x59: {  	[tilespmem:s21], [sflag:$0x1] =	stream.indirect.gather [spmem:s3], $0x20, s11, s25, $0xb8;
	[tilespmem:$0x10F00] =	vst v63  }
0x5a: {  	_ =	swait.ge [sflag:s29], $0x1000  }
0x5b: {  	[sflag:s29] =	ssyncset.done $0x0  }
0x5c: {  	s12 =	simm.s32 $0x2800;
	[sflag:s29] =	ssyncadd.s32 $0xFFFFF000  }
0x5d: {  	[spmem:s2] =	stream.indirect.scatter.add.f32 [tilespmem:s26], [sflag:$0x3], $0x20, s12, s25, $0xb8;
	[tilespmem:$0x10F00] =	vst v63  }
0x5e: {  	_ =	swait.ge [sflag:s22], $0x1000  }
0x5f: {  	s31 =	simm.s32 $0x800;
	s30 =	simm.s32 $0x100;
	[sflag:s22] =	ssyncset.done $0x0  }
.LBB2_4:
0x60: {  	s1 =	sadd.s32 $0x80, s30  }
0x61: {  	[sflag:s22] =	ssyncadd.s32 $0xFFFFF000;
	s11 =	smov.u32 s31;
	s12 =	sadd.s32 $0x400, s31  }
0x62: {  	[tilespmem:s26], [sflag:$0x2] =	stream.indirect.gather [spmem:s3], $0x20, s1, s25, $0xb8;
	[tilespmem:$0x10F00] =	vst v63  }
0x63: {  	p1 =	sne.s32 s31, $0x9400;
	_ =	swait.ge [sflag:s28], $0x1000  }
0x64: {  	[sflag:s28] =	ssyncset.done $0x0  }
0x65: {  	s1 =	sadd.s32 $0x2780, s30;
	[sflag:s28] =	ssyncadd.s32 $0xFFFFF000  }
0x66: {  	[spmem:s2] =	stream.indirect.scatter.add.f32 [tilespmem:s21], [sflag:$0x3], $0x20, s1, s25, $0xb8;
	[tilespmem:$0x10F00] =	vst v63  }
0x67: {  	_ =	swait.ge [sflag:s22], $0x1000  }
0x68: {  	[sflag:s22] =	ssyncset.done $0x0  }
0x69: {  	s1 =	sadd.s32 $0x100, s30;
	[sflag:s22] =	ssyncadd.s32 $0xFFFFF000  }
0x6a: {  	[tilespmem:s21], [sflag:$0x1] =	stream.indirect.gather [spmem:s3], $0x20, s1, s25, $0xb8;
	[tilespmem:$0x10F00] =	vst v63  }
0x6b: {  	_ =	swait.ge [sflag:s29], $0x1000  }
.Ltmp1:
0x6c: {  	[sflag:s29] =	ssyncset.done $0x0;
	(pc) =	sbr.rel @p1 .LBB2_4-.Ltmp1, $4  }
0x6d: {  	s1 =	sadd.s32 $0x2800, s30;
	[sflag:s29] =	ssyncadd.s32 $0xFFFFF000  }
0x6e: {  	[spmem:s2] =	stream.indirect.scatter.add.f32 [tilespmem:s26], [sflag:$0x3], $0x20, s1, s25, $0xb8;
	[tilespmem:$0x10F00] =	vst v63  }
0x6f: {  	_ =	swait.ge [sflag:s22], $0x1000  }
0x70: {  	s31 =	smov.u32 s12;
	s30 =	sshra.s32 s11, $0x2;
	[sflag:s22] =	ssyncset.done $0x0  }
0x71: {  	s1 =	sadd.s32 $0x80, s30;
	[sflag:s22] =	ssyncadd.s32 $0xFFFFF000  }
0x72: {  	[tilespmem:s26], [sflag:$0x2] =	stream.indirect.gather [spmem:s3], $0x20, s1, s25, $0xb8;
	[tilespmem:$0x10F00] =	vst v63  }
0x73: {  	_ =	swait.ge [sflag:s28], $0x1000  }
0x74: {  	[sflag:s28] =	ssyncset.done $0x0  }
0x75: {  	s12 =	sadd.s32 $0x2780, s30;
	[sflag:s28] =	ssyncadd.s32 $0xFFFFF000  }
0x76: {  	[spmem:s2] =	stream.indirect.scatter.add.f32 [tilespmem:s21], [sflag:$0x3], $0x20, s12, s25, $0xb8;
	[tilespmem:$0x10F00] =	vst v63  }
0x77: {  	_ =	swait.ge [sflag:s22], $0x1000  }
0x78: {  	[sflag:s22] =	ssyncset.done $0x0  }
0x79: {  	s31 =	sadd.s32 $0x100, s30;
	[sflag:s22] =	ssyncadd.s32 $0xFFFFF000  }
0x7a: {  	[tilespmem:s21], [sflag:$0x1] =	stream.indirect.gather [spmem:s3], $0x20, s31, s25, $0xb8;
	[tilespmem:$0x10F00] =	vst v63  }
0x7b: {  	_ =	swait.ge [sflag:s29], $0x1000  }
0x7c: {  	[sflag:s29] =	ssyncset.done $0x0  }
0x7d: {  	s11 =	sadd.s32 $0x2800, s30;
	[sflag:s29] =	ssyncadd.s32 $0xFFFFF000  }
0x7e: {  	[spmem:s2] =	stream.indirect.scatter.add.f32 [tilespmem:s26], [sflag:$0x3], $0x20, s11, s25, $0xb8;
	[tilespmem:$0x10F00] =	vst v63  }
0x7f: {  	_ =	swait.ge [sflag:s22], $0x1000  }
0x80: {  	[sflag:s22] =	ssyncset.done $0x0  }
0x81: {  	s12 =	simm.s32 $0x2680;
	[sflag:s22] =	ssyncadd.s32 $0xFFFFF000  }
0x82: {  	[tilespmem:s26], [sflag:$0x2] =	stream.indirect.gather [spmem:s3], $0x20, s12, s25, $0xb8;
	[tilespmem:$0x10F00] =	vst v63  }
0x83: {  	_ =	swait.ge [sflag:s28], $0x1000  }
0x84: {  	[sflag:s28] =	ssyncset.done $0x0  }
0x85: {  	s30 =	simm.s32 $0x4D80;
	[sflag:s28] =	ssyncadd.s32 $0xFFFFF000  }
0x86: {  	[spmem:s2] =	stream.indirect.scatter.add.f32 [tilespmem:s21], [sflag:$0x3], $0x20, s30, s25, $0xb8;
	[tilespmem:$0x10F00] =	vst v63  }
0x87: {  	_ =	swait.ge [sflag:s22], $0x1000  }
0x88: {  	[sflag:s22] =	ssyncset.done $0x0  }
0x89: {  	[sflag:s22] =	ssyncadd.s32 $0xFFFFF000  }
0x8a: {  	_ =	swait.ge [sflag:s29], $0x1000  }
0x8b: {  	[sflag:s29] =	ssyncset.done $0x0  }
0x8c: {  	s31 =	simm.s32 $0x4E00;
	[sflag:s29] =	ssyncadd.s32 $0xFFFFF000  }
0x8d: {  	[spmem:s2] =	stream.indirect.scatter.add.f32 [tilespmem:s26], [sflag:$0x3], $0x20, s31, s25, $0xb8;
	[tilespmem:$0x10F00] =	vst v63  }
0x8e: {  	_ =	swait.ge [sflag:s22], $0x1000  }
0x8f: {  	s1 =	simm.s32 @!p0 $0x80;
	[sflag:s22] =	ssyncset.done $0x0  }
0x90: {  	s11 =	simm.s32 @!p0 $0x2700;
	s12 =	simm.s32 @!p0 $0x4F00;
	[sflag:s22] =	ssyncadd.s32 $0xFFFFF000  }
0x91: {  	[tilespmem:s12], [sflag:$0x3] =	stream.indirect.gather @!p0 [spmem:s3], $0x20, s11, s1, $0xb8;
	[tilespmem:$0x10F00] =	vst v63  }
0x92: {  	s11 =	simm.s32 @!p0 $0x3  }
0x93: {  	_ =	swait.ge @!p0 [sflag:s11], $0x1000  }
0x94: {  	[sflag:s11] =	ssyncset.done @!p0 $0x0  }
0x95: {  	s30 =	simm.s32 @!p0 $0x4E80;
	[sflag:s11] =	ssyncadd.s32 @!p0 $0xFFFFF000  }
0x96: {  	[spmem:s2] =	stream.indirect.scatter.add.f32 @!p0 [tilespmem:s12], [sflag:$0x3], $0x20, s30, s1, $0xb8;
	[tilespmem:$0x10F00] =	vst v63  }
0x97: {  	_ =	swait.ge @!p0 [sflag:s11], $0x1000  }
0x98: {  	[sflag:s11] =	ssyncset.done @!p0 $0x0  }
0x99: {  	[sflag:s11] =	ssyncadd.s32 @!p0 $0xFFFFF000  }
0x9a: {  	[bflag:$0x0] =	sbarrier.arrive $0xFFFF  }
0x9b: {  	[tilespmem:s21], [sflag:$0x3] =	stream.linear.gather [spmem:s5], $0x1000, $0x38;
	[tilespmem:$0x10F00] =	vst v63  }
0x9c: {  	_ =	swait.ge [sflag:s22], $0x1000  }
0x9d: {  	[sflag:s22] =	ssyncset.done $0x0  }
0x9e: {  	[sflag:s22] =	ssyncadd.s32 $0xFFFFF000  }
0x9f: {  	[hbm4b:s15+s4] =	stream.linear.scatter [tilespmem:s21], [sflag:$0x3], $0x1000, $0x38;
	[tilespmem:$0x10F00] =	vst v63  }
0xa0: {  	_ =	swait.ge [sflag:s22], $0x1000  }
0xa1: {  	[sflag:s22] =	ssyncset.done $0x0  }
0xa2: {  	[sflag:s22] =	ssyncadd.s32 $0xFFFFF000  }
0xa3: {  	[tilespmem:s21], [sflag:$0x3] =	stream.linear.gather [spmem:s6], $0x1000, $0x38;
	[tilespmem:$0x10F00] =	vst v63  }
0xa4: {  	_ =	swait.ge [sflag:s22], $0x1000  }
0xa5: {  	[sflag:s22] =	ssyncset.done $0x0  }
0xa6: {  	[sflag:s22] =	ssyncadd.s32 $0xFFFFF000  }
0xa7: {  	[hbm4b:s16+s4] =	stream.linear.scatter [tilespmem:s21], [sflag:$0x3], $0x1000, $0x38;
	[tilespmem:$0x10F00] =	vst v63  }
0xa8: {  	_ =	swait.ge [sflag:s22], $0x1000  }
0xa9: {  	[sflag:s22] =	ssyncset.done $0x0  }
0xaa: {  	[sflag:s22] =	ssyncadd.s32 $0xFFFFF000  }
0xab: {  	[tilespmem:s21], [sflag:$0x3] =	stream.linear.gather [spmem:s7], $0x1000, $0x38;
	[tilespmem:$0x10F00] =	vst v63  }
0xac: {  	_ =	swait.ge [sflag:s22], $0x1000  }
0xad: {  	[sflag:s22] =	ssyncset.done $0x0  }
0xae: {  	[sflag:s22] =	ssyncadd.s32 $0xFFFFF000  }
0xaf: {  	[hbm4b:s17+s4] =	stream.linear.scatter [tilespmem:s21], [sflag:$0x3], $0x1000, $0x38;
	[tilespmem:$0x10F00] =	vst v63  }
0xb0: {  	_ =	swait.ge [sflag:s22], $0x1000  }
0xb1: {  	[sflag:s22] =	ssyncset.done $0x0  }
0xb2: {  	[sflag:s22] =	ssyncadd.s32 $0xFFFFF000  }
0xb3: {  	[tilespmem:s21], [sflag:$0x3] =	stream.linear.gather [spmem:s8], $0x1000, $0x38;
	[tilespmem:$0x10F00] =	vst v63  }
0xb4: {  	_ =	swait.ge [sflag:s22], $0x1000  }
0xb5: {  	[sflag:s22] =	ssyncset.done $0x0  }
0xb6: {  	[sflag:s22] =	ssyncadd.s32 $0xFFFFF000  }
0xb7: {  	[hbm4b:s18+s4] =	stream.linear.scatter [tilespmem:s21], [sflag:$0x3], $0x1000, $0x38;
	[tilespmem:$0x10F00] =	vst v63  }
0xb8: {  	_ =	swait.ge [sflag:s22], $0x1000  }
0xb9: {  	[sflag:s22] =	ssyncset.done $0x0  }
0xba: {  	[sflag:s22] =	ssyncadd.s32 $0xFFFFF000  }
0xbb: {  	[tilespmem:s21], [sflag:$0x3] =	stream.linear.gather [spmem:s10], $0x1000, $0x38;
	[tilespmem:$0x10F00] =	vst v63  }
0xbc: {  	s0 =	sadd.s32 $0x1, s0;
	_ =	swait.ge [sflag:s22], $0x1000  }
0xbd: {  	p1 =	sne.s32 s0, s20;
	[sflag:s22] =	ssyncset.done $0x0  }
.Ltmp2:
0xbe: {  	[sflag:s22] =	ssyncadd.s32 $0xFFFFF000;
	(pc) =	sbr.rel @p1 .LBB2_1-.Ltmp2, $4  }
0xbf: {  	[hbm4b:s19+s4] =	stream.linear.scatter [tilespmem:s21], [sflag:$0x3], $0x1000, $0x38;
	[tilespmem:$0x10F00] =	vst v63  }
0xc0: {  	_ =	swait.ge [sflag:s22], $0x1000  }
0xc1: {  	[sflag:s22] =	ssyncset.done $0x0  }
0xc2: {  	[sflag:s22] =	ssyncadd.s32 $0xFFFFF000  }
0xc3: {  	_ =	sfence.sel $0x180000  }
0xc4: {  	[bflag:$0x0] =	sbarrier.arrive $0xFFFF  }
0xc5: {  	_ =	strace $0x9000004D  }
0xc6: {  	s0 =	stileid.u32;
	[bflag:$0x2] =	sbarrier.arrive $0xFFFF  }
0xc7: {  	p0 =	sne.s32 s0, $0x0;
	s0 =	rddreg [dreg:$0x3]  }
0xc8: {  	s0 =	sadd.s32 @!p0 $0x100000, s0  }
0xc9: {  	[sflag:s0] =	ssyncadd.tile.s32 @!p0 $0x1;
	_ =	shalt  }
.Lfunc_end2:
_tile_overlayer_lowered:
.L_overlay_start_2:
0xca: {  	(tag) =	ssettag $0x2  }
0xcb: {  	s0 =	rddreg [dreg:$0x0];
	s2 =	stileid.u32  }
0xcc: {  	s1 =	rddreg [dreg:$0x1];
	p0 =	sne.s32 s2, $0x0  }
0xcd: {  	s3 =	rddreg [dreg:$0x2];
	[bflag:$0x3] =	sbarrier.arrive $0xFFFF;
	s2 =	simm.s32 @!p0 $0x1C03  }
0xce: {  	[timem:s3], [sflag:s2] =	dma.local @!p0 [hbm:s0], s1  }
0xcf: {  	s0 =	simm.s32 @!p0 $0x3  }
0xd0: {  	_ =	swait.ge @!p0 [sflag:s0], s1  }
0xd1: {  	s1 =	ssub.s32 @!p0 $0x0, s1;
	[sflag:s0] =	ssyncset.done @!p0 $0x0  }
0xd2: {  	[sflag:s0] =	ssyncadd.s32 @!p0 s1  }
0xd3: {  	[bflag:$0x3] =	sbarrier.arrive $0xFFFF  }
0xd4: {  	_ =	shalt  }

// kernel: kernel.9.cloned.1.call-start
scs
__scs_entry_jumppad:
0x0: {  	(pc) =	sbr.rel $0x88, $3  }
0x1: {  	(tag) =	ssettag $0x0;
	lr =	simm.s32 $0x1  }
0x2: {  	[smem:$0x3F95] =	sst lr;
	_ =	strace $0xD0000000  }
0x3: {  	_ = 	snop  }
0x4: {  	_ = 	snop  }
0x5: {  	_ = 	snop  }
0x6: {  	_ = 	snop  }
0x7: {  	_ = 	snop  }
__scs_overlays_trampoline_lowered:
0x8: {  	[smem:$0x3FA4] =	sst s0  }
0x9: {  	[smem:$0x3FA5] =	sst s1  }
0xa: {  	[smem:$0x3FA6] =	sst s2  }
0xb: {  	[smem:$0x3FA7] =	sst s3  }
0xc: {  	[smem:$0x3FA8] =	sst s4  }
0xd: {  	[smem:$0x3FA9] =	sst s5  }
0xe: {  	[smem:$0x3FAA] =	sst s6  }
0xf: {  	[smem:$0x3FAB] =	sst s7  }
0x10: {  	[smem:$0x3FAC] =	sst s8  }
0x11: {  	[smem:$0x3FAD] =	sst s9;
	s0 =	simm.s32 @!p0 $0x0  }
0x12: {  	s1 =	sld [smem:$0x3F93];
	s0 =	simm.s32 @p0 $0x1  }
0x13: {  	[smem:$0x3FAE] =	sst s0;
	s0 =	simm.s32 @!p1 $0x0  }
0x14: {  	s2 =	sld [smem:$0x3F92];
	s0 =	simm.s32 @p1 $0x1  }
0x15: {  	[smem:$0x3FAF] =	sst s0;
	s0 =	simm.s32 @!p2 $0x0  }
0x16: {  	s3 =	sld [smem:$0x3FDB];
	s0 =	simm.s32 @p2 $0x1  }
0x17: {  	s4 =	simm.s32 $0x1BF5;
	[smem:$0x3FB1] =	sst s0  }
0x18: {  	s0 =	sld [smem:$0x3F94];
	_ =	swait.ge [sflag:s4], $0x0  }
0x19: {  	s7 =	sld [smem:$0x3F95]  }
0x1a: {  	s8 =	sadd.s32 $0xFFFFE003, lr  }
0x1b: {  	s9 =	sadd.s32 $0xFFFFFEF7, lr;
	s5 =	simm.s32 $0xFFFFFFFF;
	p2 =	slt.u32 s8, $0xFFFFF086  }
0x1c: {  	p1 =	slt.u32 s9, $0xF7A;
	s5 =	simm.s32 @!p2 $0x0  }
0x1d: {  	s5 =	simm.s32 @p1 $0x1;
	p0 =	seq.s32 s7, s2  }
0x1e: {  	s7 =	smul.u32 @!p0 $0xF7A, s2;
	p2 =	seq.s32 @!p0 s5, $0x0  }
0x1f: {  	s9 =	smul.u32 $0xF7A, s1;
	s8 =	simm.s32 @!p0 $0x1BF5;
	p2 =	por !p2, p0  }
0x20: {  	[sflag:s8] =	ssyncset.s32 @!p0 $0xFFFFF086;
	s6 =	sadd.s32 @!p0 s3, s7;
	s7 =	simm.s32 @!p0 $0x108  }
0x21: {  	s3 =	sadd.s32 s3, s9;
	s6 =	sadd.s32 @!p0 $0x88, s6;
	s7 =	simm.s32 @p2 $0x1082  }
0x22: {  	[simem:s7], [sflag:s8] =	dma.local @!p0 [hbm:s6], $0xF7A  }
0x23: {  	s9 =	sor.u32 $0xD0000000, s2;
	s6 =	simm.s32 $0x108;
	_ =	swait.ge @!p0 [sflag:s8], $0x0  }
0x24: {  	s3 =	sadd.s32 $0x88, s3;
	s6 =	simm.s32 @!p1 $0x1082;
	[sflag:s4] =	ssyncset.s32 $0xFFFFF086  }
0x25: {  	[simem:s6], [sflag:s4] =	dma.local [hbm:s3], $0xF7A  }
0x26: {  	[smem:$0x3F95] =	sst s1;
	(tag) =	ssettag s2;
	_ =	strace s9  }
0x27: {  	s1 =	sld [smem:$0x3FA5]  }
0x28: {  	s2 =	sld [smem:$0x3FA6]  }
0x29: {  	s4 =	sld [smem:$0x3FA8]  }
0x2a: {  	p0 =	seq.s32 s5, $0x0;
	s5 =	sld [smem:$0x3FA9]  }
0x2b: {  	s6 =	sld [smem:$0x3FAA]  }
0x2c: {  	s7 =	sld [smem:$0x3FAB]  }
0x2d: {  	s3 =	simm.s32 $0x108;
	s8 =	sld [smem:$0x3FAC]  }
0x2e: {  	s3 =	simm.s32 @!p0 $0x1082;
	s9 =	sld [smem:$0x3FAD]  }
0x2f: {  	lr =	sadd.s32 s0, s3;
	s0 =	sld [smem:$0x3FA4]  }
0x30: {  	s3 =	sld [smem:$0x3FA7]  }
0x31: {  	[smem:$0x3FB0] =	sst s10  }
0x32: {  	s10 =	sld [smem:$0x3FAE];
	_ =	sdelay $0x3  }
0x33: {  	p0 =	seq.s32 s10, $0x1;
	s10 =	sld [smem:$0x3FB0];
	_ =	sdelay $0x3  }
0x34: {  	[smem:$0x3FB0] =	sst s10  }
0x35: {  	s10 =	sld [smem:$0x3FAF];
	_ =	sdelay $0x3  }
0x36: {  	p1 =	seq.s32 s10, $0x1;
	s10 =	sld [smem:$0x3FB0];
	_ =	sdelay $0x3  }
0x37: {  	[smem:$0x3FB0] =	sst s10  }
0x38: {  	s10 =	sld [smem:$0x3FB1]  }
0x39: {  	_ = 	snop;
	(pc) =	sbr.ind lr, $3  }
0x3a: {  	_ = 	snop  }
0x3b: {  	_ = 	snop  }
0x3c: {  	p2 =	seq.s32 s10, $0x1;
	s10 =	sld [smem:$0x3FB0]  }
0x3d: {  	_ =	shalt  }
0x3e: {  	_ =	shalt  }
0x3f: {  	_ =	shalt  }
0x40: {  	_ =	shalt  }
0x41: {  	_ =	shalt  }
0x42: {  	_ =	shalt  }
0x43: {  	_ =	shalt  }
0x44: {  	_ =	shalt  }
0x45: {  	_ =	shalt  }
0x46: {  	_ =	shalt  }
0x47: {  	_ =	shalt  }
0x48: {  	_ =	shalt  }
0x49: {  	_ =	shalt  }
0x4a: {  	_ =	shalt  }
0x4b: {  	_ =	shalt  }
0x4c: {  	_ =	shalt  }
0x4d: {  	_ =	shalt  }
0x4e: {  	_ =	shalt  }
0x4f: {  	_ =	shalt  }
0x50: {  	_ =	shalt  }
0x51: {  	_ =	shalt  }
0x52: {  	_ =	shalt  }
0x53: {  	_ =	shalt  }
0x54: {  	_ =	shalt  }
0x55: {  	_ =	shalt  }
0x56: {  	_ =	shalt  }
0x57: {  	_ =	shalt  }
0x58: {  	_ =	shalt  }
0x59: {  	_ =	shalt  }
0x5a: {  	_ =	shalt  }
0x5b: {  	_ =	shalt  }
0x5c: {  	_ =	shalt  }
0x5d: {  	_ =	shalt  }
0x5e: {  	_ =	shalt  }
0x5f: {  	_ =	shalt  }
0x60: {  	_ =	shalt  }
0x61: {  	_ =	shalt  }
0x62: {  	_ =	shalt  }
0x63: {  	_ =	shalt  }
0x64: {  	_ =	shalt  }
0x65: {  	_ =	shalt  }
0x66: {  	_ =	shalt  }
0x67: {  	_ =	shalt  }
0x68: {  	_ =	shalt  }
0x69: {  	_ =	shalt  }
0x6a: {  	_ =	shalt  }
0x6b: {  	_ =	shalt  }
0x6c: {  	_ =	shalt  }
0x6d: {  	_ =	shalt  }
0x6e: {  	_ =	shalt  }
0x6f: {  	_ =	shalt  }
0x70: {  	_ =	shalt  }
0x71: {  	_ =	shalt  }
0x72: {  	_ =	shalt  }
0x73: {  	_ =	shalt  }
0x74: {  	_ =	shalt  }
0x75: {  	_ =	shalt  }
0x76: {  	_ =	shalt  }
0x77: {  	_ =	shalt  }
0x78: {  	_ =	shalt  }
0x79: {  	_ =	shalt  }
0x7a: {  	_ =	shalt  }
0x7b: {  	_ =	shalt  }
0x7c: {  	_ =	shalt  }
0x7d: {  	_ =	shalt  }
0x7e: {  	_ =	shalt  }
0x7f: {  	_ =	shalt  }
0x80: {  	_ =	shalt  }
0x81: {  	_ =	shalt  }
0x82: {  	_ =	shalt  }
0x83: {  	_ =	shalt  }
0x84: {  	_ =	shalt  }
0x85: {  	_ =	shalt  }
0x86: {  	_ =	shalt  }
0x87: {  	_ =	shalt  }
.Lfunc_end0:
.L_simem_size_0:
called_computation_lowered:
.L_overlay_start_0:
0x88: {  	s2 =	sld [smem:$0x3FD9]  }
0x89: {  	s3 =	sld [smem:$0x3FFE];
	_ =	sdelay $0x1  }
0x8a: {  	s1 =	srdreg.scid  }
0x8b: {  	s0 =	sand.u32 $0x1, s1  }
0x8c: {  	s16 =	sshll.u32 s0, $0xA;
	s2 =	sadd.s32 s3, s2  }
0x8d: {  	s2 =	sadd.s32 s2, s16  }
0x8e: {  	[smem:$0x3FBC] =	sst s2  }
0x8f: {  	_ = 	snop  }
0x90: {  	(tm) =	ssettm $0x1  }
0x91: {  	s17 =	sld [smem:$0x3FFB];
	_ =	sdelay $0x3  }
0x92: {  	_ =	strace s17  }
0x93: {  	s2 =	sld [smem:$0x3FFC];
	_ =	sdelay $0x3  }
0x94: {  	_ =	strace s2  }
0x95: {  	s2 =	sld [smem:$0x3FFD];
	_ =	sdelay $0x3  }
0x96: {  	_ =	strace s2  }
0x97: {  	_ =	strace $0x8FFFFFFF  }
0x98: {  	s18 =	sld [smem:$0x3FDB];
	_ =	sdelay $0x1  }
0x99: {  	s19 =	simm.s32 $_scs_section_size  }
0x9a: {  	s4 =	simm.s32 $_size__tile_overlayer_lowered;
	s5 =	simm.s32 $_tile_overlayer_lowered  }
0x9b: {  	s22 =	simm.s32 $0x1BFF;
	s21 =	sshll.u32 s5, $0x1;
	s2 =	sadd.s32 s19, s18  }
0x9c: {  	s6 =	simm.s32 $0x0;
	s20 =	sshll.u32 s4, $0x1;
	s4 =	sadd.s32 s21, s2  }
0x9d: {  	[timem:s6], [sflag:s22] =	dma.local [hbm:s4], s20  }
0x9e: {  	_ =	swait.ge [sflag:s22], s20  }
0x9f: {  	s3 =	ssub.s32 $0x0, s20;
	[sflag:s22] =	ssyncset.done $0x0  }
0xa0: {  	[sflag:s22] =	ssyncadd.s32 s3;
	_ =	sdelay $0x1  }
0xa1: {  	s23 =	simm.s32 $0x1B8B  }
0xa2: {  	_ =	swait.ge [sflag:s23], $0x1  }
0xa3: {  	[sflag:s23] =	ssyncset.done $0x0  }
0xa4: {  	s25 =	simm.s32 $0x1B8E;
	s24 =	sld [smem:$0x3FFE];
	[sflag:s23] =	ssyncadd.s32 $0xFFFFFFFF  }
0xa5: {  	s26 =	simm.s32 $execute0_lowered;
	[smem:$0x3FD2] =	sst s25  }
0xa6: {  	s4 =	sshll.u32 s26, $0x1;
	_ =	strace $0x80000046;
	[dreg:$0x1] =	wrdreg $0xFFFFFFFF  }
0xa7: {  	s28 =	simm.s32 $_size_execute0_lowered;
	s2 =	sadd.s32 s2, s4;
	[dreg:$0x0] =	wrdreg $0x0  }
0xa8: {  	s4 =	sshll.u32 s28, $0x1;
	[dreg:$0x2] =	wrdreg s2  }
0xa9: {  	[dreg:$0x3] =	wrdreg s4  }
0xaa: {  	[dreg:$0x4] =	wrdreg $0xC0  }
0xab: {  	_ =	task [dreg:s6], $0x5FFFF  }
0xac: {  	[dreg:$0x1] =	wrdreg $0xFFFFFFFF  }
0xad: {  	[dreg:$0x0] =	wrdreg $0x60  }
0xae: {  	[dreg:$0x2] =	wrdreg s24  }
0xaf: {  	[dreg:$0x3] =	wrdreg $0x37800  }
0xb0: {  	[dreg:$0x4] =	wrdreg $0x9  }
0xb1: {  	_ =	task.clear_ibuf [dreg:s6], $0x5FFFF;
	_ =	strace $0x90000046  }
0xb2: {  	s29 =	simm.s32 $0x9;
	_ =	strace $0x80000048  }
0xb3: {  	_ =	swait.ge [sflag:s29], $0x1  }
0xb4: {  	[sflag:s29] =	ssyncadd.s32 $0xFFFFFFFF  }
0xb5: {  	_ =	strace $0x90000048  }
0xb6: {  	_ =	sfence  }
0xb7: {  	s30 =	sld [smem:$0x0];
	_ =	sdelay $0x2  }
0xb8: {  	s31 =	sshll.u32 s1, $0xD;
	s1 =	sshrl.u32 s1, $0x2  }
0xb9: {  	s3 =	sand.u32 $0x4000, s31;
	s1 =	sadd.s32 s1, s30  }
0xba: {  	s0 =	sor.u32 s3, s0;
	s1 =	sshll.u32 s1, $0x11  }
0xbb: {  	s0 =	sor.u32 s1, s0  }
0xbc: {  	s0 =	sadd.s32 $0x8F2B, s0  }
0xbd: {  	[sflag:s0] =	ssyncadd.remote.s32 $0x1  }
0xbe: {  	_ =	sfence.sel $0xFFFF  }
0xbf: {  	[dreg:$0x0] =	wrdreg $0xFFFFFFFF;
	(pc) =	sbr.abs _section_cstart, $3  }
0xc0: {  	[dreg:$0x1] =	wrdreg $0xFFFFFFFF  }
0xc1: {  	_ =	task.clear_ibuf [dreg:s6], $0x2FFFF;
	_ =	strace $0x9FFFFFFF  }
0xc2: {  	(tm) =	ssettm $0x7FFFFFFF  }
0xc3: {  	_ =	shalt  }
tec
execute0_lowered:
.L_overlay_start_1:
0x0: {  	(tag) =	ssettag $0x1  }
0x1: {  	s9 =	rddreg [dreg:$0x0]  }
0x2: {  	s1 =	rddreg [dreg:$0x1];
	s2 =	srdreg.scid  }
0x3: {  	s0 =	rddreg [dreg:$0x2];
	s3 =	simm.s32 $0x0;
	s7 =	sand.u32 $0x1, s2  }
0x4: {  	[smem:$0x7FF] =	sst s3;
	s2 =	stileid.u32;
	s13 =	sadd.s32 $0x16000, s9  }
0x5: {  	s19 =	sadd.s32 $0xC240, s9;
	s4 =	ssub.s32 $0x2, s7;
	s10 =	smul.u32 $0x2800, s2  }
0x6: {  	_ =	strace $0x80000047;
	s25 =	sshll.u32 s2, $0x1;
	s18 =	smul.u32 $0x28000, s7  }
0x7: {  	p0 =	sgt.u32 s2, $0x1;
	s5 =	sshrl.u32 s4, $0x1;
	s11 =	sor.u32 s7, s25  }
0x8: {  	s14 =	ssub.s32 s4, s5;
	s12 =	sadd.s32 $0x800, s10;
	s15 =	sadd.s32 $0x1000, s10  }
0x9: {  	s4 =	sadd.s32 s10, s1;
	s16 =	sadd.s32 $0x1800, s10;
	s17 =	sadd.s32 $0x2000, s10  }
0xa: {  	s20 =	smul.u32 $0x4E0, s11;
	s26 =	sadd.s32 s10, s18;
	s11 =	sshll.u32 s11, $0x4  }
0xb: {  	s5 =	sadd.s32 s12, s1;
	s6 =	sadd.s32 s15, s1;
	s7 =	sadd.s32 s16, s1  }
0xc: {  	s8 =	sadd.s32 s17, s1;
	s28 =	sadd.s32 s18, s12;
	s9 =	sshrl.u32 s26, $0x3  }
0xd: {  	s21 =	sor.u32 $0x9C00, s11;
	s29 =	sadd.s32 s18, s15;
	s30 =	sadd.s32 s18, s16  }
0xe: {  	s31 =	sadd.s32 s18, s17;
	s14 =	smax.u32 s14, $0x1;
	s16 =	simm.s32 $0x1  }
0xf: {  	s10 =	sshrl.u32 s28, $0x3;
	s9 =	sadd.s32 s13, s9;
	s11 =	sshrl.u32 s29, $0x3  }
0x10: {  	s12 =	sshrl.u32 s30, $0x3;
	s15 =	sshrl.u32 s31, $0x3;
	s17 =	sadd.s32 s20, s19  }
0x11: {  	s18 =	sadd.s32 @!p0 s19, s21;
	s19 =	simm.s32 $0x80;
	s20 =	simm.s32 $0x2780  }
0x12: {  	s21 =	simm.s32 $0x0;
	s10 =	sadd.s32 s13, s10;
	s11 =	sadd.s32 s13, s11  }
0x13: {  	v0 =	vimm.f32 $1.000000000e+00;
	v1 =	vimm.f32 $0.0e+00;
	s12 =	sadd.s32 s13, s12;
	s13 =	sadd.s32 s13, s15;
	s15 =	simm.s32 $0x2F80  }
.LBB2_1:
0x14: {  	s22 =	simm.s32 $0x40;
	s23 =	simm.s32 $0x0  }
.LBB2_2:
0x15: {  	p1 =	sne.s32 s22, $0x1FC0;
	[tilespmem:s23+$0x2780] =	vst v0;
	s24 =	smov.u32 s22;
	s22 =	sadd.s32 $0x40, s22  }
.Ltmp0:
0x16: {  	[tilespmem:s23+$0x2F80] =	vst v1;
	(pc) =	sbr.rel @p1 .LBB2_2-.Ltmp0, $2  }
0x17: {  	_ =	sdelay $0x2  }
0x18: {  	s23 =	sshra.s32 s24, $0x2  }
0x19: {  	[tilespmem:s23+$0x2780] =	vst v0  }
0x1a: {  	[tilespmem:s23+$0x2F80] =	vst v1  }
0x1b: {  	[spmem:s4] =	stream.linear.scatter [tilespmem:s15], [sflag:$0x1], $0x800, $0x38;
	[tilespmem:$0x5F80] =	vst v63  }
0x1c: {  	_ =	swait.ge [sflag:s16], $0x800  }
0x1d: {  	[sflag:s16] =	ssyncset.done $0x0  }
0x1e: {  	[sflag:s16] =	ssyncadd.s32 $0xFFFFF800  }
0x1f: {  	[spmem:s5] =	stream.linear.scatter [tilespmem:s15], [sflag:$0x1], $0x800, $0x38;
	[tilespmem:$0x5F80] =	vst v63  }
0x20: {  	_ =	swait.ge [sflag:s16], $0x800  }
0x21: {  	[sflag:s16] =	ssyncset.done $0x0  }
0x22: {  	[sflag:s16] =	ssyncadd.s32 $0xFFFFF800  }
0x23: {  	[spmem:s6] =	stream.linear.scatter [tilespmem:s15], [sflag:$0x1], $0x800, $0x38;
	[tilespmem:$0x5F80] =	vst v63  }
0x24: {  	_ =	swait.ge [sflag:s16], $0x800  }
0x25: {  	[sflag:s16] =	ssyncset.done $0x0  }
0x26: {  	[sflag:s16] =	ssyncadd.s32 $0xFFFFF800  }
0x27: {  	[spmem:s7] =	stream.linear.scatter [tilespmem:s15], [sflag:$0x1], $0x800, $0x38;
	[tilespmem:$0x5F80] =	vst v63  }
0x28: {  	_ =	swait.ge [sflag:s16], $0x800  }
0x29: {  	[sflag:s16] =	ssyncset.done $0x0  }
0x2a: {  	[sflag:s16] =	ssyncadd.s32 $0xFFFFF800  }
0x2b: {  	[spmem:s8] =	stream.linear.scatter [tilespmem:s15], [sflag:$0x1], $0x800, $0x38;
	[tilespmem:$0x5F80] =	vst v63  }
0x2c: {  	_ =	swait.ge [sflag:s16], $0x800  }
0x2d: {  	[sflag:s16] =	ssyncset.done $0x0  }
0x2e: {  	[sflag:s16] =	ssyncadd.s32 $0xFFFFF800  }
0x2f: {  	[bflag:$0x0] =	sbarrier.arrive $0xFFFF  }
0x30: {  	[tilespmem:s3], [sflag:$0x1] =	stream.linear.gather [hbm4b:s17+s3], $0x2700, $0x38;
	[tilespmem:$0x5F80] =	vst v63  }
0x31: {  	_ =	swait.ge [sflag:s16], $0x2700  }
0x32: {  	[sflag:s16] =	ssyncset.done $0x0  }
0x33: {  	s22 =	simm.s32 @!p0 $0x0;
	s23 =	simm.s32 @!p0 $0x2700;
	[sflag:s16] =	ssyncadd.s32 $0xFFFFD900  }
0x34: {  	[tilespmem:s23], [sflag:$0x1] =	stream.linear.gather @!p0 [hbm4b:s18+s22], $0x80, $0x38;
	[tilespmem:$0x5F80] =	vst v63  }
0x35: {  	s23 =	simm.s32 @!p0 $0x4F  }
0x36: {  	s22 =	simm.s32 @!p0 $0x1;
	s23 =	simm.s32 @p0 $0x4E  }
0x37: {  	_ =	swait.ge @!p0 [sflag:s22], $0x80;
	p1 =	sne.s32 s23, $0x1  }
.Ltmp1:
0x38: {  	[sflag:s22] =	ssyncset.done @!p0 $0x0;
	(pc) =	sbr.rel @!p1 .LBB2_5-.Ltmp1, $4  }
0x39: {  	[sflag:s22] =	ssyncadd.s32 @!p0 $0xFFFFFF80;
	s22 =	simm.s32 $0x0  }
0x3a: {  	[spmem:s1] =	stream.indirect.scatter.add.f32 [tilespmem:s20], [sflag:$0x1], $0x10, s22, s19, $0xb8;
	[tilespmem:$0x5F80] =	vst v63  }
0x3b: {  	_ =	swait.ge [sflag:s16], $0x800  }
0x3c: {  	s23 =	sadd.s32 $0xFFFFFFFF, s23;
	[sflag:s16] =	ssyncset.done $0x0  }
.LBB2_4:
0x3d: {  	p1 =	sne.s32 s23, $0x1;
	[sflag:s16] =	ssyncadd.s32 $0xFFFFF800;
	s22 =	sadd.s32 $0x80, s22  }
.Ltmp2:
0x3e: {  	s23 =	sadd.s32 $0xFFFFFFFF, s23;
	(pc) =	sbr.rel @p1 .LBB2_4-.Ltmp2, $4  }
0x3f: {  	_ = 	snop  }
0x40: {  	[spmem:s1] =	stream.indirect.scatter.add.f32 [tilespmem:s20], [sflag:$0x1], $0x10, s22, s19, $0xb8;
	[tilespmem:$0x5F80] =	vst v63  }
0x41: {  	_ =	swait.ge [sflag:s16], $0x800  }
0x42: {  	[sflag:s16] =	ssyncset.done $0x0  }
.LBB2_5:
0x43: {  	[sflag:s16] =	ssyncadd.s32 $0xFFFFF800  }
0x44: {  	[bflag:$0x0] =	sbarrier.arrive $0xFFFF  }
0x45: {  	[tilespmem:s15], [sflag:$0x1] =	stream.linear.gather [spmem:s4], $0x800, $0x38;
	[tilespmem:$0x5F80] =	vst v63  }
0x46: {  	_ =	swait.ge [sflag:s16], $0x800  }
0x47: {  	[sflag:s16] =	ssyncset.done $0x0  }
0x48: {  	[sflag:s16] =	ssyncadd.s32 $0xFFFFF800  }
0x49: {  	[hbm4b:s9+s3] =	stream.linear.scatter [tilespmem:s15], [sflag:$0x1], $0x800, $0x38;
	[tilespmem:$0x5F80] =	vst v63  }
0x4a: {  	_ =	swait.ge [sflag:s16], $0x800  }
0x4b: {  	[sflag:s16] =	ssyncset.done $0x0  }
0x4c: {  	[sflag:s16] =	ssyncadd.s32 $0xFFFFF800  }
0x4d: {  	[tilespmem:s15], [sflag:$0x1] =	stream.linear.gather [spmem:s5], $0x800, $0x38;
	[tilespmem:$0x5F80] =	vst v63  }
0x4e: {  	_ =	swait.ge [sflag:s16], $0x800  }
0x4f: {  	[sflag:s16] =	ssyncset.done $0x0  }
0x50: {  	[sflag:s16] =	ssyncadd.s32 $0xFFFFF800  }
0x51: {  	[hbm4b:s10+s3] =	stream.linear.scatter [tilespmem:s15], [sflag:$0x1], $0x800, $0x38;
	[tilespmem:$0x5F80] =	vst v63  }
0x52: {  	_ =	swait.ge [sflag:s16], $0x800  }
0x53: {  	[sflag:s16] =	ssyncset.done $0x0  }
0x54: {  	[sflag:s16] =	ssyncadd.s32 $0xFFFFF800  }
0x55: {  	[tilespmem:s15], [sflag:$0x1] =	stream.linear.gather [spmem:s6], $0x800, $0x38;
	[tilespmem:$0x5F80] =	vst v63  }
0x56: {  	_ =	swait.ge [sflag:s16], $0x800  }
0x57: {  	[sflag:s16] =	ssyncset.done $0x0  }
0x58: {  	[sflag:s16] =	ssyncadd.s32 $0xFFFFF800  }
0x59: {  	[hbm4b:s11+s3] =	stream.linear.scatter [tilespmem:s15], [sflag:$0x1], $0x800, $0x38;
	[tilespmem:$0x5F80] =	vst v63  }
0x5a: {  	_ =	swait.ge [sflag:s16], $0x800  }
0x5b: {  	[sflag:s16] =	ssyncset.done $0x0  }
0x5c: {  	[sflag:s16] =	ssyncadd.s32 $0xFFFFF800  }
0x5d: {  	[tilespmem:s15], [sflag:$0x1] =	stream.linear.gather [spmem:s7], $0x800, $0x38;
	[tilespmem:$0x5F80] =	vst v63  }
0x5e: {  	_ =	swait.ge [sflag:s16], $0x800  }
0x5f: {  	[sflag:s16] =	ssyncset.done $0x0  }
0x60: {  	[sflag:s16] =	ssyncadd.s32 $0xFFFFF800  }
0x61: {  	[hbm4b:s12+s3] =	stream.linear.scatter [tilespmem:s15], [sflag:$0x1], $0x800, $0x38;
	[tilespmem:$0x5F80] =	vst v63  }
0x62: {  	_ =	swait.ge [sflag:s16], $0x800  }
0x63: {  	[sflag:s16] =	ssyncset.done $0x0  }
0x64: {  	[sflag:s16] =	ssyncadd.s32 $0xFFFFF800  }
0x65: {  	[tilespmem:s15], [sflag:$0x1] =	stream.linear.gather [spmem:s8], $0x800, $0x38;
	[tilespmem:$0x5F80] =	vst v63  }
0x66: {  	s21 =	sadd.s32 $0x1, s21;
	_ =	swait.ge [sflag:s16], $0x800  }
0x67: {  	p1 =	sne.s32 s21, s14;
	[sflag:s16] =	ssyncset.done $0x0  }
.Ltmp3:
0x68: {  	[sflag:s16] =	ssyncadd.s32 $0xFFFFF800;
	(pc) =	sbr.rel @p1 .LBB2_1-.Ltmp3, $4  }
0x69: {  	[hbm4b:s13+s3] =	stream.linear.scatter [tilespmem:s15], [sflag:$0x1], $0x800, $0x38;
	[tilespmem:$0x5F80] =	vst v63  }
0x6a: {  	_ =	swait.ge [sflag:s16], $0x800  }
0x6b: {  	[sflag:s16] =	ssyncset.done $0x0  }
0x6c: {  	[sflag:s16] =	ssyncadd.s32 $0xFFFFF800  }
0x6d: {  	_ =	sfence.sel $0x180000  }
0x6e: {  	[bflag:$0x0] =	sbarrier.arrive $0xFFFF  }
0x6f: {  	p0 =	sne.s32 s2, $0x0;
	_ =	strace $0x90000047  }
0x70: {  	s0 =	sadd.s32 @!p0 $0x100000, s0;
	[bflag:$0x2] =	sbarrier.arrive $0xFFFF  }
0x71: {  	[sflag:s0] =	ssyncadd.tile.s32 @!p0 $0x1;
	_ =	shalt  }
.Lfunc_end2:
_tile_overlayer_lowered:
.L_overlay_start_2:
0x72: {  	(tag) =	ssettag $0x2  }
0x73: {  	s0 =	rddreg [dreg:$0x0];
	s2 =	stileid.u32  }
0x74: {  	s1 =	rddreg [dreg:$0x1];
	p0 =	sne.s32 s2, $0x0  }
0x75: {  	s3 =	rddreg [dreg:$0x2];
	[bflag:$0x3] =	sbarrier.arrive $0xFFFF;
	s2 =	simm.s32 @!p0 $0x1C01  }
0x76: {  	[timem:s3], [sflag:s2] =	dma.local @!p0 [hbm:s0], s1  }
0x77: {  	s0 =	simm.s32 @!p0 $0x1  }
0x78: {  	_ =	swait.ge @!p0 [sflag:s0], s1  }
0x79: {  	s1 =	ssub.s32 @!p0 $0x0, s1;
	[sflag:s0] =	ssyncset.done @!p0 $0x0  }
0x7a: {  	[sflag:s0] =	ssyncadd.s32 @!p0 s1  }
0x7b: {  	[bflag:$0x3] =	sbarrier.arrive $0xFFFF  }
0x7c: {  	_ =	shalt  }

</sc_bundles>
